<compile_context>
chip_gen: v7x
topology: tpu7x:2x2x1
jax: 0.10.2.dev20260603
libtpu: 0.0.44.dev20260713+nightly
codegen_flags: <defaults>
</compile_context>

<pallas_src>
import functools

import jax
import jax.numpy as jnp
from jax import lax
from jax.experimental import pallas as pl
from jax.experimental.pallas import tpu as pltpu
from jax.experimental.pallas import tpu_sc as plsc

N_NODES = 10000
N_EDGES = 320000
D = 128

NC = 2
NS = 16
NW = NC * NS
E_PER_TILE = N_EDGES // NW
K = 100
CHUNKS = E_PER_TILE // K
HALVES = 2
HCHUNKS = CHUNKS // HALVES
KA = 48
KB = K - KA
ROWS_PER_TILE = 624
TAIL_ROW = NS * ROWS_PER_TILE
TAIL = N_NODES - TAIL_ROW


def _zero_acc(z128_hbm, acc_sh, s, row):
    pltpu.sync_copy(z128_hbm.at[pl.ds(row, ROWS_PER_TILE)],
                    acc_sh.at[pl.ds(row, ROWS_PER_TILE)])

    @pl.when(s == 0)
    def _():
        pltpu.sync_copy(z128_hbm.at[pl.ds(TAIL_ROW, TAIL)],
                        acc_sh.at[pl.ds(TAIL_ROW, TAIL)])


def _writeback(acc_sh, out_hbm, c, s, row):
    pltpu.sync_copy(acc_sh.at[pl.ds(row, ROWS_PER_TILE)],
                    out_hbm.at[c, pl.ds(row, ROWS_PER_TILE)])

    @pl.when(s == 0)
    def _():
        pltpu.sync_copy(acc_sh.at[pl.ds(TAIL_ROW, TAIL)],
                        out_hbm.at[c, pl.ds(TAIL_ROW, TAIL)])


def _sc_agg_body(with_counts, h_hbm, src4_hbm, dst4_hbm, z128_hbm,
                 ones_hbm, sums_hbm, cnts_hbm,
                 acc_sh, src_all, dst_all, rows0, rows1,
                 sg0, sg0b, sg1, sg1b, ss0, ss1):
    c = lax.axis_index("c")
    s = lax.axis_index("s")
    wid = c * NS + s
    row = s * ROWS_PER_TILE

    _zero_acc(z128_hbm, acc_sh, s, row)
    plsc.subcore_barrier()

    for half in range(HALVES):
        pltpu.sync_copy(src4_hbm.at[wid, half], src_all)
        pltpu.sync_copy(dst4_hbm.at[wid, half], dst_all)

        def gather(j, rows, sa, sb):
            pltpu.async_copy(h_hbm.at[src_all.at[j, pl.ds(0, KA)]],
                             rows.at[pl.ds(0, KA)], sa)
            pltpu.async_copy(h_hbm.at[src_all.at[j, pl.ds(KA, KB)]],
                             rows.at[pl.ds(KA, KB)], sb)

        def gwait(j, rows, sa, sb):
            pltpu.make_async_copy(h_hbm.at[src_all.at[j, pl.ds(0, KA)]],
                                  rows.at[pl.ds(0, KA)], sa).wait()
            pltpu.make_async_copy(h_hbm.at[src_all.at[j, pl.ds(KA, KB)]],
                                  rows.at[pl.ds(KA, KB)], sb).wait()

        gather(0, rows0, sg0, sg0b)
        gather(1, rows1, sg1, sg1b)

        def body(g, carry):
            j = g * 2
            gwait(j, rows0, sg0, sg0b)
            pltpu.async_copy(rows0, acc_sh.at[dst_all.at[j]], ss0,
                             add=True)
            gwait(j + 1, rows1, sg1, sg1b)
            pltpu.async_copy(rows1, acc_sh.at[dst_all.at[j + 1]], ss1,
                             add=True)
            pltpu.make_async_copy(rows0, acc_sh.at[dst_all.at[j]],
                                  ss0).wait()
            gather(j + 2, rows0, sg0, sg0b)
            pltpu.make_async_copy(rows1, acc_sh.at[dst_all.at[j + 1]],
                                  ss1).wait()
            gather(j + 3, rows1, sg1, sg1b)
            return carry

        lax.fori_loop(0, HCHUNKS // 2 - 1, body, 0)

        j = HCHUNKS - 2
        gwait(j, rows0, sg0, sg0b)
        pltpu.async_copy(rows0, acc_sh.at[dst_all.at[j]], ss0, add=True)
        gwait(j + 1, rows1, sg1, sg1b)
        pltpu.async_copy(rows1, acc_sh.at[dst_all.at[j + 1]], ss1,
                         add=True)
        pltpu.make_async_copy(rows0, acc_sh.at[dst_all.at[j]],
                              ss0).wait()
        pltpu.make_async_copy(rows1, acc_sh.at[dst_all.at[j + 1]],
                              ss1).wait()
    plsc.subcore_barrier()

    _writeback(acc_sh, sums_hbm, c, s, row)
    if not with_counts:
        return
    plsc.subcore_barrier()

    _zero_acc(z128_hbm, acc_sh, s, row)
    pltpu.sync_copy(ones_hbm, rows0)
    plsc.subcore_barrier()

    for half in range(HALVES):
        pltpu.sync_copy(dst4_hbm.at[wid, half], dst_all)
        pltpu.async_copy(rows0, acc_sh.at[dst_all.at[0]], ss0, add=True)
        pltpu.async_copy(rows0, acc_sh.at[dst_all.at[1]], ss1, add=True)

        def cbody(g, carry):
            j = g * 2
            pltpu.make_async_copy(rows0, acc_sh.at[dst_all.at[j]],
                                  ss0).wait()
            pltpu.async_copy(rows0, acc_sh.at[dst_all.at[j + 2]], ss0,
                             add=True)
            pltpu.make_async_copy(rows0, acc_sh.at[dst_all.at[j + 1]],
                                  ss1).wait()
            pltpu.async_copy(rows0, acc_sh.at[dst_all.at[j + 3]], ss1,
                             add=True)
            return carry

        lax.fori_loop(0, HCHUNKS // 2 - 1, cbody, 0)
        pltpu.make_async_copy(rows0, acc_sh.at[dst_all.at[HCHUNKS - 2]],
                              ss0).wait()
        pltpu.make_async_copy(rows0, acc_sh.at[dst_all.at[HCHUNKS - 1]],
                              ss1).wait()
    plsc.subcore_barrier()

    _writeback(acc_sh, cnts_hbm, c, s, row)


@functools.cache
def _sc_kernel(with_counts):
    mesh = plsc.VectorSubcoreMesh(core_axis_name="c", subcore_axis_name="s",
                                  num_cores=NC, num_subcores=NS)
    if with_counts:
        body = functools.partial(_sc_agg_body, True)
    else:
        def body(h, s4, d4, z, o, sums, *scratch):
            _sc_agg_body(False, h, s4, d4, z, o, sums, None, *scratch)
    out_type = [jax.ShapeDtypeStruct((NC, N_NODES, D), jnp.float32),
                jax.ShapeDtypeStruct((NC, N_NODES, D), jnp.float32)]
    if not with_counts:
        out_type = out_type[:1]
    return pl.kernel(
        body,
        out_type=tuple(out_type),
        mesh=mesh,
        scratch_types=[
            pltpu.VMEM_SHARED((N_NODES, D), jnp.float32),
            pltpu.VMEM((HCHUNKS, K), jnp.int32),
            pltpu.VMEM((HCHUNKS, K), jnp.int32),
            pltpu.VMEM((K, D), jnp.float32),
            pltpu.VMEM((K, D), jnp.float32),
            pltpu.SemaphoreType.DMA,
            pltpu.SemaphoreType.DMA,
            pltpu.SemaphoreType.DMA,
            pltpu.SemaphoreType.DMA,
            pltpu.SemaphoreType.DMA,
            pltpu.SemaphoreType.DMA,
        ],
        name="sage_sc_aggregate_cnt" if with_counts else "sage_sc_aggregate",
    )


ROW_BLK = 1000
GRID = N_NODES // ROW_BLK


def _tc_dense_kernel(s_ref, c_ref, h_ref, wl_ref, b_ref, wr_ref, o_ref):
    summed = s_ref[0] + s_ref[1]
    cnt = c_ref[0, :, 0:1] + c_ref[1, :, 0:1]
    mean = summed / jnp.maximum(cnt, 1.0)
    h = h_ref[...]
    z = (jnp.dot(mean, wl_ref[...], preferred_element_type=jnp.float32)
         + jnp.dot(h, wr_ref[...], preferred_element_type=jnp.float32)
         + b_ref[...])
    o_ref[...] = jnp.where(z > 0, z, jnp.exp(jnp.minimum(z, 0.0)) - 1.0)


def _tc_dense(sums, cnts, h, W_l, b, W_r):
    return pl.pallas_call(
        _tc_dense_kernel,
        grid=(GRID,),
        in_specs=[
            pl.BlockSpec((NC, ROW_BLK, D), lambda i: (0, i, 0)),
            pl.BlockSpec((NC, ROW_BLK, D), lambda i: (0, i, 0)),
            pl.BlockSpec((ROW_BLK, D), lambda i: (i, 0)),
            pl.BlockSpec((D, D), lambda i: (0, 0)),
            pl.BlockSpec((1, D), lambda i: (0, 0)),
            pl.BlockSpec((D, D), lambda i: (0, 0)),
        ],
        out_specs=pl.BlockSpec((ROW_BLK, D), lambda i: (i, 0)),
        out_shape=jax.ShapeDtypeStruct((N_NODES, D), jnp.float32),
    )(sums, cnts, h, W_l, b, W_r)


def _tc_logsoftmax_kernel(h_ref, o_ref):
    z = h_ref[...]
    m = jnp.max(z, axis=1, keepdims=True)
    lse = m + jnp.log(jnp.sum(jnp.exp(z - m), axis=1, keepdims=True))
    o_ref[...] = z - lse


def _tc_logsoftmax(h):
    return pl.pallas_call(
        _tc_logsoftmax_kernel,
        grid=(GRID,),
        in_specs=[pl.BlockSpec((ROW_BLK, D), lambda i: (i, 0))],
        out_specs=pl.BlockSpec((ROW_BLK, D), lambda i: (i, 0)),
        out_shape=jax.ShapeDtypeStruct((N_NODES, D), jnp.float32),
    )(h)


def kernel(x, edge_index, W_l1, b1, W_r1, W_l2, b2, W_r2):
    src4 = edge_index[0].reshape(NW, HALVES, HCHUNKS, K)
    dst4 = edge_index[1].reshape(NW, HALVES, HCHUNKS, K)
    z128 = jnp.zeros((N_NODES, D), jnp.float32)
    ones128 = jnp.ones((K, D), jnp.float32)

    agg_cnt = _sc_kernel(True)
    agg = _sc_kernel(False)

    sums1, cnts = agg_cnt(x, src4, dst4, z128, ones128)
    h1 = _tc_dense(sums1, cnts, x, W_l1, b1.reshape(1, D), W_r1)
    (sums2,) = agg(h1, src4, dst4, z128, ones128)
    h2 = _tc_dense(sums2, cnts, h1, W_l2, b2.reshape(1, D), W_r2)
    return _tc_logsoftmax(h2)

# --- scband reference (transcript-rebuilt; emitter-appended) ---
"""Pipeline reference for scband-sage-special-37194416783909 (READ-ONLY COPY).

The authoritative reference and input builder live on the scoring server;
editing this copy changes nothing except your own understanding.
"""

import jax, jax.numpy as jnp
import numpy as np

N_NODES = 10000
N_EDGES = 320000
D_IN = 128
D_H = 128
D_OUT = 128


def setup_inputs(seed: int = 0) -> dict:
    key = jax.random.key(seed)
    ks = jax.random.split(key, 8)
    x = jax.random.normal(ks[0], (N_NODES, D_IN), dtype=jnp.float32)
    edge_index = jax.random.randint(ks[1], (2, N_EDGES), 0, N_NODES, dtype=jnp.int64 if jax.config.jax_enable_x64 else jnp.int32).astype(jnp.int32)
    s1 = 1.0 / np.sqrt(D_IN)
    s2 = 1.0 / np.sqrt(D_H)
    W_l1 = jax.random.normal(ks[2], (D_IN, D_H), dtype=jnp.float32) * s1
    b1 = jnp.zeros((D_H,), dtype=jnp.float32)
    W_r1 = jax.random.normal(ks[3], (D_IN, D_H), dtype=jnp.float32) * s1
    W_l2 = jax.random.normal(ks[4], (D_H, D_OUT), dtype=jnp.float32) * s2
    b2 = jnp.zeros((D_OUT,), dtype=jnp.float32)
    W_r2 = jax.random.normal(ks[5], (D_H, D_OUT), dtype=jnp.float32) * s2
    return {"x": x, "edge_index": edge_index, "W_l1": W_l1, "b1": b1, "W_r1": W_r1, "W_l2": W_l2, "b2": b2, "W_r2": W_r2}


def _sage_conv(h, edge_index, W_l, b_l, W_r):
    # PyG SAGEConv (mean aggr): out = lin_l(mean_{j->i} h_j) + lin_r(h_i)
    src = edge_index[0]
    dst = edge_index[1]
    msgs = jnp.take(h, src, axis=0)                      # gather
    summed = jax.ops.segment_sum(msgs, dst, num_segments=N_NODES)   # scatter-add
    cnt = jax.ops.segment_sum(jnp.ones((src.shape[0],), dtype=h.dtype), dst, num_segments=N_NODES)
    mean = summed / jnp.clip(cnt, 1.0, None)[:, None]
    return mean @ W_l + b_l + h @ W_r


def reference(x, edge_index, W_l1, b1, W_r1, W_l2, b2, W_r2):
    # layer 1 (dropout p=0 -> identity)
    h = _sage_conv(x, edge_index, W_l1, b1, W_r1)
    h = jax.nn.elu(h)
    # layer 2
    h = _sage_conv(h, edge_index, W_l2, b2, W_r2)
    h = jax.nn.elu(h)
    # no skip connections
    return jax.nn.log_softmax(h, axis=1)

if __name__ == "__main__":
    import jax
    _d = setup_inputs()
    print(jax.jit(kernel)(*tuple(_d.values())))

</pallas_src>

<mosaic_0001>
#map = affine_map<(d0, d1) -> (0, 0)>
#map1 = affine_map<(d0, d1) -> (0, 0, 0, 0)>
#map2 = affine_map<(d0, d1) -> (0, 0, 0)>
module attributes {stable_mosaic.version = 14 : i64} {
  func.func @sage_sc_aggregate_cnt(%arg0: i32, %arg1: i32, %arg2: memref<10000x128xf32, #tpu.memory_space<hbm>>, %arg3: memref<32x2x50x100xi32, #tpu.memory_space<hbm>>, %arg4: memref<32x2x50x100xi32, #tpu.memory_space<hbm>>, %arg5: memref<10000x128xf32, #tpu.memory_space<hbm>>, %arg6: memref<100x128xf32, #tpu.memory_space<hbm>>, %arg7: memref<2x10000x128xf32, #tpu.memory_space<hbm>>, %arg8: memref<2x10000x128xf32, #tpu.memory_space<hbm>>, %arg9: memref<10000x128xf32, #tpu.memory_space<vmem_shared>>, %arg10: memref<50x100xi32, #tpu.memory_space<vmem>>, %arg11: memref<50x100xi32, #tpu.memory_space<vmem>>, %arg12: memref<100x128xf32, #tpu.memory_space<vmem>>, %arg13: memref<100x128xf32, #tpu.memory_space<vmem>>, %arg14: memref<!tpu.dma_semaphore, #tpu.memory_space<semaphore_mem>>, %arg15: memref<!tpu.dma_semaphore, #tpu.memory_space<semaphore_mem>>, %arg16: memref<!tpu.dma_semaphore, #tpu.memory_space<semaphore_mem>>, %arg17: memref<!tpu.dma_semaphore, #tpu.memory_space<semaphore_mem>>, %arg18: memref<!tpu.dma_semaphore, #tpu.memory_space<semaphore_mem>>, %arg19: memref<!tpu.dma_semaphore, #tpu.memory_space<semaphore_mem>>) attributes {dimension_semantics = [#tpu.dimension_semantics<core_parallel>, #tpu.dimension_semantics<subcore_parallel>], iteration_bounds = array<i64: 2, 16>, scalar_prefetch = 0 : i64, scratch_operands = 11 : i64, tpu.core_type = #tpu.core_type<sc_vector_subcore>, window_params = [{transform_indices = #map}, {transform_indices = #map1}, {transform_indices = #map1}, {transform_indices = #map}, {transform_indices = #map}, {transform_indices = #map2}, {transform_indices = #map2}]} {
    %mul3A = arith.constant 16 : i32
    %mul3A_0 = arith.muli %arg0, %mul3A : i32
    %add3A = arith.addi %mul3A_0, %arg1 : i32
    %mul3A_1 = arith.constant 624 : i32
    %mul3A_2 = arith.muli %arg1, %mul3A_1 : i32
    "tpu.region"() ({
      %run_scoped3A_322 = tpu.sem_alloc : memref<!tpu.dma_semaphore, #tpu.memory_space<semaphore_mem>>
      %dma_start3A_323 = arith.constant 0 : i32
      %dma_start3A_324 = tpu.memref_slice %arg9[%mul3A_2, %dma_start3A_323] : memref<10000x128xf32, #tpu.memory_space<vmem_shared>> -> memref<624x128xf32, #tpu.memory_space<vmem_shared>>
      %dma_start3A_325 = arith.constant 0 : i32
      %dma_start3A_326 = tpu.memref_slice %arg5[%mul3A_2, %dma_start3A_325] : memref<10000x128xf32, #tpu.memory_space<hbm>> -> memref<624x128xf32, #tpu.memory_space<hbm>>
      tpu.enqueue_dma source(%dma_start3A_326 : memref<624x128xf32, #tpu.memory_space<hbm>>) target(%dma_start3A_324 : memref<624x128xf32, #tpu.memory_space<vmem_shared>>) target_semaphore(%run_scoped3A_322 : memref<!tpu.dma_semaphore, #tpu.memory_space<semaphore_mem>>)
      %dma_wait3A_327 = arith.constant 0 : i32
      %dma_wait3A_328 = tpu.memref_slice %arg9[%mul3A_2, %dma_wait3A_327] : memref<10000x128xf32, #tpu.memory_space<vmem_shared>> -> memref<624x128xf32, #tpu.memory_space<vmem_shared>>
      %dma_wait3A_329 = arith.constant 0 : i32
      %dma_wait3A_330 = tpu.memref_slice %arg5[%mul3A_2, %dma_wait3A_329] : memref<10000x128xf32, #tpu.memory_space<hbm>> -> memref<624x128xf32, #tpu.memory_space<hbm>>
      tpu.wait_dma2 semaphore(%run_scoped3A_322 : memref<!tpu.dma_semaphore, #tpu.memory_space<semaphore_mem>>) src(%dma_wait3A_330 : memref<624x128xf32, #tpu.memory_space<hbm>>) dst(%dma_wait3A_328 : memref<624x128xf32, #tpu.memory_space<vmem_shared>>)
      tpu.yield
    }) : () -> ()
    %eq3A = arith.constant 0 : i32
    %eq3A_3 = arith.cmpi eq, %arg1, %eq3A : i32
    %convert_element_type3A = arith.extui %eq3A_3 : i1 to i32
    %cond3A = arith.constant 0 : i32
    %cond3A_4 = arith.cmpi ne, %convert_element_type3A, %cond3A : i32
    scf.if %cond3A_4 {
      "tpu.region"() ({
        %run_scoped3A_322 = tpu.sem_alloc : memref<!tpu.dma_semaphore, #tpu.memory_space<semaphore_mem>>
        %dma_start3A_323 = arith.constant 9984 : i32
        %dma_start3A_324 = arith.constant 0 : i32
        %dma_start3A_325 = tpu.memref_slice %arg9[%dma_start3A_323, %dma_start3A_324] : memref<10000x128xf32, #tpu.memory_space<vmem_shared>> -> memref<16x128xf32, #tpu.memory_space<vmem_shared>>
        %dma_start3A_326 = arith.constant 9984 : i32
        %dma_start3A_327 = arith.constant 0 : i32
        %dma_start3A_328 = tpu.memref_slice %arg5[%dma_start3A_326, %dma_start3A_327] : memref<10000x128xf32, #tpu.memory_space<hbm>> -> memref<16x128xf32, #tpu.memory_space<hbm>>
        tpu.enqueue_dma source(%dma_start3A_328 : memref<16x128xf32, #tpu.memory_space<hbm>>) target(%dma_start3A_325 : memref<16x128xf32, #tpu.memory_space<vmem_shared>>) target_semaphore(%run_scoped3A_322 : memref<!tpu.dma_semaphore, #tpu.memory_space<semaphore_mem>>)
        %dma_wait3A_329 = arith.constant 9984 : i32
        %dma_wait3A_330 = arith.constant 0 : i32
        %dma_wait3A_331 = tpu.memref_slice %arg9[%dma_wait3A_329, %dma_wait3A_330] : memref<10000x128xf32, #tpu.memory_space<vmem_shared>> -> memref<16x128xf32, #tpu.memory_space<vmem_shared>>
        %dma_wait3A_332 = arith.constant 9984 : i32
        %dma_wait3A_333 = arith.constant 0 : i32
        %dma_wait3A_334 = tpu.memref_slice %arg5[%dma_wait3A_332, %dma_wait3A_333] : memref<10000x128xf32, #tpu.memory_space<hbm>> -> memref<16x128xf32, #tpu.memory_space<hbm>>
        tpu.wait_dma2 semaphore(%run_scoped3A_322 : memref<!tpu.dma_semaphore, #tpu.memory_space<semaphore_mem>>) src(%dma_wait3A_334 : memref<16x128xf32, #tpu.memory_space<hbm>>) dst(%dma_wait3A_331 : memref<16x128xf32, #tpu.memory_space<vmem_shared>>)
        tpu.yield
      }) : () -> ()
    } else {
    }
    %barrier3A = arith.constant 0 : index
    tpu.barrier barrier_id(%barrier3A)
    %run_scoped3A = arith.constant 0 : i32
    "tpu.region"() ({
      %run_scoped3A_322 = tpu.sem_alloc : memref<!tpu.dma_semaphore, #tpu.memory_space<semaphore_mem>>
      %dma_start3A_323 = arith.constant 0 : i32
      %dma_start3A_324 = arith.constant 0 : i32
      %dma_start3A_325 = tpu.memref_slice %arg3[%add3A, %run_scoped3A, %dma_start3A_323, %dma_start3A_324] : memref<32x2x50x100xi32, #tpu.memory_space<hbm>> -> memref<1x1x50x100xi32, #tpu.memory_space<hbm>>
      %dma_start3A_326 = tpu.memref_squeeze %dma_start3A_325 : memref<1x1x50x100xi32, #tpu.memory_space<hbm>> -> memref<50x100xi32, #tpu.memory_space<hbm>>
      %dma_start3A_327 = arith.constant 0 : i32
      %dma_start3A_328 = arith.constant 0 : i32
      %dma_start3A_329 = tpu.memref_slice %arg3[%add3A, %run_scoped3A, %dma_start3A_327, %dma_start3A_328] : memref<32x2x50x100xi32, #tpu.memory_space<hbm>> -> memref<1x1x50x100xi32, #tpu.memory_space<hbm>>
      %dma_start3A_330 = tpu.memref_squeeze %dma_start3A_329 : memref<1x1x50x100xi32, #tpu.memory_space<hbm>> -> memref<50x100xi32, #tpu.memory_space<hbm>>
      tpu.enqueue_dma source(%dma_start3A_330 : memref<50x100xi32, #tpu.memory_space<hbm>>) target(%arg10 : memref<50x100xi32, #tpu.memory_space<vmem>>) target_semaphore(%run_scoped3A_322 : memref<!tpu.dma_semaphore, #tpu.memory_space<semaphore_mem>>)
      %dma_wait3A_331 = arith.constant 0 : i32
      %dma_wait3A_332 = arith.constant 0 : i32
      %dma_wait3A_333 = tpu.memref_slice %arg3[%add3A, %run_scoped3A, %dma_wait3A_331, %dma_wait3A_332] : memref<32x2x50x100xi32, #tpu.memory_space<hbm>> -> memref<1x1x50x100xi32, #tpu.memory_space<hbm>>
      %dma_wait3A_334 = tpu.memref_squeeze %dma_wait3A_333 : memref<1x1x50x100xi32, #tpu.memory_space<hbm>> -> memref<50x100xi32, #tpu.memory_space<hbm>>
      %dma_wait3A_335 = arith.constant 0 : i32
      %dma_wait3A_336 = arith.constant 0 : i32
      %dma_wait3A_337 = tpu.memref_slice %arg3[%add3A, %run_scoped3A, %dma_wait3A_335, %dma_wait3A_336] : memref<32x2x50x100xi32, #tpu.memory_space<hbm>> -> memref<1x1x50x100xi32, #tpu.memory_space<hbm>>
      %dma_wait3A_338 = tpu.memref_squeeze %dma_wait3A_337 : memref<1x1x50x100xi32, #tpu.memory_space<hbm>> -> memref<50x100xi32, #tpu.memory_space<hbm>>
      tpu.wait_dma2 semaphore(%run_scoped3A_322 : memref<!tpu.dma_semaphore, #tpu.memory_space<semaphore_mem>>) src(%dma_wait3A_338 : memref<50x100xi32, #tpu.memory_space<hbm>>) dst(%arg10 : memref<50x100xi32, #tpu.memory_space<vmem>>)
      tpu.yield
    }) : () -> ()
    %run_scoped3A_5 = arith.constant 0 : i32
    "tpu.region"() ({
      %run_scoped3A_322 = tpu.sem_alloc : memref<!tpu.dma_semaphore, #tpu.memory_space<semaphore_mem>>
      %dma_start3A_323 = arith.constant 0 : i32
      %dma_start3A_324 = arith.constant 0 : i32
      %dma_start3A_325 = tpu.memref_slice %arg4[%add3A, %run_scoped3A_5, %dma_start3A_323, %dma_start3A_324] : memref<32x2x50x100xi32, #tpu.memory_space<hbm>> -> memref<1x1x50x100xi32, #tpu.memory_space<hbm>>
      %dma_start3A_326 = tpu.memref_squeeze %dma_start3A_325 : memref<1x1x50x100xi32, #tpu.memory_space<hbm>> -> memref<50x100xi32, #tpu.memory_space<hbm>>
      %dma_start3A_327 = arith.constant 0 : i32
      %dma_start3A_328 = arith.constant 0 : i32
      %dma_start3A_329 = tpu.memref_slice %arg4[%add3A, %run_scoped3A_5, %dma_start3A_327, %dma_start3A_328] : memref<32x2x50x100xi32, #tpu.memory_space<hbm>> -> memref<1x1x50x100xi32, #tpu.memory_space<hbm>>
      %dma_start3A_330 = tpu.memref_squeeze %dma_start3A_329 : memref<1x1x50x100xi32, #tpu.memory_space<hbm>> -> memref<50x100xi32, #tpu.memory_space<hbm>>
      tpu.enqueue_dma source(%dma_start3A_330 : memref<50x100xi32, #tpu.memory_space<hbm>>) target(%arg11 : memref<50x100xi32, #tpu.memory_space<vmem>>) target_semaphore(%run_scoped3A_322 : memref<!tpu.dma_semaphore, #tpu.memory_space<semaphore_mem>>)
      %dma_wait3A_331 = arith.constant 0 : i32
      %dma_wait3A_332 = arith.constant 0 : i32
      %dma_wait3A_333 = tpu.memref_slice %arg4[%add3A, %run_scoped3A_5, %dma_wait3A_331, %dma_wait3A_332] : memref<32x2x50x100xi32, #tpu.memory_space<hbm>> -> memref<1x1x50x100xi32, #tpu.memory_space<hbm>>
      %dma_wait3A_334 = tpu.memref_squeeze %dma_wait3A_333 : memref<1x1x50x100xi32, #tpu.memory_space<hbm>> -> memref<50x100xi32, #tpu.memory_space<hbm>>
      %dma_wait3A_335 = arith.constant 0 : i32
      %dma_wait3A_336 = arith.constant 0 : i32
      %dma_wait3A_337 = tpu.memref_slice %arg4[%add3A, %run_scoped3A_5, %dma_wait3A_335, %dma_wait3A_336] : memref<32x2x50x100xi32, #tpu.memory_space<hbm>> -> memref<1x1x50x100xi32, #tpu.memory_space<hbm>>
      %dma_wait3A_338 = tpu.memref_squeeze %dma_wait3A_337 : memref<1x1x50x100xi32, #tpu.memory_space<hbm>> -> memref<50x100xi32, #tpu.memory_space<hbm>>
      tpu.wait_dma2 semaphore(%run_scoped3A_322 : memref<!tpu.dma_semaphore, #tpu.memory_space<semaphore_mem>>) src(%dma_wait3A_338 : memref<50x100xi32, #tpu.memory_space<hbm>>) dst(%arg11 : memref<50x100xi32, #tpu.memory_space<vmem>>)
      tpu.yield
    }) : () -> ()
    %dma_start3A = arith.constant 0 : i32
    %dma_start3A_6 = arith.constant 0 : i32
    %dma_start3A_7 = arith.constant 0 : i32
    %dma_start3A_8 = tpu.memref_slice %arg12[%dma_start3A_6, %dma_start3A_7] : memref<100x128xf32, #tpu.memory_space<vmem>> -> memref<48x128xf32, #tpu.memory_space<vmem>>
    %dma_start3A_9 = arith.constant 0 : i32
    %dma_start3A_10 = tpu.memref_slice %arg10[%dma_start3A, %dma_start3A_9] : memref<50x100xi32, #tpu.memory_space<vmem>> -> memref<1x48xi32, #tpu.memory_space<vmem>>
    %dma_start3A_11 = tpu.memref_squeeze %dma_start3A_10 : memref<1x48xi32, #tpu.memory_space<vmem>> -> memref<48xi32, #tpu.memory_space<vmem>>
    %dma_start3A_12 = arith.constant 0 : i32
    %dma_start3A_13 = arith.constant 0 : i32
    %dma_start3A_14 = tpu.memref_slice %arg2[%dma_start3A_12, %dma_start3A_13] : memref<10000x128xf32, #tpu.memory_space<hbm>> -> memref<10000x128xf32, #tpu.memory_space<hbm>>
    tpu.enqueue_indirect_dma source(%dma_start3A_14 : memref<10000x128xf32, #tpu.memory_space<hbm>>) target(%dma_start3A_8 : memref<48x128xf32, #tpu.memory_space<vmem>>) offsets(%dma_start3A_11 : memref<48xi32, #tpu.memory_space<vmem>>) semaphore(%arg14 : memref<!tpu.dma_semaphore, #tpu.memory_space<semaphore_mem>>)
    %dma_start3A_15 = arith.constant 0 : i32
    %dma_start3A_16 = arith.constant 48 : i32
    %dma_start3A_17 = arith.constant 0 : i32
    %dma_start3A_18 = tpu.memref_slice %arg12[%dma_start3A_16, %dma_start3A_17] : memref<100x128xf32, #tpu.memory_space<vmem>> -> memref<52x128xf32, #tpu.memory_space<vmem>>
    %dma_start3A_19 = arith.constant 48 : i32
    %dma_start3A_20 = tpu.memref_slice %arg10[%dma_start3A_15, %dma_start3A_19] : memref<50x100xi32, #tpu.memory_space<vmem>> -> memref<1x52xi32, #tpu.memory_space<vmem>>
    %dma_start3A_21 = tpu.memref_squeeze %dma_start3A_20 : memref<1x52xi32, #tpu.memory_space<vmem>> -> memref<52xi32, #tpu.memory_space<vmem>>
    %dma_start3A_22 = arith.constant 0 : i32
    %dma_start3A_23 = arith.constant 0 : i32
    %dma_start3A_24 = tpu.memref_slice %arg2[%dma_start3A_22, %dma_start3A_23] : memref<10000x128xf32, #tpu.memory_space<hbm>> -> memref<10000x128xf32, #tpu.memory_space<hbm>>
    tpu.enqueue_indirect_dma source(%dma_start3A_24 : memref<10000x128xf32, #tpu.memory_space<hbm>>) target(%dma_start3A_18 : memref<52x128xf32, #tpu.memory_space<vmem>>) offsets(%dma_start3A_21 : memref<52xi32, #tpu.memory_space<vmem>>) semaphore(%arg15 : memref<!tpu.dma_semaphore, #tpu.memory_space<semaphore_mem>>)
    %dma_start3A_25 = arith.constant 1 : i32
    %dma_start3A_26 = arith.constant 0 : i32
    %dma_start3A_27 = arith.constant 0 : i32
    %dma_start3A_28 = tpu.memref_slice %arg13[%dma_start3A_26, %dma_start3A_27] : memref<100x128xf32, #tpu.memory_space<vmem>> -> memref<48x128xf32, #tpu.memory_space<vmem>>
    %dma_start3A_29 = arith.constant 0 : i32
    %dma_start3A_30 = tpu.memref_slice %arg10[%dma_start3A_25, %dma_start3A_29] : memref<50x100xi32, #tpu.memory_space<vmem>> -> memref<1x48xi32, #tpu.memory_space<vmem>>
    %dma_start3A_31 = tpu.memref_squeeze %dma_start3A_30 : memref<1x48xi32, #tpu.memory_space<vmem>> -> memref<48xi32, #tpu.memory_space<vmem>>
    %dma_start3A_32 = arith.constant 0 : i32
    %dma_start3A_33 = arith.constant 0 : i32
    %dma_start3A_34 = tpu.memref_slice %arg2[%dma_start3A_32, %dma_start3A_33] : memref<10000x128xf32, #tpu.memory_space<hbm>> -> memref<10000x128xf32, #tpu.memory_space<hbm>>
    tpu.enqueue_indirect_dma source(%dma_start3A_34 : memref<10000x128xf32, #tpu.memory_space<hbm>>) target(%dma_start3A_28 : memref<48x128xf32, #tpu.memory_space<vmem>>) offsets(%dma_start3A_31 : memref<48xi32, #tpu.memory_space<vmem>>) semaphore(%arg16 : memref<!tpu.dma_semaphore, #tpu.memory_space<semaphore_mem>>)
    %dma_start3A_35 = arith.constant 1 : i32
    %dma_start3A_36 = arith.constant 48 : i32
    %dma_start3A_37 = arith.constant 0 : i32
    %dma_start3A_38 = tpu.memref_slice %arg13[%dma_start3A_36, %dma_start3A_37] : memref<100x128xf32, #tpu.memory_space<vmem>> -> memref<52x128xf32, #tpu.memory_space<vmem>>
    %dma_start3A_39 = arith.constant 48 : i32
    %dma_start3A_40 = tpu.memref_slice %arg10[%dma_start3A_35, %dma_start3A_39] : memref<50x100xi32, #tpu.memory_space<vmem>> -> memref<1x52xi32, #tpu.memory_space<vmem>>
    %dma_start3A_41 = tpu.memref_squeeze %dma_start3A_40 : memref<1x52xi32, #tpu.memory_space<vmem>> -> memref<52xi32, #tpu.memory_space<vmem>>
    %dma_start3A_42 = arith.constant 0 : i32
    %dma_start3A_43 = arith.constant 0 : i32
    %dma_start3A_44 = tpu.memref_slice %arg2[%dma_start3A_42, %dma_start3A_43] : memref<10000x128xf32, #tpu.memory_space<hbm>> -> memref<10000x128xf32, #tpu.memory_space<hbm>>
    tpu.enqueue_indirect_dma source(%dma_start3A_44 : memref<10000x128xf32, #tpu.memory_space<hbm>>) target(%dma_start3A_38 : memref<52x128xf32, #tpu.memory_space<vmem>>) offsets(%dma_start3A_41 : memref<52xi32, #tpu.memory_space<vmem>>) semaphore(%arg17 : memref<!tpu.dma_semaphore, #tpu.memory_space<semaphore_mem>>)
    %scan3A = arith.constant 0 : i32
    %scan3A_45 = arith.constant 0 : i32
    %scan3A_46 = arith.constant 24 : i32
    %scan3A_47 = arith.addi %scan3A_45, %scan3A_46 : i32
    %scan3A_48 = arith.constant 1 : i32
    scf.for %scan3A_322 = %scan3A_45 to %scan3A_47 step %scan3A_48  : i32 {
      %mul3A_323 = arith.constant 2 : i32
      %mul3A_324 = arith.muli %scan3A_322, %mul3A_323 : i32
      %dma_wait3A_325 = arith.constant 0 : i32
      %dma_wait3A_326 = arith.constant 0 : i32
      %dma_wait3A_327 = tpu.memref_slice %arg12[%dma_wait3A_325, %dma_wait3A_326] : memref<100x128xf32, #tpu.memory_space<vmem>> -> memref<48x128xf32, #tpu.memory_space<vmem>>
      %dma_wait3A_328 = arith.constant 0 : i32
      %dma_wait3A_329 = tpu.memref_slice %arg10[%mul3A_324, %dma_wait3A_328] : memref<50x100xi32, #tpu.memory_space<vmem>> -> memref<1x48xi32, #tpu.memory_space<vmem>>
      %dma_wait3A_330 = tpu.memref_squeeze %dma_wait3A_329 : memref<1x48xi32, #tpu.memory_space<vmem>> -> memref<48xi32, #tpu.memory_space<vmem>>
      %dma_wait3A_331 = arith.constant 0 : i32
      %dma_wait3A_332 = arith.constant 0 : i32
      %dma_wait3A_333 = tpu.memref_slice %arg2[%dma_wait3A_331, %dma_wait3A_332] : memref<10000x128xf32, #tpu.memory_space<hbm>> -> memref<10000x128xf32, #tpu.memory_space<hbm>>
      tpu.wait_indirect_dma semaphore(%arg14 : memref<!tpu.dma_semaphore, #tpu.memory_space<semaphore_mem>>) src(%dma_wait3A_333 : memref<10000x128xf32, #tpu.memory_space<hbm>>) dst(%dma_wait3A_327 : memref<48x128xf32, #tpu.memory_space<vmem>>)
      %dma_wait3A_334 = arith.constant 48 : i32
      %dma_wait3A_335 = arith.constant 0 : i32
      %dma_wait3A_336 = tpu.memref_slice %arg12[%dma_wait3A_334, %dma_wait3A_335] : memref<100x128xf32, #tpu.memory_space<vmem>> -> memref<52x128xf32, #tpu.memory_space<vmem>>
      %dma_wait3A_337 = arith.constant 48 : i32
      %dma_wait3A_338 = tpu.memref_slice %arg10[%mul3A_324, %dma_wait3A_337] : memref<50x100xi32, #tpu.memory_space<vmem>> -> memref<1x52xi32, #tpu.memory_space<vmem>>
      %dma_wait3A_339 = tpu.memref_squeeze %dma_wait3A_338 : memref<1x52xi32, #tpu.memory_space<vmem>> -> memref<52xi32, #tpu.memory_space<vmem>>
      %dma_wait3A_340 = arith.constant 0 : i32
      %dma_wait3A_341 = arith.constant 0 : i32
      %dma_wait3A_342 = tpu.memref_slice %arg2[%dma_wait3A_340, %dma_wait3A_341] : memref<10000x128xf32, #tpu.memory_space<hbm>> -> memref<10000x128xf32, #tpu.memory_space<hbm>>
      tpu.wait_indirect_dma semaphore(%arg15 : memref<!tpu.dma_semaphore, #tpu.memory_space<semaphore_mem>>) src(%dma_wait3A_342 : memref<10000x128xf32, #tpu.memory_space<hbm>>) dst(%dma_wait3A_336 : memref<52x128xf32, #tpu.memory_space<vmem>>)
      %dma_start3A_343 = arith.constant 0 : i32
      %dma_start3A_344 = tpu.memref_slice %arg11[%mul3A_324, %dma_start3A_343] : memref<50x100xi32, #tpu.memory_space<vmem>> -> memref<1x100xi32, #tpu.memory_space<vmem>>
      %dma_start3A_345 = tpu.memref_squeeze %dma_start3A_344 : memref<1x100xi32, #tpu.memory_space<vmem>> -> memref<100xi32, #tpu.memory_space<vmem>>
      %dma_start3A_346 = arith.constant 0 : i32
      %dma_start3A_347 = arith.constant 0 : i32
      %dma_start3A_348 = tpu.memref_slice %arg9[%dma_start3A_346, %dma_start3A_347] : memref<10000x128xf32, #tpu.memory_space<vmem_shared>> -> memref<10000x128xf32, #tpu.memory_space<vmem_shared>>
      tpu.enqueue_indirect_dma source(%arg12 : memref<100x128xf32, #tpu.memory_space<vmem>>) target(%dma_start3A_348 : memref<10000x128xf32, #tpu.memory_space<vmem_shared>>) offsets(%dma_start3A_345 : memref<100xi32, #tpu.memory_space<vmem>>) semaphore(%arg18 : memref<!tpu.dma_semaphore, #tpu.memory_space<semaphore_mem>>) {add = true}
      %add3A_349 = arith.constant 1 : i32
      %add3A_350 = arith.addi %mul3A_324, %add3A_349 : i32
      %dma_wait3A_351 = arith.constant 0 : i32
      %dma_wait3A_352 = arith.constant 0 : i32
      %dma_wait3A_353 = tpu.memref_slice %arg13[%dma_wait3A_351, %dma_wait3A_352] : memref<100x128xf32, #tpu.memory_space<vmem>> -> memref<48x128xf32, #tpu.memory_space<vmem>>
      %dma_wait3A_354 = arith.constant 0 : i32
      %dma_wait3A_355 = tpu.memref_slice %arg10[%add3A_350, %dma_wait3A_354] : memref<50x100xi32, #tpu.memory_space<vmem>> -> memref<1x48xi32, #tpu.memory_space<vmem>>
      %dma_wait3A_356 = tpu.memref_squeeze %dma_wait3A_355 : memref<1x48xi32, #tpu.memory_space<vmem>> -> memref<48xi32, #tpu.memory_space<vmem>>
      %dma_wait3A_357 = arith.constant 0 : i32
      %dma_wait3A_358 = arith.constant 0 : i32
      %dma_wait3A_359 = tpu.memref_slice %arg2[%dma_wait3A_357, %dma_wait3A_358] : memref<10000x128xf32, #tpu.memory_space<hbm>> -> memref<10000x128xf32, #tpu.memory_space<hbm>>
      tpu.wait_indirect_dma semaphore(%arg16 : memref<!tpu.dma_semaphore, #tpu.memory_space<semaphore_mem>>) src(%dma_wait3A_359 : memref<10000x128xf32, #tpu.memory_space<hbm>>) dst(%dma_wait3A_353 : memref<48x128xf32, #tpu.memory_space<vmem>>)
      %dma_wait3A_360 = arith.constant 48 : i32
      %dma_wait3A_361 = arith.constant 0 : i32
      %dma_wait3A_362 = tpu.memref_slice %arg13[%dma_wait3A_360, %dma_wait3A_361] : memref<100x128xf32, #tpu.memory_space<vmem>> -> memref<52x128xf32, #tpu.memory_space<vmem>>
      %dma_wait3A_363 = arith.constant 48 : i32
      %dma_wait3A_364 = tpu.memref_slice %arg10[%add3A_350, %dma_wait3A_363] : memref<50x100xi32, #tpu.memory_space<vmem>> -> memref<1x52xi32, #tpu.memory_space<vmem>>
      %dma_wait3A_365 = tpu.memref_squeeze %dma_wait3A_364 : memref<1x52xi32, #tpu.memory_space<vmem>> -> memref<52xi32, #tpu.memory_space<vmem>>
      %dma_wait3A_366 = arith.constant 0 : i32
      %dma_wait3A_367 = arith.constant 0 : i32
      %dma_wait3A_368 = tpu.memref_slice %arg2[%dma_wait3A_366, %dma_wait3A_367] : memref<10000x128xf32, #tpu.memory_space<hbm>> -> memref<10000x128xf32, #tpu.memory_space<hbm>>
      tpu.wait_indirect_dma semaphore(%arg17 : memref<!tpu.dma_semaphore, #tpu.memory_space<semaphore_mem>>) src(%dma_wait3A_368 : memref<10000x128xf32, #tpu.memory_space<hbm>>) dst(%dma_wait3A_362 : memref<52x128xf32, #tpu.memory_space<vmem>>)
      %add3A_369 = arith.constant 1 : i32
      %add3A_370 = arith.addi %mul3A_324, %add3A_369 : i32
      %dma_start3A_371 = arith.constant 0 : i32
      %dma_start3A_372 = tpu.memref_slice %arg11[%add3A_370, %dma_start3A_371] : memref<50x100xi32, #tpu.memory_space<vmem>> -> memref<1x100xi32, #tpu.memory_space<vmem>>
      %dma_start3A_373 = tpu.memref_squeeze %dma_start3A_372 : memref<1x100xi32, #tpu.memory_space<vmem>> -> memref<100xi32, #tpu.memory_space<vmem>>
      %dma_start3A_374 = arith.constant 0 : i32
      %dma_start3A_375 = arith.constant 0 : i32
      %dma_start3A_376 = tpu.memref_slice %arg9[%dma_start3A_374, %dma_start3A_375] : memref<10000x128xf32, #tpu.memory_space<vmem_shared>> -> memref<10000x128xf32, #tpu.memory_space<vmem_shared>>
      tpu.enqueue_indirect_dma source(%arg13 : memref<100x128xf32, #tpu.memory_space<vmem>>) target(%dma_start3A_376 : memref<10000x128xf32, #tpu.memory_space<vmem_shared>>) offsets(%dma_start3A_373 : memref<100xi32, #tpu.memory_space<vmem>>) semaphore(%arg19 : memref<!tpu.dma_semaphore, #tpu.memory_space<semaphore_mem>>) {add = true}
      %dma_wait3A_377 = arith.constant 0 : i32
      %dma_wait3A_378 = tpu.memref_slice %arg11[%mul3A_324, %dma_wait3A_377] : memref<50x100xi32, #tpu.memory_space<vmem>> -> memref<1x100xi32, #tpu.memory_space<vmem>>
      %dma_wait3A_379 = tpu.memref_squeeze %dma_wait3A_378 : memref<1x100xi32, #tpu.memory_space<vmem>> -> memref<100xi32, #tpu.memory_space<vmem>>
      %dma_wait3A_380 = arith.constant 0 : i32
      %dma_wait3A_381 = arith.constant 0 : i32
      %dma_wait3A_382 = tpu.memref_slice %arg9[%dma_wait3A_380, %dma_wait3A_381] : memref<10000x128xf32, #tpu.memory_space<vmem_shared>> -> memref<10000x128xf32, #tpu.memory_space<vmem_shared>>
      tpu.wait_indirect_dma semaphore(%arg18 : memref<!tpu.dma_semaphore, #tpu.memory_space<semaphore_mem>>) src(%arg12 : memref<100x128xf32, #tpu.memory_space<vmem>>) dst(%dma_wait3A_382 : memref<10000x128xf32, #tpu.memory_space<vmem_shared>>)
      %add3A_383 = arith.constant 2 : i32
      %add3A_384 = arith.addi %mul3A_324, %add3A_383 : i32
      %dma_start3A_385 = arith.constant 0 : i32
      %dma_start3A_386 = arith.constant 0 : i32
      %dma_start3A_387 = tpu.memref_slice %arg12[%dma_start3A_385, %dma_start3A_386] : memref<100x128xf32, #tpu.memory_space<vmem>> -> memref<48x128xf32, #tpu.memory_space<vmem>>
      %dma_start3A_388 = arith.constant 0 : i32
      %dma_start3A_389 = tpu.memref_slice %arg10[%add3A_384, %dma_start3A_388] : memref<50x100xi32, #tpu.memory_space<vmem>> -> memref<1x48xi32, #tpu.memory_space<vmem>>
      %dma_start3A_390 = tpu.memref_squeeze %dma_start3A_389 : memref<1x48xi32, #tpu.memory_space<vmem>> -> memref<48xi32, #tpu.memory_space<vmem>>
      %dma_start3A_391 = arith.constant 0 : i32
      %dma_start3A_392 = arith.constant 0 : i32
      %dma_start3A_393 = tpu.memref_slice %arg2[%dma_start3A_391, %dma_start3A_392] : memref<10000x128xf32, #tpu.memory_space<hbm>> -> memref<10000x128xf32, #tpu.memory_space<hbm>>
      tpu.enqueue_indirect_dma source(%dma_start3A_393 : memref<10000x128xf32, #tpu.memory_space<hbm>>) target(%dma_start3A_387 : memref<48x128xf32, #tpu.memory_space<vmem>>) offsets(%dma_start3A_390 : memref<48xi32, #tpu.memory_space<vmem>>) semaphore(%arg14 : memref<!tpu.dma_semaphore, #tpu.memory_space<semaphore_mem>>)
      %dma_start3A_394 = arith.constant 48 : i32
      %dma_start3A_395 = arith.constant 0 : i32
      %dma_start3A_396 = tpu.memref_slice %arg12[%dma_start3A_394, %dma_start3A_395] : memref<100x128xf32, #tpu.memory_space<vmem>> -> memref<52x128xf32, #tpu.memory_space<vmem>>
      %dma_start3A_397 = arith.constant 48 : i32
      %dma_start3A_398 = tpu.memref_slice %arg10[%add3A_384, %dma_start3A_397] : memref<50x100xi32, #tpu.memory_space<vmem>> -> memref<1x52xi32, #tpu.memory_space<vmem>>
      %dma_start3A_399 = tpu.memref_squeeze %dma_start3A_398 : memref<1x52xi32, #tpu.memory_space<vmem>> -> memref<52xi32, #tpu.memory_space<vmem>>
      %dma_start3A_400 = arith.constant 0 : i32
      %dma_start3A_401 = arith.constant 0 : i32
      %dma_start3A_402 = tpu.memref_slice %arg2[%dma_start3A_400, %dma_start3A_401] : memref<10000x128xf32, #tpu.memory_space<hbm>> -> memref<10000x128xf32, #tpu.memory_space<hbm>>
      tpu.enqueue_indirect_dma source(%dma_start3A_402 : memref<10000x128xf32, #tpu.memory_space<hbm>>) target(%dma_start3A_396 : memref<52x128xf32, #tpu.memory_space<vmem>>) offsets(%dma_start3A_399 : memref<52xi32, #tpu.memory_space<vmem>>) semaphore(%arg15 : memref<!tpu.dma_semaphore, #tpu.memory_space<semaphore_mem>>)
      %add3A_403 = arith.constant 1 : i32
      %add3A_404 = arith.addi %mul3A_324, %add3A_403 : i32
      %dma_wait3A_405 = arith.constant 0 : i32
      %dma_wait3A_406 = tpu.memref_slice %arg11[%add3A_404, %dma_wait3A_405] : memref<50x100xi32, #tpu.memory_space<vmem>> -> memref<1x100xi32, #tpu.memory_space<vmem>>
      %dma_wait3A_407 = tpu.memref_squeeze %dma_wait3A_406 : memref<1x100xi32, #tpu.memory_space<vmem>> -> memref<100xi32, #tpu.memory_space<vmem>>
      %dma_wait3A_408 = arith.constant 0 : i32
      %dma_wait3A_409 = arith.constant 0 : i32
      %dma_wait3A_410 = tpu.memref_slice %arg9[%dma_wait3A_408, %dma_wait3A_409] : memref<10000x128xf32, #tpu.memory_space<vmem_shared>> -> memref<10000x128xf32, #tpu.memory_space<vmem_shared>>
      tpu.wait_indirect_dma semaphore(%arg19 : memref<!tpu.dma_semaphore, #tpu.memory_space<semaphore_mem>>) src(%arg13 : memref<100x128xf32, #tpu.memory_space<vmem>>) dst(%dma_wait3A_410 : memref<10000x128xf32, #tpu.memory_space<vmem_shared>>)
      %add3A_411 = arith.constant 3 : i32
      %add3A_412 = arith.addi %mul3A_324, %add3A_411 : i32
      %dma_start3A_413 = arith.constant 0 : i32
      %dma_start3A_414 = arith.constant 0 : i32
      %dma_start3A_415 = tpu.memref_slice %arg13[%dma_start3A_413, %dma_start3A_414] : memref<100x128xf32, #tpu.memory_space<vmem>> -> memref<48x128xf32, #tpu.memory_space<vmem>>
      %dma_start3A_416 = arith.constant 0 : i32
      %dma_start3A_417 = tpu.memref_slice %arg10[%add3A_412, %dma_start3A_416] : memref<50x100xi32, #tpu.memory_space<vmem>> -> memref<1x48xi32, #tpu.memory_space<vmem>>
      %dma_start3A_418 = tpu.memref_squeeze %dma_start3A_417 : memref<1x48xi32, #tpu.memory_space<vmem>> -> memref<48xi32, #tpu.memory_space<vmem>>
      %dma_start3A_419 = arith.constant 0 : i32
      %dma_start3A_420 = arith.constant 0 : i32
      %dma_start3A_421 = tpu.memref_slice %arg2[%dma_start3A_419, %dma_start3A_420] : memref<10000x128xf32, #tpu.memory_space<hbm>> -> memref<10000x128xf32, #tpu.memory_space<hbm>>
      tpu.enqueue_indirect_dma source(%dma_start3A_421 : memref<10000x128xf32, #tpu.memory_space<hbm>>) target(%dma_start3A_415 : memref<48x128xf32, #tpu.memory_space<vmem>>) offsets(%dma_start3A_418 : memref<48xi32, #tpu.memory_space<vmem>>) semaphore(%arg16 : memref<!tpu.dma_semaphore, #tpu.memory_space<semaphore_mem>>)
      %dma_start3A_422 = arith.constant 48 : i32
      %dma_start3A_423 = arith.constant 0 : i32
      %dma_start3A_424 = tpu.memref_slice %arg13[%dma_start3A_422, %dma_start3A_423] : memref<100x128xf32, #tpu.memory_space<vmem>> -> memref<52x128xf32, #tpu.memory_space<vmem>>
      %dma_start3A_425 = arith.constant 48 : i32
      %dma_start3A_426 = tpu.memref_slice %arg10[%add3A_412, %dma_start3A_425] : memref<50x100xi32, #tpu.memory_space<vmem>> -> memref<1x52xi32, #tpu.memory_space<vmem>>
      %dma_start3A_427 = tpu.memref_squeeze %dma_start3A_426 : memref<1x52xi32, #tpu.memory_space<vmem>> -> memref<52xi32, #tpu.memory_space<vmem>>
      %dma_start3A_428 = arith.constant 0 : i32
      %dma_start3A_429 = arith.constant 0 : i32
      %dma_start3A_430 = tpu.memref_slice %arg2[%dma_start3A_428, %dma_start3A_429] : memref<10000x128xf32, #tpu.memory_space<hbm>> -> memref<10000x128xf32, #tpu.memory_space<hbm>>
      tpu.enqueue_indirect_dma source(%dma_start3A_430 : memref<10000x128xf32, #tpu.memory_space<hbm>>) target(%dma_start3A_424 : memref<52x128xf32, #tpu.memory_space<vmem>>) offsets(%dma_start3A_427 : memref<52xi32, #tpu.memory_space<vmem>>) semaphore(%arg17 : memref<!tpu.dma_semaphore, #tpu.memory_space<semaphore_mem>>)
    }
    %scan3A_49 = arith.constant 24 : i32
    %dma_wait3A = arith.constant 48 : i32
    %dma_wait3A_50 = arith.constant 0 : i32
    %dma_wait3A_51 = arith.constant 0 : i32
    %dma_wait3A_52 = tpu.memref_slice %arg12[%dma_wait3A_50, %dma_wait3A_51] : memref<100x128xf32, #tpu.memory_space<vmem>> -> memref<48x128xf32, #tpu.memory_space<vmem>>
    %dma_wait3A_53 = arith.constant 0 : i32
    %dma_wait3A_54 = tpu.memref_slice %arg10[%dma_wait3A, %dma_wait3A_53] : memref<50x100xi32, #tpu.memory_space<vmem>> -> memref<1x48xi32, #tpu.memory_space<vmem>>
    %dma_wait3A_55 = tpu.memref_squeeze %dma_wait3A_54 : memref<1x48xi32, #tpu.memory_space<vmem>> -> memref<48xi32, #tpu.memory_space<vmem>>
    %dma_wait3A_56 = arith.constant 0 : i32
    %dma_wait3A_57 = arith.constant 0 : i32
    %dma_wait3A_58 = tpu.memref_slice %arg2[%dma_wait3A_56, %dma_wait3A_57] : memref<10000x128xf32, #tpu.memory_space<hbm>> -> memref<10000x128xf32, #tpu.memory_space<hbm>>
    tpu.wait_indirect_dma semaphore(%arg14 : memref<!tpu.dma_semaphore, #tpu.memory_space<semaphore_mem>>) src(%dma_wait3A_58 : memref<10000x128xf32, #tpu.memory_space<hbm>>) dst(%dma_wait3A_52 : memref<48x128xf32, #tpu.memory_space<vmem>>)
    %dma_wait3A_59 = arith.constant 48 : i32
    %dma_wait3A_60 = arith.constant 48 : i32
    %dma_wait3A_61 = arith.constant 0 : i32
    %dma_wait3A_62 = tpu.memref_slice %arg12[%dma_wait3A_60, %dma_wait3A_61] : memref<100x128xf32, #tpu.memory_space<vmem>> -> memref<52x128xf32, #tpu.memory_space<vmem>>
    %dma_wait3A_63 = arith.constant 48 : i32
    %dma_wait3A_64 = tpu.memref_slice %arg10[%dma_wait3A_59, %dma_wait3A_63] : memref<50x100xi32, #tpu.memory_space<vmem>> -> memref<1x52xi32, #tpu.memory_space<vmem>>
    %dma_wait3A_65 = tpu.memref_squeeze %dma_wait3A_64 : memref<1x52xi32, #tpu.memory_space<vmem>> -> memref<52xi32, #tpu.memory_space<vmem>>
    %dma_wait3A_66 = arith.constant 0 : i32
    %dma_wait3A_67 = arith.constant 0 : i32
    %dma_wait3A_68 = tpu.memref_slice %arg2[%dma_wait3A_66, %dma_wait3A_67] : memref<10000x128xf32, #tpu.memory_space<hbm>> -> memref<10000x128xf32, #tpu.memory_space<hbm>>
    tpu.wait_indirect_dma semaphore(%arg15 : memref<!tpu.dma_semaphore, #tpu.memory_space<semaphore_mem>>) src(%dma_wait3A_68 : memref<10000x128xf32, #tpu.memory_space<hbm>>) dst(%dma_wait3A_62 : memref<52x128xf32, #tpu.memory_space<vmem>>)
    %dma_start3A_69 = arith.constant 48 : i32
    %dma_start3A_70 = arith.constant 0 : i32
    %dma_start3A_71 = tpu.memref_slice %arg11[%dma_start3A_69, %dma_start3A_70] : memref<50x100xi32, #tpu.memory_space<vmem>> -> memref<1x100xi32, #tpu.memory_space<vmem>>
    %dma_start3A_72 = tpu.memref_squeeze %dma_start3A_71 : memref<1x100xi32, #tpu.memory_space<vmem>> -> memref<100xi32, #tpu.memory_space<vmem>>
    %dma_start3A_73 = arith.constant 0 : i32
    %dma_start3A_74 = arith.constant 0 : i32
    %dma_start3A_75 = tpu.memref_slice %arg9[%dma_start3A_73, %dma_start3A_74] : memref<10000x128xf32, #tpu.memory_space<vmem_shared>> -> memref<10000x128xf32, #tpu.memory_space<vmem_shared>>
    tpu.enqueue_indirect_dma source(%arg12 : memref<100x128xf32, #tpu.memory_space<vmem>>) target(%dma_start3A_75 : memref<10000x128xf32, #tpu.memory_space<vmem_shared>>) offsets(%dma_start3A_72 : memref<100xi32, #tpu.memory_space<vmem>>) semaphore(%arg18 : memref<!tpu.dma_semaphore, #tpu.memory_space<semaphore_mem>>) {add = true}
    %dma_wait3A_76 = arith.constant 49 : i32
    %dma_wait3A_77 = arith.constant 0 : i32
    %dma_wait3A_78 = arith.constant 0 : i32
    %dma_wait3A_79 = tpu.memref_slice %arg13[%dma_wait3A_77, %dma_wait3A_78] : memref<100x128xf32, #tpu.memory_space<vmem>> -> memref<48x128xf32, #tpu.memory_space<vmem>>
    %dma_wait3A_80 = arith.constant 0 : i32
    %dma_wait3A_81 = tpu.memref_slice %arg10[%dma_wait3A_76, %dma_wait3A_80] : memref<50x100xi32, #tpu.memory_space<vmem>> -> memref<1x48xi32, #tpu.memory_space<vmem>>
    %dma_wait3A_82 = tpu.memref_squeeze %dma_wait3A_81 : memref<1x48xi32, #tpu.memory_space<vmem>> -> memref<48xi32, #tpu.memory_space<vmem>>
    %dma_wait3A_83 = arith.constant 0 : i32
    %dma_wait3A_84 = arith.constant 0 : i32
    %dma_wait3A_85 = tpu.memref_slice %arg2[%dma_wait3A_83, %dma_wait3A_84] : memref<10000x128xf32, #tpu.memory_space<hbm>> -> memref<10000x128xf32, #tpu.memory_space<hbm>>
    tpu.wait_indirect_dma semaphore(%arg16 : memref<!tpu.dma_semaphore, #tpu.memory_space<semaphore_mem>>) src(%dma_wait3A_85 : memref<10000x128xf32, #tpu.memory_space<hbm>>) dst(%dma_wait3A_79 : memref<48x128xf32, #tpu.memory_space<vmem>>)
    %dma_wait3A_86 = arith.constant 49 : i32
    %dma_wait3A_87 = arith.constant 48 : i32
    %dma_wait3A_88 = arith.constant 0 : i32
    %dma_wait3A_89 = tpu.memref_slice %arg13[%dma_wait3A_87, %dma_wait3A_88] : memref<100x128xf32, #tpu.memory_space<vmem>> -> memref<52x128xf32, #tpu.memory_space<vmem>>
    %dma_wait3A_90 = arith.constant 48 : i32
    %dma_wait3A_91 = tpu.memref_slice %arg10[%dma_wait3A_86, %dma_wait3A_90] : memref<50x100xi32, #tpu.memory_space<vmem>> -> memref<1x52xi32, #tpu.memory_space<vmem>>
    %dma_wait3A_92 = tpu.memref_squeeze %dma_wait3A_91 : memref<1x52xi32, #tpu.memory_space<vmem>> -> memref<52xi32, #tpu.memory_space<vmem>>
    %dma_wait3A_93 = arith.constant 0 : i32
    %dma_wait3A_94 = arith.constant 0 : i32
    %dma_wait3A_95 = tpu.memref_slice %arg2[%dma_wait3A_93, %dma_wait3A_94] : memref<10000x128xf32, #tpu.memory_space<hbm>> -> memref<10000x128xf32, #tpu.memory_space<hbm>>
    tpu.wait_indirect_dma semaphore(%arg17 : memref<!tpu.dma_semaphore, #tpu.memory_space<semaphore_mem>>) src(%dma_wait3A_95 : memref<10000x128xf32, #tpu.memory_space<hbm>>) dst(%dma_wait3A_89 : memref<52x128xf32, #tpu.memory_space<vmem>>)
    %dma_start3A_96 = arith.constant 49 : i32
    %dma_start3A_97 = arith.constant 0 : i32
    %dma_start3A_98 = tpu.memref_slice %arg11[%dma_start3A_96, %dma_start3A_97] : memref<50x100xi32, #tpu.memory_space<vmem>> -> memref<1x100xi32, #tpu.memory_space<vmem>>
    %dma_start3A_99 = tpu.memref_squeeze %dma_start3A_98 : memref<1x100xi32, #tpu.memory_space<vmem>> -> memref<100xi32, #tpu.memory_space<vmem>>
    %dma_start3A_100 = arith.constant 0 : i32
    %dma_start3A_101 = arith.constant 0 : i32
    %dma_start3A_102 = tpu.memref_slice %arg9[%dma_start3A_100, %dma_start3A_101] : memref<10000x128xf32, #tpu.memory_space<vmem_shared>> -> memref<10000x128xf32, #tpu.memory_space<vmem_shared>>
    tpu.enqueue_indirect_dma source(%arg13 : memref<100x128xf32, #tpu.memory_space<vmem>>) target(%dma_start3A_102 : memref<10000x128xf32, #tpu.memory_space<vmem_shared>>) offsets(%dma_start3A_99 : memref<100xi32, #tpu.memory_space<vmem>>) semaphore(%arg19 : memref<!tpu.dma_semaphore, #tpu.memory_space<semaphore_mem>>) {add = true}
    %dma_wait3A_103 = arith.constant 48 : i32
    %dma_wait3A_104 = arith.constant 0 : i32
    %dma_wait3A_105 = tpu.memref_slice %arg11[%dma_wait3A_103, %dma_wait3A_104] : memref<50x100xi32, #tpu.memory_space<vmem>> -> memref<1x100xi32, #tpu.memory_space<vmem>>
    %dma_wait3A_106 = tpu.memref_squeeze %dma_wait3A_105 : memref<1x100xi32, #tpu.memory_space<vmem>> -> memref<100xi32, #tpu.memory_space<vmem>>
    %dma_wait3A_107 = arith.constant 0 : i32
    %dma_wait3A_108 = arith.constant 0 : i32
    %dma_wait3A_109 = tpu.memref_slice %arg9[%dma_wait3A_107, %dma_wait3A_108] : memref<10000x128xf32, #tpu.memory_space<vmem_shared>> -> memref<10000x128xf32, #tpu.memory_space<vmem_shared>>
    tpu.wait_indirect_dma semaphore(%arg18 : memref<!tpu.dma_semaphore, #tpu.memory_space<semaphore_mem>>) src(%arg12 : memref<100x128xf32, #tpu.memory_space<vmem>>) dst(%dma_wait3A_109 : memref<10000x128xf32, #tpu.memory_space<vmem_shared>>)
    %dma_wait3A_110 = arith.constant 49 : i32
    %dma_wait3A_111 = arith.constant 0 : i32
    %dma_wait3A_112 = tpu.memref_slice %arg11[%dma_wait3A_110, %dma_wait3A_111] : memref<50x100xi32, #tpu.memory_space<vmem>> -> memref<1x100xi32, #tpu.memory_space<vmem>>
    %dma_wait3A_113 = tpu.memref_squeeze %dma_wait3A_112 : memref<1x100xi32, #tpu.memory_space<vmem>> -> memref<100xi32, #tpu.memory_space<vmem>>
    %dma_wait3A_114 = arith.constant 0 : i32
    %dma_wait3A_115 = arith.constant 0 : i32
    %dma_wait3A_116 = tpu.memref_slice %arg9[%dma_wait3A_114, %dma_wait3A_115] : memref<10000x128xf32, #tpu.memory_space<vmem_shared>> -> memref<10000x128xf32, #tpu.memory_space<vmem_shared>>
    tpu.wait_indirect_dma semaphore(%arg19 : memref<!tpu.dma_semaphore, #tpu.memory_space<semaphore_mem>>) src(%arg13 : memref<100x128xf32, #tpu.memory_space<vmem>>) dst(%dma_wait3A_116 : memref<10000x128xf32, #tpu.memory_space<vmem_shared>>)
    %run_scoped3A_117 = arith.constant 1 : i32
    "tpu.region"() ({
      %run_scoped3A_322 = tpu.sem_alloc : memref<!tpu.dma_semaphore, #tpu.memory_space<semaphore_mem>>
      %dma_start3A_323 = arith.constant 0 : i32
      %dma_start3A_324 = arith.constant 0 : i32
      %dma_start3A_325 = tpu.memref_slice %arg3[%add3A, %run_scoped3A_117, %dma_start3A_323, %dma_start3A_324] : memref<32x2x50x100xi32, #tpu.memory_space<hbm>> -> memref<1x1x50x100xi32, #tpu.memory_space<hbm>>
      %dma_start3A_326 = tpu.memref_squeeze %dma_start3A_325 : memref<1x1x50x100xi32, #tpu.memory_space<hbm>> -> memref<50x100xi32, #tpu.memory_space<hbm>>
      %dma_start3A_327 = arith.constant 0 : i32
      %dma_start3A_328 = arith.constant 0 : i32
      %dma_start3A_329 = tpu.memref_slice %arg3[%add3A, %run_scoped3A_117, %dma_start3A_327, %dma_start3A_328] : memref<32x2x50x100xi32, #tpu.memory_space<hbm>> -> memref<1x1x50x100xi32, #tpu.memory_space<hbm>>
      %dma_start3A_330 = tpu.memref_squeeze %dma_start3A_329 : memref<1x1x50x100xi32, #tpu.memory_space<hbm>> -> memref<50x100xi32, #tpu.memory_space<hbm>>
      tpu.enqueue_dma source(%dma_start3A_330 : memref<50x100xi32, #tpu.memory_space<hbm>>) target(%arg10 : memref<50x100xi32, #tpu.memory_space<vmem>>) target_semaphore(%run_scoped3A_322 : memref<!tpu.dma_semaphore, #tpu.memory_space<semaphore_mem>>)
      %dma_wait3A_331 = arith.constant 0 : i32
      %dma_wait3A_332 = arith.constant 0 : i32
      %dma_wait3A_333 = tpu.memref_slice %arg3[%add3A, %run_scoped3A_117, %dma_wait3A_331, %dma_wait3A_332] : memref<32x2x50x100xi32, #tpu.memory_space<hbm>> -> memref<1x1x50x100xi32, #tpu.memory_space<hbm>>
      %dma_wait3A_334 = tpu.memref_squeeze %dma_wait3A_333 : memref<1x1x50x100xi32, #tpu.memory_space<hbm>> -> memref<50x100xi32, #tpu.memory_space<hbm>>
      %dma_wait3A_335 = arith.constant 0 : i32
      %dma_wait3A_336 = arith.constant 0 : i32
      %dma_wait3A_337 = tpu.memref_slice %arg3[%add3A, %run_scoped3A_117, %dma_wait3A_335, %dma_wait3A_336] : memref<32x2x50x100xi32, #tpu.memory_space<hbm>> -> memref<1x1x50x100xi32, #tpu.memory_space<hbm>>
      %dma_wait3A_338 = tpu.memref_squeeze %dma_wait3A_337 : memref<1x1x50x100xi32, #tpu.memory_space<hbm>> -> memref<50x100xi32, #tpu.memory_space<hbm>>
      tpu.wait_dma2 semaphore(%run_scoped3A_322 : memref<!tpu.dma_semaphore, #tpu.memory_space<semaphore_mem>>) src(%dma_wait3A_338 : memref<50x100xi32, #tpu.memory_space<hbm>>) dst(%arg10 : memref<50x100xi32, #tpu.memory_space<vmem>>)
      tpu.yield
    }) : () -> ()
    %run_scoped3A_118 = arith.constant 1 : i32
    "tpu.region"() ({
      %run_scoped3A_322 = tpu.sem_alloc : memref<!tpu.dma_semaphore, #tpu.memory_space<semaphore_mem>>
      %dma_start3A_323 = arith.constant 0 : i32
      %dma_start3A_324 = arith.constant 0 : i32
      %dma_start3A_325 = tpu.memref_slice %arg4[%add3A, %run_scoped3A_118, %dma_start3A_323, %dma_start3A_324] : memref<32x2x50x100xi32, #tpu.memory_space<hbm>> -> memref<1x1x50x100xi32, #tpu.memory_space<hbm>>
      %dma_start3A_326 = tpu.memref_squeeze %dma_start3A_325 : memref<1x1x50x100xi32, #tpu.memory_space<hbm>> -> memref<50x100xi32, #tpu.memory_space<hbm>>
      %dma_start3A_327 = arith.constant 0 : i32
      %dma_start3A_328 = arith.constant 0 : i32
      %dma_start3A_329 = tpu.memref_slice %arg4[%add3A, %run_scoped3A_118, %dma_start3A_327, %dma_start3A_328] : memref<32x2x50x100xi32, #tpu.memory_space<hbm>> -> memref<1x1x50x100xi32, #tpu.memory_space<hbm>>
      %dma_start3A_330 = tpu.memref_squeeze %dma_start3A_329 : memref<1x1x50x100xi32, #tpu.memory_space<hbm>> -> memref<50x100xi32, #tpu.memory_space<hbm>>
      tpu.enqueue_dma source(%dma_start3A_330 : memref<50x100xi32, #tpu.memory_space<hbm>>) target(%arg11 : memref<50x100xi32, #tpu.memory_space<vmem>>) target_semaphore(%run_scoped3A_322 : memref<!tpu.dma_semaphore, #tpu.memory_space<semaphore_mem>>)
      %dma_wait3A_331 = arith.constant 0 : i32
      %dma_wait3A_332 = arith.constant 0 : i32
      %dma_wait3A_333 = tpu.memref_slice %arg4[%add3A, %run_scoped3A_118, %dma_wait3A_331, %dma_wait3A_332] : memref<32x2x50x100xi32, #tpu.memory_space<hbm>> -> memref<1x1x50x100xi32, #tpu.memory_space<hbm>>
      %dma_wait3A_334 = tpu.memref_squeeze %dma_wait3A_333 : memref<1x1x50x100xi32, #tpu.memory_space<hbm>> -> memref<50x100xi32, #tpu.memory_space<hbm>>
      %dma_wait3A_335 = arith.constant 0 : i32
      %dma_wait3A_336 = arith.constant 0 : i32
      %dma_wait3A_337 = tpu.memref_slice %arg4[%add3A, %run_scoped3A_118, %dma_wait3A_335, %dma_wait3A_336] : memref<32x2x50x100xi32, #tpu.memory_space<hbm>> -> memref<1x1x50x100xi32, #tpu.memory_space<hbm>>
      %dma_wait3A_338 = tpu.memref_squeeze %dma_wait3A_337 : memref<1x1x50x100xi32, #tpu.memory_space<hbm>> -> memref<50x100xi32, #tpu.memory_space<hbm>>
      tpu.wait_dma2 semaphore(%run_scoped3A_322 : memref<!tpu.dma_semaphore, #tpu.memory_space<semaphore_mem>>) src(%dma_wait3A_338 : memref<50x100xi32, #tpu.memory_space<hbm>>) dst(%arg11 : memref<50x100xi32, #tpu.memory_space<vmem>>)
      tpu.yield
    }) : () -> ()
    %dma_start3A_119 = arith.constant 0 : i32
    %dma_start3A_120 = arith.constant 0 : i32
    %dma_start3A_121 = arith.constant 0 : i32
    %dma_start3A_122 = tpu.memref_slice %arg12[%dma_start3A_120, %dma_start3A_121] : memref<100x128xf32, #tpu.memory_space<vmem>> -> memref<48x128xf32, #tpu.memory_space<vmem>>
    %dma_start3A_123 = arith.constant 0 : i32
    %dma_start3A_124 = tpu.memref_slice %arg10[%dma_start3A_119, %dma_start3A_123] : memref<50x100xi32, #tpu.memory_space<vmem>> -> memref<1x48xi32, #tpu.memory_space<vmem>>
    %dma_start3A_125 = tpu.memref_squeeze %dma_start3A_124 : memref<1x48xi32, #tpu.memory_space<vmem>> -> memref<48xi32, #tpu.memory_space<vmem>>
    %dma_start3A_126 = arith.constant 0 : i32
    %dma_start3A_127 = arith.constant 0 : i32
    %dma_start3A_128 = tpu.memref_slice %arg2[%dma_start3A_126, %dma_start3A_127] : memref<10000x128xf32, #tpu.memory_space<hbm>> -> memref<10000x128xf32, #tpu.memory_space<hbm>>
    tpu.enqueue_indirect_dma source(%dma_start3A_128 : memref<10000x128xf32, #tpu.memory_space<hbm>>) target(%dma_start3A_122 : memref<48x128xf32, #tpu.memory_space<vmem>>) offsets(%dma_start3A_125 : memref<48xi32, #tpu.memory_space<vmem>>) semaphore(%arg14 : memref<!tpu.dma_semaphore, #tpu.memory_space<semaphore_mem>>)
    %dma_start3A_129 = arith.constant 0 : i32
    %dma_start3A_130 = arith.constant 48 : i32
    %dma_start3A_131 = arith.constant 0 : i32
    %dma_start3A_132 = tpu.memref_slice %arg12[%dma_start3A_130, %dma_start3A_131] : memref<100x128xf32, #tpu.memory_space<vmem>> -> memref<52x128xf32, #tpu.memory_space<vmem>>
    %dma_start3A_133 = arith.constant 48 : i32
    %dma_start3A_134 = tpu.memref_slice %arg10[%dma_start3A_129, %dma_start3A_133] : memref<50x100xi32, #tpu.memory_space<vmem>> -> memref<1x52xi32, #tpu.memory_space<vmem>>
    %dma_start3A_135 = tpu.memref_squeeze %dma_start3A_134 : memref<1x52xi32, #tpu.memory_space<vmem>> -> memref<52xi32, #tpu.memory_space<vmem>>
    %dma_start3A_136 = arith.constant 0 : i32
    %dma_start3A_137 = arith.constant 0 : i32
    %dma_start3A_138 = tpu.memref_slice %arg2[%dma_start3A_136, %dma_start3A_137] : memref<10000x128xf32, #tpu.memory_space<hbm>> -> memref<10000x128xf32, #tpu.memory_space<hbm>>
    tpu.enqueue_indirect_dma source(%dma_start3A_138 : memref<10000x128xf32, #tpu.memory_space<hbm>>) target(%dma_start3A_132 : memref<52x128xf32, #tpu.memory_space<vmem>>) offsets(%dma_start3A_135 : memref<52xi32, #tpu.memory_space<vmem>>) semaphore(%arg15 : memref<!tpu.dma_semaphore, #tpu.memory_space<semaphore_mem>>)
    %dma_start3A_139 = arith.constant 1 : i32
    %dma_start3A_140 = arith.constant 0 : i32
    %dma_start3A_141 = arith.constant 0 : i32
    %dma_start3A_142 = tpu.memref_slice %arg13[%dma_start3A_140, %dma_start3A_141] : memref<100x128xf32, #tpu.memory_space<vmem>> -> memref<48x128xf32, #tpu.memory_space<vmem>>
    %dma_start3A_143 = arith.constant 0 : i32
    %dma_start3A_144 = tpu.memref_slice %arg10[%dma_start3A_139, %dma_start3A_143] : memref<50x100xi32, #tpu.memory_space<vmem>> -> memref<1x48xi32, #tpu.memory_space<vmem>>
    %dma_start3A_145 = tpu.memref_squeeze %dma_start3A_144 : memref<1x48xi32, #tpu.memory_space<vmem>> -> memref<48xi32, #tpu.memory_space<vmem>>
    %dma_start3A_146 = arith.constant 0 : i32
    %dma_start3A_147 = arith.constant 0 : i32
    %dma_start3A_148 = tpu.memref_slice %arg2[%dma_start3A_146, %dma_start3A_147] : memref<10000x128xf32, #tpu.memory_space<hbm>> -> memref<10000x128xf32, #tpu.memory_space<hbm>>
    tpu.enqueue_indirect_dma source(%dma_start3A_148 : memref<10000x128xf32, #tpu.memory_space<hbm>>) target(%dma_start3A_142 : memref<48x128xf32, #tpu.memory_space<vmem>>) offsets(%dma_start3A_145 : memref<48xi32, #tpu.memory_space<vmem>>) semaphore(%arg16 : memref<!tpu.dma_semaphore, #tpu.memory_space<semaphore_mem>>)
    %dma_start3A_149 = arith.constant 1 : i32
    %dma_start3A_150 = arith.constant 48 : i32
    %dma_start3A_151 = arith.constant 0 : i32
    %dma_start3A_152 = tpu.memref_slice %arg13[%dma_start3A_150, %dma_start3A_151] : memref<100x128xf32, #tpu.memory_space<vmem>> -> memref<52x128xf32, #tpu.memory_space<vmem>>
    %dma_start3A_153 = arith.constant 48 : i32
    %dma_start3A_154 = tpu.memref_slice %arg10[%dma_start3A_149, %dma_start3A_153] : memref<50x100xi32, #tpu.memory_space<vmem>> -> memref<1x52xi32, #tpu.memory_space<vmem>>
    %dma_start3A_155 = tpu.memref_squeeze %dma_start3A_154 : memref<1x52xi32, #tpu.memory_space<vmem>> -> memref<52xi32, #tpu.memory_space<vmem>>
    %dma_start3A_156 = arith.constant 0 : i32
    %dma_start3A_157 = arith.constant 0 : i32
    %dma_start3A_158 = tpu.memref_slice %arg2[%dma_start3A_156, %dma_start3A_157] : memref<10000x128xf32, #tpu.memory_space<hbm>> -> memref<10000x128xf32, #tpu.memory_space<hbm>>
    tpu.enqueue_indirect_dma source(%dma_start3A_158 : memref<10000x128xf32, #tpu.memory_space<hbm>>) target(%dma_start3A_152 : memref<52x128xf32, #tpu.memory_space<vmem>>) offsets(%dma_start3A_155 : memref<52xi32, #tpu.memory_space<vmem>>) semaphore(%arg17 : memref<!tpu.dma_semaphore, #tpu.memory_space<semaphore_mem>>)
    %scan3A_159 = arith.constant 0 : i32
    %scan3A_160 = arith.constant 0 : i32
    %scan3A_161 = arith.constant 24 : i32
    %scan3A_162 = arith.addi %scan3A_160, %scan3A_161 : i32
    %scan3A_163 = arith.constant 1 : i32
    scf.for %scan3A_322 = %scan3A_160 to %scan3A_162 step %scan3A_163  : i32 {
      %mul3A_323 = arith.constant 2 : i32
      %mul3A_324 = arith.muli %scan3A_322, %mul3A_323 : i32
      %dma_wait3A_325 = arith.constant 0 : i32
      %dma_wait3A_326 = arith.constant 0 : i32
      %dma_wait3A_327 = tpu.memref_slice %arg12[%dma_wait3A_325, %dma_wait3A_326] : memref<100x128xf32, #tpu.memory_space<vmem>> -> memref<48x128xf32, #tpu.memory_space<vmem>>
      %dma_wait3A_328 = arith.constant 0 : i32
      %dma_wait3A_329 = tpu.memref_slice %arg10[%mul3A_324, %dma_wait3A_328] : memref<50x100xi32, #tpu.memory_space<vmem>> -> memref<1x48xi32, #tpu.memory_space<vmem>>
      %dma_wait3A_330 = tpu.memref_squeeze %dma_wait3A_329 : memref<1x48xi32, #tpu.memory_space<vmem>> -> memref<48xi32, #tpu.memory_space<vmem>>
      %dma_wait3A_331 = arith.constant 0 : i32
      %dma_wait3A_332 = arith.constant 0 : i32
      %dma_wait3A_333 = tpu.memref_slice %arg2[%dma_wait3A_331, %dma_wait3A_332] : memref<10000x128xf32, #tpu.memory_space<hbm>> -> memref<10000x128xf32, #tpu.memory_space<hbm>>
      tpu.wait_indirect_dma semaphore(%arg14 : memref<!tpu.dma_semaphore, #tpu.memory_space<semaphore_mem>>) src(%dma_wait3A_333 : memref<10000x128xf32, #tpu.memory_space<hbm>>) dst(%dma_wait3A_327 : memref<48x128xf32, #tpu.memory_space<vmem>>)
      %dma_wait3A_334 = arith.constant 48 : i32
      %dma_wait3A_335 = arith.constant 0 : i32
      %dma_wait3A_336 = tpu.memref_slice %arg12[%dma_wait3A_334, %dma_wait3A_335] : memref<100x128xf32, #tpu.memory_space<vmem>> -> memref<52x128xf32, #tpu.memory_space<vmem>>
      %dma_wait3A_337 = arith.constant 48 : i32
      %dma_wait3A_338 = tpu.memref_slice %arg10[%mul3A_324, %dma_wait3A_337] : memref<50x100xi32, #tpu.memory_space<vmem>> -> memref<1x52xi32, #tpu.memory_space<vmem>>
      %dma_wait3A_339 = tpu.memref_squeeze %dma_wait3A_338 : memref<1x52xi32, #tpu.memory_space<vmem>> -> memref<52xi32, #tpu.memory_space<vmem>>
      %dma_wait3A_340 = arith.constant 0 : i32
      %dma_wait3A_341 = arith.constant 0 : i32
      %dma_wait3A_342 = tpu.memref_slice %arg2[%dma_wait3A_340, %dma_wait3A_341] : memref<10000x128xf32, #tpu.memory_space<hbm>> -> memref<10000x128xf32, #tpu.memory_space<hbm>>
      tpu.wait_indirect_dma semaphore(%arg15 : memref<!tpu.dma_semaphore, #tpu.memory_space<semaphore_mem>>) src(%dma_wait3A_342 : memref<10000x128xf32, #tpu.memory_space<hbm>>) dst(%dma_wait3A_336 : memref<52x128xf32, #tpu.memory_space<vmem>>)
      %dma_start3A_343 = arith.constant 0 : i32
      %dma_start3A_344 = tpu.memref_slice %arg11[%mul3A_324, %dma_start3A_343] : memref<50x100xi32, #tpu.memory_space<vmem>> -> memref<1x100xi32, #tpu.memory_space<vmem>>
      %dma_start3A_345 = tpu.memref_squeeze %dma_start3A_344 : memref<1x100xi32, #tpu.memory_space<vmem>> -> memref<100xi32, #tpu.memory_space<vmem>>
      %dma_start3A_346 = arith.constant 0 : i32
      %dma_start3A_347 = arith.constant 0 : i32
      %dma_start3A_348 = tpu.memref_slice %arg9[%dma_start3A_346, %dma_start3A_347] : memref<10000x128xf32, #tpu.memory_space<vmem_shared>> -> memref<10000x128xf32, #tpu.memory_space<vmem_shared>>
      tpu.enqueue_indirect_dma source(%arg12 : memref<100x128xf32, #tpu.memory_space<vmem>>) target(%dma_start3A_348 : memref<10000x128xf32, #tpu.memory_space<vmem_shared>>) offsets(%dma_start3A_345 : memref<100xi32, #tpu.memory_space<vmem>>) semaphore(%arg18 : memref<!tpu.dma_semaphore, #tpu.memory_space<semaphore_mem>>) {add = true}
      %add3A_349 = arith.constant 1 : i32
      %add3A_350 = arith.addi %mul3A_324, %add3A_349 : i32
      %dma_wait3A_351 = arith.constant 0 : i32
      %dma_wait3A_352 = arith.constant 0 : i32
      %dma_wait3A_353 = tpu.memref_slice %arg13[%dma_wait3A_351, %dma_wait3A_352] : memref<100x128xf32, #tpu.memory_space<vmem>> -> memref<48x128xf32, #tpu.memory_space<vmem>>
      %dma_wait3A_354 = arith.constant 0 : i32
      %dma_wait3A_355 = tpu.memref_slice %arg10[%add3A_350, %dma_wait3A_354] : memref<50x100xi32, #tpu.memory_space<vmem>> -> memref<1x48xi32, #tpu.memory_space<vmem>>
      %dma_wait3A_356 = tpu.memref_squeeze %dma_wait3A_355 : memref<1x48xi32, #tpu.memory_space<vmem>> -> memref<48xi32, #tpu.memory_space<vmem>>
      %dma_wait3A_357 = arith.constant 0 : i32
      %dma_wait3A_358 = arith.constant 0 : i32
      %dma_wait3A_359 = tpu.memref_slice %arg2[%dma_wait3A_357, %dma_wait3A_358] : memref<10000x128xf32, #tpu.memory_space<hbm>> -> memref<10000x128xf32, #tpu.memory_space<hbm>>
      tpu.wait_indirect_dma semaphore(%arg16 : memref<!tpu.dma_semaphore, #tpu.memory_space<semaphore_mem>>) src(%dma_wait3A_359 : memref<10000x128xf32, #tpu.memory_space<hbm>>) dst(%dma_wait3A_353 : memref<48x128xf32, #tpu.memory_space<vmem>>)
      %dma_wait3A_360 = arith.constant 48 : i32
      %dma_wait3A_361 = arith.constant 0 : i32
      %dma_wait3A_362 = tpu.memref_slice %arg13[%dma_wait3A_360, %dma_wait3A_361] : memref<100x128xf32, #tpu.memory_space<vmem>> -> memref<52x128xf32, #tpu.memory_space<vmem>>
      %dma_wait3A_363 = arith.constant 48 : i32
      %dma_wait3A_364 = tpu.memref_slice %arg10[%add3A_350, %dma_wait3A_363] : memref<50x100xi32, #tpu.memory_space<vmem>> -> memref<1x52xi32, #tpu.memory_space<vmem>>
      %dma_wait3A_365 = tpu.memref_squeeze %dma_wait3A_364 : memref<1x52xi32, #tpu.memory_space<vmem>> -> memref<52xi32, #tpu.memory_space<vmem>>
      %dma_wait3A_366 = arith.constant 0 : i32
      %dma_wait3A_367 = arith.constant 0 : i32
      %dma_wait3A_368 = tpu.memref_slice %arg2[%dma_wait3A_366, %dma_wait3A_367] : memref<10000x128xf32, #tpu.memory_space<hbm>> -> memref<10000x128xf32, #tpu.memory_space<hbm>>
      tpu.wait_indirect_dma semaphore(%arg17 : memref<!tpu.dma_semaphore, #tpu.memory_space<semaphore_mem>>) src(%dma_wait3A_368 : memref<10000x128xf32, #tpu.memory_space<hbm>>) dst(%dma_wait3A_362 : memref<52x128xf32, #tpu.memory_space<vmem>>)
      %add3A_369 = arith.constant 1 : i32
      %add3A_370 = arith.addi %mul3A_324, %add3A_369 : i32
      %dma_start3A_371 = arith.constant 0 : i32
      %dma_start3A_372 = tpu.memref_slice %arg11[%add3A_370, %dma_start3A_371] : memref<50x100xi32, #tpu.memory_space<vmem>> -> memref<1x100xi32, #tpu.memory_space<vmem>>
      %dma_start3A_373 = tpu.memref_squeeze %dma_start3A_372 : memref<1x100xi32, #tpu.memory_space<vmem>> -> memref<100xi32, #tpu.memory_space<vmem>>
      %dma_start3A_374 = arith.constant 0 : i32
      %dma_start3A_375 = arith.constant 0 : i32
      %dma_start3A_376 = tpu.memref_slice %arg9[%dma_start3A_374, %dma_start3A_375] : memref<10000x128xf32, #tpu.memory_space<vmem_shared>> -> memref<10000x128xf32, #tpu.memory_space<vmem_shared>>
      tpu.enqueue_indirect_dma source(%arg13 : memref<100x128xf32, #tpu.memory_space<vmem>>) target(%dma_start3A_376 : memref<10000x128xf32, #tpu.memory_space<vmem_shared>>) offsets(%dma_start3A_373 : memref<100xi32, #tpu.memory_space<vmem>>) semaphore(%arg19 : memref<!tpu.dma_semaphore, #tpu.memory_space<semaphore_mem>>) {add = true}
      %dma_wait3A_377 = arith.constant 0 : i32
      %dma_wait3A_378 = tpu.memref_slice %arg11[%mul3A_324, %dma_wait3A_377] : memref<50x100xi32, #tpu.memory_space<vmem>> -> memref<1x100xi32, #tpu.memory_space<vmem>>
      %dma_wait3A_379 = tpu.memref_squeeze %dma_wait3A_378 : memref<1x100xi32, #tpu.memory_space<vmem>> -> memref<100xi32, #tpu.memory_space<vmem>>
      %dma_wait3A_380 = arith.constant 0 : i32
      %dma_wait3A_381 = arith.constant 0 : i32
      %dma_wait3A_382 = tpu.memref_slice %arg9[%dma_wait3A_380, %dma_wait3A_381] : memref<10000x128xf32, #tpu.memory_space<vmem_shared>> -> memref<10000x128xf32, #tpu.memory_space<vmem_shared>>
      tpu.wait_indirect_dma semaphore(%arg18 : memref<!tpu.dma_semaphore, #tpu.memory_space<semaphore_mem>>) src(%arg12 : memref<100x128xf32, #tpu.memory_space<vmem>>) dst(%dma_wait3A_382 : memref<10000x128xf32, #tpu.memory_space<vmem_shared>>)
      %add3A_383 = arith.constant 2 : i32
      %add3A_384 = arith.addi %mul3A_324, %add3A_383 : i32
      %dma_start3A_385 = arith.constant 0 : i32
      %dma_start3A_386 = arith.constant 0 : i32
      %dma_start3A_387 = tpu.memref_slice %arg12[%dma_start3A_385, %dma_start3A_386] : memref<100x128xf32, #tpu.memory_space<vmem>> -> memref<48x128xf32, #tpu.memory_space<vmem>>
      %dma_start3A_388 = arith.constant 0 : i32
      %dma_start3A_389 = tpu.memref_slice %arg10[%add3A_384, %dma_start3A_388] : memref<50x100xi32, #tpu.memory_space<vmem>> -> memref<1x48xi32, #tpu.memory_space<vmem>>
      %dma_start3A_390 = tpu.memref_squeeze %dma_start3A_389 : memref<1x48xi32, #tpu.memory_space<vmem>> -> memref<48xi32, #tpu.memory_space<vmem>>
      %dma_start3A_391 = arith.constant 0 : i32
      %dma_start3A_392 = arith.constant 0 : i32
      %dma_start3A_393 = tpu.memref_slice %arg2[%dma_start3A_391, %dma_start3A_392] : memref<10000x128xf32, #tpu.memory_space<hbm>> -> memref<10000x128xf32, #tpu.memory_space<hbm>>
      tpu.enqueue_indirect_dma source(%dma_start3A_393 : memref<10000x128xf32, #tpu.memory_space<hbm>>) target(%dma_start3A_387 : memref<48x128xf32, #tpu.memory_space<vmem>>) offsets(%dma_start3A_390 : memref<48xi32, #tpu.memory_space<vmem>>) semaphore(%arg14 : memref<!tpu.dma_semaphore, #tpu.memory_space<semaphore_mem>>)
      %dma_start3A_394 = arith.constant 48 : i32
      %dma_start3A_395 = arith.constant 0 : i32
      %dma_start3A_396 = tpu.memref_slice %arg12[%dma_start3A_394, %dma_start3A_395] : memref<100x128xf32, #tpu.memory_space<vmem>> -> memref<52x128xf32, #tpu.memory_space<vmem>>
      %dma_start3A_397 = arith.constant 48 : i32
      %dma_start3A_398 = tpu.memref_slice %arg10[%add3A_384, %dma_start3A_397] : memref<50x100xi32, #tpu.memory_space<vmem>> -> memref<1x52xi32, #tpu.memory_space<vmem>>
      %dma_start3A_399 = tpu.memref_squeeze %dma_start3A_398 : memref<1x52xi32, #tpu.memory_space<vmem>> -> memref<52xi32, #tpu.memory_space<vmem>>
      %dma_start3A_400 = arith.constant 0 : i32
      %dma_start3A_401 = arith.constant 0 : i32
      %dma_start3A_402 = tpu.memref_slice %arg2[%dma_start3A_400, %dma_start3A_401] : memref<10000x128xf32, #tpu.memory_space<hbm>> -> memref<10000x128xf32, #tpu.memory_space<hbm>>
      tpu.enqueue_indirect_dma source(%dma_start3A_402 : memref<10000x128xf32, #tpu.memory_space<hbm>>) target(%dma_start3A_396 : memref<52x128xf32, #tpu.memory_space<vmem>>) offsets(%dma_start3A_399 : memref<52xi32, #tpu.memory_space<vmem>>) semaphore(%arg15 : memref<!tpu.dma_semaphore, #tpu.memory_space<semaphore_mem>>)
      %add3A_403 = arith.constant 1 : i32
      %add3A_404 = arith.addi %mul3A_324, %add3A_403 : i32
      %dma_wait3A_405 = arith.constant 0 : i32
      %dma_wait3A_406 = tpu.memref_slice %arg11[%add3A_404, %dma_wait3A_405] : memref<50x100xi32, #tpu.memory_space<vmem>> -> memref<1x100xi32, #tpu.memory_space<vmem>>
      %dma_wait3A_407 = tpu.memref_squeeze %dma_wait3A_406 : memref<1x100xi32, #tpu.memory_space<vmem>> -> memref<100xi32, #tpu.memory_space<vmem>>
      %dma_wait3A_408 = arith.constant 0 : i32
      %dma_wait3A_409 = arith.constant 0 : i32
      %dma_wait3A_410 = tpu.memref_slice %arg9[%dma_wait3A_408, %dma_wait3A_409] : memref<10000x128xf32, #tpu.memory_space<vmem_shared>> -> memref<10000x128xf32, #tpu.memory_space<vmem_shared>>
      tpu.wait_indirect_dma semaphore(%arg19 : memref<!tpu.dma_semaphore, #tpu.memory_space<semaphore_mem>>) src(%arg13 : memref<100x128xf32, #tpu.memory_space<vmem>>) dst(%dma_wait3A_410 : memref<10000x128xf32, #tpu.memory_space<vmem_shared>>)
      %add3A_411 = arith.constant 3 : i32
      %add3A_412 = arith.addi %mul3A_324, %add3A_411 : i32
      %dma_start3A_413 = arith.constant 0 : i32
      %dma_start3A_414 = arith.constant 0 : i32
      %dma_start3A_415 = tpu.memref_slice %arg13[%dma_start3A_413, %dma_start3A_414] : memref<100x128xf32, #tpu.memory_space<vmem>> -> memref<48x128xf32, #tpu.memory_space<vmem>>
      %dma_start3A_416 = arith.constant 0 : i32
      %dma_start3A_417 = tpu.memref_slice %arg10[%add3A_412, %dma_start3A_416] : memref<50x100xi32, #tpu.memory_space<vmem>> -> memref<1x48xi32, #tpu.memory_space<vmem>>
      %dma_start3A_418 = tpu.memref_squeeze %dma_start3A_417 : memref<1x48xi32, #tpu.memory_space<vmem>> -> memref<48xi32, #tpu.memory_space<vmem>>
      %dma_start3A_419 = arith.constant 0 : i32
      %dma_start3A_420 = arith.constant 0 : i32
      %dma_start3A_421 = tpu.memref_slice %arg2[%dma_start3A_419, %dma_start3A_420] : memref<10000x128xf32, #tpu.memory_space<hbm>> -> memref<10000x128xf32, #tpu.memory_space<hbm>>
      tpu.enqueue_indirect_dma source(%dma_start3A_421 : memref<10000x128xf32, #tpu.memory_space<hbm>>) target(%dma_start3A_415 : memref<48x128xf32, #tpu.memory_space<vmem>>) offsets(%dma_start3A_418 : memref<48xi32, #tpu.memory_space<vmem>>) semaphore(%arg16 : memref<!tpu.dma_semaphore, #tpu.memory_space<semaphore_mem>>)
      %dma_start3A_422 = arith.constant 48 : i32
      %dma_start3A_423 = arith.constant 0 : i32
      %dma_start3A_424 = tpu.memref_slice %arg13[%dma_start3A_422, %dma_start3A_423] : memref<100x128xf32, #tpu.memory_space<vmem>> -> memref<52x128xf32, #tpu.memory_space<vmem>>
      %dma_start3A_425 = arith.constant 48 : i32
      %dma_start3A_426 = tpu.memref_slice %arg10[%add3A_412, %dma_start3A_425] : memref<50x100xi32, #tpu.memory_space<vmem>> -> memref<1x52xi32, #tpu.memory_space<vmem>>
      %dma_start3A_427 = tpu.memref_squeeze %dma_start3A_426 : memref<1x52xi32, #tpu.memory_space<vmem>> -> memref<52xi32, #tpu.memory_space<vmem>>
      %dma_start3A_428 = arith.constant 0 : i32
      %dma_start3A_429 = arith.constant 0 : i32
      %dma_start3A_430 = tpu.memref_slice %arg2[%dma_start3A_428, %dma_start3A_429] : memref<10000x128xf32, #tpu.memory_space<hbm>> -> memref<10000x128xf32, #tpu.memory_space<hbm>>
      tpu.enqueue_indirect_dma source(%dma_start3A_430 : memref<10000x128xf32, #tpu.memory_space<hbm>>) target(%dma_start3A_424 : memref<52x128xf32, #tpu.memory_space<vmem>>) offsets(%dma_start3A_427 : memref<52xi32, #tpu.memory_space<vmem>>) semaphore(%arg17 : memref<!tpu.dma_semaphore, #tpu.memory_space<semaphore_mem>>)
    }
    %scan3A_164 = arith.constant 24 : i32
    %dma_wait3A_165 = arith.constant 48 : i32
    %dma_wait3A_166 = arith.constant 0 : i32
    %dma_wait3A_167 = arith.constant 0 : i32
    %dma_wait3A_168 = tpu.memref_slice %arg12[%dma_wait3A_166, %dma_wait3A_167] : memref<100x128xf32, #tpu.memory_space<vmem>> -> memref<48x128xf32, #tpu.memory_space<vmem>>
    %dma_wait3A_169 = arith.constant 0 : i32
    %dma_wait3A_170 = tpu.memref_slice %arg10[%dma_wait3A_165, %dma_wait3A_169] : memref<50x100xi32, #tpu.memory_space<vmem>> -> memref<1x48xi32, #tpu.memory_space<vmem>>
    %dma_wait3A_171 = tpu.memref_squeeze %dma_wait3A_170 : memref<1x48xi32, #tpu.memory_space<vmem>> -> memref<48xi32, #tpu.memory_space<vmem>>
    %dma_wait3A_172 = arith.constant 0 : i32
    %dma_wait3A_173 = arith.constant 0 : i32
    %dma_wait3A_174 = tpu.memref_slice %arg2[%dma_wait3A_172, %dma_wait3A_173] : memref<10000x128xf32, #tpu.memory_space<hbm>> -> memref<10000x128xf32, #tpu.memory_space<hbm>>
    tpu.wait_indirect_dma semaphore(%arg14 : memref<!tpu.dma_semaphore, #tpu.memory_space<semaphore_mem>>) src(%dma_wait3A_174 : memref<10000x128xf32, #tpu.memory_space<hbm>>) dst(%dma_wait3A_168 : memref<48x128xf32, #tpu.memory_space<vmem>>)
    %dma_wait3A_175 = arith.constant 48 : i32
    %dma_wait3A_176 = arith.constant 48 : i32
    %dma_wait3A_177 = arith.constant 0 : i32
    %dma_wait3A_178 = tpu.memref_slice %arg12[%dma_wait3A_176, %dma_wait3A_177] : memref<100x128xf32, #tpu.memory_space<vmem>> -> memref<52x128xf32, #tpu.memory_space<vmem>>
    %dma_wait3A_179 = arith.constant 48 : i32
    %dma_wait3A_180 = tpu.memref_slice %arg10[%dma_wait3A_175, %dma_wait3A_179] : memref<50x100xi32, #tpu.memory_space<vmem>> -> memref<1x52xi32, #tpu.memory_space<vmem>>
    %dma_wait3A_181 = tpu.memref_squeeze %dma_wait3A_180 : memref<1x52xi32, #tpu.memory_space<vmem>> -> memref<52xi32, #tpu.memory_space<vmem>>
    %dma_wait3A_182 = arith.constant 0 : i32
    %dma_wait3A_183 = arith.constant 0 : i32
    %dma_wait3A_184 = tpu.memref_slice %arg2[%dma_wait3A_182, %dma_wait3A_183] : memref<10000x128xf32, #tpu.memory_space<hbm>> -> memref<10000x128xf32, #tpu.memory_space<hbm>>
    tpu.wait_indirect_dma semaphore(%arg15 : memref<!tpu.dma_semaphore, #tpu.memory_space<semaphore_mem>>) src(%dma_wait3A_184 : memref<10000x128xf32, #tpu.memory_space<hbm>>) dst(%dma_wait3A_178 : memref<52x128xf32, #tpu.memory_space<vmem>>)
    %dma_start3A_185 = arith.constant 48 : i32
    %dma_start3A_186 = arith.constant 0 : i32
    %dma_start3A_187 = tpu.memref_slice %arg11[%dma_start3A_185, %dma_start3A_186] : memref<50x100xi32, #tpu.memory_space<vmem>> -> memref<1x100xi32, #tpu.memory_space<vmem>>
    %dma_start3A_188 = tpu.memref_squeeze %dma_start3A_187 : memref<1x100xi32, #tpu.memory_space<vmem>> -> memref<100xi32, #tpu.memory_space<vmem>>
    %dma_start3A_189 = arith.constant 0 : i32
    %dma_start3A_190 = arith.constant 0 : i32
    %dma_start3A_191 = tpu.memref_slice %arg9[%dma_start3A_189, %dma_start3A_190] : memref<10000x128xf32, #tpu.memory_space<vmem_shared>> -> memref<10000x128xf32, #tpu.memory_space<vmem_shared>>
    tpu.enqueue_indirect_dma source(%arg12 : memref<100x128xf32, #tpu.memory_space<vmem>>) target(%dma_start3A_191 : memref<10000x128xf32, #tpu.memory_space<vmem_shared>>) offsets(%dma_start3A_188 : memref<100xi32, #tpu.memory_space<vmem>>) semaphore(%arg18 : memref<!tpu.dma_semaphore, #tpu.memory_space<semaphore_mem>>) {add = true}
    %dma_wait3A_192 = arith.constant 49 : i32
    %dma_wait3A_193 = arith.constant 0 : i32
    %dma_wait3A_194 = arith.constant 0 : i32
    %dma_wait3A_195 = tpu.memref_slice %arg13[%dma_wait3A_193, %dma_wait3A_194] : memref<100x128xf32, #tpu.memory_space<vmem>> -> memref<48x128xf32, #tpu.memory_space<vmem>>
    %dma_wait3A_196 = arith.constant 0 : i32
    %dma_wait3A_197 = tpu.memref_slice %arg10[%dma_wait3A_192, %dma_wait3A_196] : memref<50x100xi32, #tpu.memory_space<vmem>> -> memref<1x48xi32, #tpu.memory_space<vmem>>
    %dma_wait3A_198 = tpu.memref_squeeze %dma_wait3A_197 : memref<1x48xi32, #tpu.memory_space<vmem>> -> memref<48xi32, #tpu.memory_space<vmem>>
    %dma_wait3A_199 = arith.constant 0 : i32
    %dma_wait3A_200 = arith.constant 0 : i32
    %dma_wait3A_201 = tpu.memref_slice %arg2[%dma_wait3A_199, %dma_wait3A_200] : memref<10000x128xf32, #tpu.memory_space<hbm>> -> memref<10000x128xf32, #tpu.memory_space<hbm>>
    tpu.wait_indirect_dma semaphore(%arg16 : memref<!tpu.dma_semaphore, #tpu.memory_space<semaphore_mem>>) src(%dma_wait3A_201 : memref<10000x128xf32, #tpu.memory_space<hbm>>) dst(%dma_wait3A_195 : memref<48x128xf32, #tpu.memory_space<vmem>>)
    %dma_wait3A_202 = arith.constant 49 : i32
    %dma_wait3A_203 = arith.constant 48 : i32
    %dma_wait3A_204 = arith.constant 0 : i32
    %dma_wait3A_205 = tpu.memref_slice %arg13[%dma_wait3A_203, %dma_wait3A_204] : memref<100x128xf32, #tpu.memory_space<vmem>> -> memref<52x128xf32, #tpu.memory_space<vmem>>
    %dma_wait3A_206 = arith.constant 48 : i32
    %dma_wait3A_207 = tpu.memref_slice %arg10[%dma_wait3A_202, %dma_wait3A_206] : memref<50x100xi32, #tpu.memory_space<vmem>> -> memref<1x52xi32, #tpu.memory_space<vmem>>
    %dma_wait3A_208 = tpu.memref_squeeze %dma_wait3A_207 : memref<1x52xi32, #tpu.memory_space<vmem>> -> memref<52xi32, #tpu.memory_space<vmem>>
    %dma_wait3A_209 = arith.constant 0 : i32
    %dma_wait3A_210 = arith.constant 0 : i32
    %dma_wait3A_211 = tpu.memref_slice %arg2[%dma_wait3A_209, %dma_wait3A_210] : memref<10000x128xf32, #tpu.memory_space<hbm>> -> memref<10000x128xf32, #tpu.memory_space<hbm>>
    tpu.wait_indirect_dma semaphore(%arg17 : memref<!tpu.dma_semaphore, #tpu.memory_space<semaphore_mem>>) src(%dma_wait3A_211 : memref<10000x128xf32, #tpu.memory_space<hbm>>) dst(%dma_wait3A_205 : memref<52x128xf32, #tpu.memory_space<vmem>>)
    %dma_start3A_212 = arith.constant 49 : i32
    %dma_start3A_213 = arith.constant 0 : i32
    %dma_start3A_214 = tpu.memref_slice %arg11[%dma_start3A_212, %dma_start3A_213] : memref<50x100xi32, #tpu.memory_space<vmem>> -> memref<1x100xi32, #tpu.memory_space<vmem>>
    %dma_start3A_215 = tpu.memref_squeeze %dma_start3A_214 : memref<1x100xi32, #tpu.memory_space<vmem>> -> memref<100xi32, #tpu.memory_space<vmem>>
    %dma_start3A_216 = arith.constant 0 : i32
    %dma_start3A_217 = arith.constant 0 : i32
    %dma_start3A_218 = tpu.memref_slice %arg9[%dma_start3A_216, %dma_start3A_217] : memref<10000x128xf32, #tpu.memory_space<vmem_shared>> -> memref<10000x128xf32, #tpu.memory_space<vmem_shared>>
    tpu.enqueue_indirect_dma source(%arg13 : memref<100x128xf32, #tpu.memory_space<vmem>>) target(%dma_start3A_218 : memref<10000x128xf32, #tpu.memory_space<vmem_shared>>) offsets(%dma_start3A_215 : memref<100xi32, #tpu.memory_space<vmem>>) semaphore(%arg19 : memref<!tpu.dma_semaphore, #tpu.memory_space<semaphore_mem>>) {add = true}
    %dma_wait3A_219 = arith.constant 48 : i32
    %dma_wait3A_220 = arith.constant 0 : i32
    %dma_wait3A_221 = tpu.memref_slice %arg11[%dma_wait3A_219, %dma_wait3A_220] : memref<50x100xi32, #tpu.memory_space<vmem>> -> memref<1x100xi32, #tpu.memory_space<vmem>>
    %dma_wait3A_222 = tpu.memref_squeeze %dma_wait3A_221 : memref<1x100xi32, #tpu.memory_space<vmem>> -> memref<100xi32, #tpu.memory_space<vmem>>
    %dma_wait3A_223 = arith.constant 0 : i32
    %dma_wait3A_224 = arith.constant 0 : i32
    %dma_wait3A_225 = tpu.memref_slice %arg9[%dma_wait3A_223, %dma_wait3A_224] : memref<10000x128xf32, #tpu.memory_space<vmem_shared>> -> memref<10000x128xf32, #tpu.memory_space<vmem_shared>>
    tpu.wait_indirect_dma semaphore(%arg18 : memref<!tpu.dma_semaphore, #tpu.memory_space<semaphore_mem>>) src(%arg12 : memref<100x128xf32, #tpu.memory_space<vmem>>) dst(%dma_wait3A_225 : memref<10000x128xf32, #tpu.memory_space<vmem_shared>>)
    %dma_wait3A_226 = arith.constant 49 : i32
    %dma_wait3A_227 = arith.constant 0 : i32
    %dma_wait3A_228 = tpu.memref_slice %arg11[%dma_wait3A_226, %dma_wait3A_227] : memref<50x100xi32, #tpu.memory_space<vmem>> -> memref<1x100xi32, #tpu.memory_space<vmem>>
    %dma_wait3A_229 = tpu.memref_squeeze %dma_wait3A_228 : memref<1x100xi32, #tpu.memory_space<vmem>> -> memref<100xi32, #tpu.memory_space<vmem>>
    %dma_wait3A_230 = arith.constant 0 : i32
    %dma_wait3A_231 = arith.constant 0 : i32
    %dma_wait3A_232 = tpu.memref_slice %arg9[%dma_wait3A_230, %dma_wait3A_231] : memref<10000x128xf32, #tpu.memory_space<vmem_shared>> -> memref<10000x128xf32, #tpu.memory_space<vmem_shared>>
    tpu.wait_indirect_dma semaphore(%arg19 : memref<!tpu.dma_semaphore, #tpu.memory_space<semaphore_mem>>) src(%arg13 : memref<100x128xf32, #tpu.memory_space<vmem>>) dst(%dma_wait3A_232 : memref<10000x128xf32, #tpu.memory_space<vmem_shared>>)
    %barrier3A_233 = arith.constant 0 : index
    tpu.barrier barrier_id(%barrier3A_233)
    "tpu.region"() ({
      %run_scoped3A_322 = tpu.sem_alloc : memref<!tpu.dma_semaphore, #tpu.memory_space<semaphore_mem>>
      %dma_start3A_323 = arith.constant 0 : i32
      %dma_start3A_324 = tpu.memref_slice %arg7[%arg0, %mul3A_2, %dma_start3A_323] : memref<2x10000x128xf32, #tpu.memory_space<hbm>> -> memref<1x624x128xf32, #tpu.memory_space<hbm>>
      %dma_start3A_325 = tpu.memref_squeeze %dma_start3A_324 : memref<1x624x128xf32, #tpu.memory_space<hbm>> -> memref<624x128xf32, #tpu.memory_space<hbm>>
      %dma_start3A_326 = arith.constant 0 : i32
      %dma_start3A_327 = tpu.memref_slice %arg9[%mul3A_2, %dma_start3A_326] : memref<10000x128xf32, #tpu.memory_space<vmem_shared>> -> memref<624x128xf32, #tpu.memory_space<vmem_shared>>
      tpu.enqueue_dma source(%dma_start3A_327 : memref<624x128xf32, #tpu.memory_space<vmem_shared>>) target(%dma_start3A_325 : memref<624x128xf32, #tpu.memory_space<hbm>>) target_semaphore(%run_scoped3A_322 : memref<!tpu.dma_semaphore, #tpu.memory_space<semaphore_mem>>)
      %dma_wait3A_328 = arith.constant 0 : i32
      %dma_wait3A_329 = tpu.memref_slice %arg7[%arg0, %mul3A_2, %dma_wait3A_328] : memref<2x10000x128xf32, #tpu.memory_space<hbm>> -> memref<1x624x128xf32, #tpu.memory_space<hbm>>
      %dma_wait3A_330 = tpu.memref_squeeze %dma_wait3A_329 : memref<1x624x128xf32, #tpu.memory_space<hbm>> -> memref<624x128xf32, #tpu.memory_space<hbm>>
      %dma_wait3A_331 = arith.constant 0 : i32
      %dma_wait3A_332 = tpu.memref_slice %arg9[%mul3A_2, %dma_wait3A_331] : memref<10000x128xf32, #tpu.memory_space<vmem_shared>> -> memref<624x128xf32, #tpu.memory_space<vmem_shared>>
      tpu.wait_dma2 semaphore(%run_scoped3A_322 : memref<!tpu.dma_semaphore, #tpu.memory_space<semaphore_mem>>) src(%dma_wait3A_332 : memref<624x128xf32, #tpu.memory_space<vmem_shared>>) dst(%dma_wait3A_330 : memref<624x128xf32, #tpu.memory_space<hbm>>)
      tpu.yield
    }) : () -> ()
    %eq3A_234 = arith.constant 0 : i32
    %eq3A_235 = arith.cmpi eq, %arg1, %eq3A_234 : i32
    %convert_element_type3A_236 = arith.extui %eq3A_235 : i1 to i32
    %cond3A_237 = arith.constant 0 : i32
    %cond3A_238 = arith.cmpi ne, %convert_element_type3A_236, %cond3A_237 : i32
    scf.if %cond3A_238 {
      "tpu.region"() ({
        %run_scoped3A_322 = tpu.sem_alloc : memref<!tpu.dma_semaphore, #tpu.memory_space<semaphore_mem>>
        %dma_start3A_323 = arith.constant 9984 : i32
        %dma_start3A_324 = arith.constant 0 : i32
        %dma_start3A_325 = tpu.memref_slice %arg7[%arg0, %dma_start3A_323, %dma_start3A_324] : memref<2x10000x128xf32, #tpu.memory_space<hbm>> -> memref<1x16x128xf32, #tpu.memory_space<hbm>>
        %dma_start3A_326 = tpu.memref_squeeze %dma_start3A_325 : memref<1x16x128xf32, #tpu.memory_space<hbm>> -> memref<16x128xf32, #tpu.memory_space<hbm>>
        %dma_start3A_327 = arith.constant 9984 : i32
        %dma_start3A_328 = arith.constant 0 : i32
        %dma_start3A_329 = tpu.memref_slice %arg9[%dma_start3A_327, %dma_start3A_328] : memref<10000x128xf32, #tpu.memory_space<vmem_shared>> -> memref<16x128xf32, #tpu.memory_space<vmem_shared>>
        tpu.enqueue_dma source(%dma_start3A_329 : memref<16x128xf32, #tpu.memory_space<vmem_shared>>) target(%dma_start3A_326 : memref<16x128xf32, #tpu.memory_space<hbm>>) target_semaphore(%run_scoped3A_322 : memref<!tpu.dma_semaphore, #tpu.memory_space<semaphore_mem>>)
        %dma_wait3A_330 = arith.constant 9984 : i32
        %dma_wait3A_331 = arith.constant 0 : i32
        %dma_wait3A_332 = tpu.memref_slice %arg7[%arg0, %dma_wait3A_330, %dma_wait3A_331] : memref<2x10000x128xf32, #tpu.memory_space<hbm>> -> memref<1x16x128xf32, #tpu.memory_space<hbm>>
        %dma_wait3A_333 = tpu.memref_squeeze %dma_wait3A_332 : memref<1x16x128xf32, #tpu.memory_space<hbm>> -> memref<16x128xf32, #tpu.memory_space<hbm>>
        %dma_wait3A_334 = arith.constant 9984 : i32
        %dma_wait3A_335 = arith.constant 0 : i32
        %dma_wait3A_336 = tpu.memref_slice %arg9[%dma_wait3A_334, %dma_wait3A_335] : memref<10000x128xf32, #tpu.memory_space<vmem_shared>> -> memref<16x128xf32, #tpu.memory_space<vmem_shared>>
        tpu.wait_dma2 semaphore(%run_scoped3A_322 : memref<!tpu.dma_semaphore, #tpu.memory_space<semaphore_mem>>) src(%dma_wait3A_336 : memref<16x128xf32, #tpu.memory_space<vmem_shared>>) dst(%dma_wait3A_333 : memref<16x128xf32, #tpu.memory_space<hbm>>)
        tpu.yield
      }) : () -> ()
    } else {
    }
    %barrier3A_239 = arith.constant 0 : index
    tpu.barrier barrier_id(%barrier3A_239)
    "tpu.region"() ({
      %run_scoped3A_322 = tpu.sem_alloc : memref<!tpu.dma_semaphore, #tpu.memory_space<semaphore_mem>>
      %dma_start3A_323 = arith.constant 0 : i32
      %dma_start3A_324 = tpu.memref_slice %arg9[%mul3A_2, %dma_start3A_323] : memref<10000x128xf32, #tpu.memory_space<vmem_shared>> -> memref<624x128xf32, #tpu.memory_space<vmem_shared>>
      %dma_start3A_325 = arith.constant 0 : i32
      %dma_start3A_326 = tpu.memref_slice %arg5[%mul3A_2, %dma_start3A_325] : memref<10000x128xf32, #tpu.memory_space<hbm>> -> memref<624x128xf32, #tpu.memory_space<hbm>>
      tpu.enqueue_dma source(%dma_start3A_326 : memref<624x128xf32, #tpu.memory_space<hbm>>) target(%dma_start3A_324 : memref<624x128xf32, #tpu.memory_space<vmem_shared>>) target_semaphore(%run_scoped3A_322 : memref<!tpu.dma_semaphore, #tpu.memory_space<semaphore_mem>>)
      %dma_wait3A_327 = arith.constant 0 : i32
      %dma_wait3A_328 = tpu.memref_slice %arg9[%mul3A_2, %dma_wait3A_327] : memref<10000x128xf32, #tpu.memory_space<vmem_shared>> -> memref<624x128xf32, #tpu.memory_space<vmem_shared>>
      %dma_wait3A_329 = arith.constant 0 : i32
      %dma_wait3A_330 = tpu.memref_slice %arg5[%mul3A_2, %dma_wait3A_329] : memref<10000x128xf32, #tpu.memory_space<hbm>> -> memref<624x128xf32, #tpu.memory_space<hbm>>
      tpu.wait_dma2 semaphore(%run_scoped3A_322 : memref<!tpu.dma_semaphore, #tpu.memory_space<semaphore_mem>>) src(%dma_wait3A_330 : memref<624x128xf32, #tpu.memory_space<hbm>>) dst(%dma_wait3A_328 : memref<624x128xf32, #tpu.memory_space<vmem_shared>>)
      tpu.yield
    }) : () -> ()
    %eq3A_240 = arith.constant 0 : i32
    %eq3A_241 = arith.cmpi eq, %arg1, %eq3A_240 : i32
    %convert_element_type3A_242 = arith.extui %eq3A_241 : i1 to i32
    %cond3A_243 = arith.constant 0 : i32
    %cond3A_244 = arith.cmpi ne, %convert_element_type3A_242, %cond3A_243 : i32
    scf.if %cond3A_244 {
      "tpu.region"() ({
        %run_scoped3A_322 = tpu.sem_alloc : memref<!tpu.dma_semaphore, #tpu.memory_space<semaphore_mem>>
        %dma_start3A_323 = arith.constant 9984 : i32
        %dma_start3A_324 = arith.constant 0 : i32
        %dma_start3A_325 = tpu.memref_slice %arg9[%dma_start3A_323, %dma_start3A_324] : memref<10000x128xf32, #tpu.memory_space<vmem_shared>> -> memref<16x128xf32, #tpu.memory_space<vmem_shared>>
        %dma_start3A_326 = arith.constant 9984 : i32
        %dma_start3A_327 = arith.constant 0 : i32
        %dma_start3A_328 = tpu.memref_slice %arg5[%dma_start3A_326, %dma_start3A_327] : memref<10000x128xf32, #tpu.memory_space<hbm>> -> memref<16x128xf32, #tpu.memory_space<hbm>>
        tpu.enqueue_dma source(%dma_start3A_328 : memref<16x128xf32, #tpu.memory_space<hbm>>) target(%dma_start3A_325 : memref<16x128xf32, #tpu.memory_space<vmem_shared>>) target_semaphore(%run_scoped3A_322 : memref<!tpu.dma_semaphore, #tpu.memory_space<semaphore_mem>>)
        %dma_wait3A_329 = arith.constant 9984 : i32
        %dma_wait3A_330 = arith.constant 0 : i32
        %dma_wait3A_331 = tpu.memref_slice %arg9[%dma_wait3A_329, %dma_wait3A_330] : memref<10000x128xf32, #tpu.memory_space<vmem_shared>> -> memref<16x128xf32, #tpu.memory_space<vmem_shared>>
        %dma_wait3A_332 = arith.constant 9984 : i32
        %dma_wait3A_333 = arith.constant 0 : i32
        %dma_wait3A_334 = tpu.memref_slice %arg5[%dma_wait3A_332, %dma_wait3A_333] : memref<10000x128xf32, #tpu.memory_space<hbm>> -> memref<16x128xf32, #tpu.memory_space<hbm>>
        tpu.wait_dma2 semaphore(%run_scoped3A_322 : memref<!tpu.dma_semaphore, #tpu.memory_space<semaphore_mem>>) src(%dma_wait3A_334 : memref<16x128xf32, #tpu.memory_space<hbm>>) dst(%dma_wait3A_331 : memref<16x128xf32, #tpu.memory_space<vmem_shared>>)
        tpu.yield
      }) : () -> ()
    } else {
    }
    "tpu.region"() ({
      %run_scoped3A_322 = tpu.sem_alloc : memref<!tpu.dma_semaphore, #tpu.memory_space<semaphore_mem>>
      tpu.enqueue_dma source(%arg6 : memref<100x128xf32, #tpu.memory_space<hbm>>) target(%arg12 : memref<100x128xf32, #tpu.memory_space<vmem>>) target_semaphore(%run_scoped3A_322 : memref<!tpu.dma_semaphore, #tpu.memory_space<semaphore_mem>>)
      tpu.wait_dma2 semaphore(%run_scoped3A_322 : memref<!tpu.dma_semaphore, #tpu.memory_space<semaphore_mem>>) src(%arg6 : memref<100x128xf32, #tpu.memory_space<hbm>>) dst(%arg12 : memref<100x128xf32, #tpu.memory_space<vmem>>)
      tpu.yield
    }) : () -> ()
    %barrier3A_245 = arith.constant 0 : index
    tpu.barrier barrier_id(%barrier3A_245)
    %run_scoped3A_246 = arith.constant 0 : i32
    "tpu.region"() ({
      %run_scoped3A_322 = tpu.sem_alloc : memref<!tpu.dma_semaphore, #tpu.memory_space<semaphore_mem>>
      %dma_start3A_323 = arith.constant 0 : i32
      %dma_start3A_324 = arith.constant 0 : i32
      %dma_start3A_325 = tpu.memref_slice %arg4[%add3A, %run_scoped3A_246, %dma_start3A_323, %dma_start3A_324] : memref<32x2x50x100xi32, #tpu.memory_space<hbm>> -> memref<1x1x50x100xi32, #tpu.memory_space<hbm>>
      %dma_start3A_326 = tpu.memref_squeeze %dma_start3A_325 : memref<1x1x50x100xi32, #tpu.memory_space<hbm>> -> memref<50x100xi32, #tpu.memory_space<hbm>>
      %dma_start3A_327 = arith.constant 0 : i32
      %dma_start3A_328 = arith.constant 0 : i32
      %dma_start3A_329 = tpu.memref_slice %arg4[%add3A, %run_scoped3A_246, %dma_start3A_327, %dma_start3A_328] : memref<32x2x50x100xi32, #tpu.memory_space<hbm>> -> memref<1x1x50x100xi32, #tpu.memory_space<hbm>>
      %dma_start3A_330 = tpu.memref_squeeze %dma_start3A_329 : memref<1x1x50x100xi32, #tpu.memory_space<hbm>> -> memref<50x100xi32, #tpu.memory_space<hbm>>
      tpu.enqueue_dma source(%dma_start3A_330 : memref<50x100xi32, #tpu.memory_space<hbm>>) target(%arg11 : memref<50x100xi32, #tpu.memory_space<vmem>>) target_semaphore(%run_scoped3A_322 : memref<!tpu.dma_semaphore, #tpu.memory_space<semaphore_mem>>)
      %dma_wait3A_331 = arith.constant 0 : i32
      %dma_wait3A_332 = arith.constant 0 : i32
      %dma_wait3A_333 = tpu.memref_slice %arg4[%add3A, %run_scoped3A_246, %dma_wait3A_331, %dma_wait3A_332] : memref<32x2x50x100xi32, #tpu.memory_space<hbm>> -> memref<1x1x50x100xi32, #tpu.memory_space<hbm>>
      %dma_wait3A_334 = tpu.memref_squeeze %dma_wait3A_333 : memref<1x1x50x100xi32, #tpu.memory_space<hbm>> -> memref<50x100xi32, #tpu.memory_space<hbm>>
      %dma_wait3A_335 = arith.constant 0 : i32
      %dma_wait3A_336 = arith.constant 0 : i32
      %dma_wait3A_337 = tpu.memref_slice %arg4[%add3A, %run_scoped3A_246, %dma_wait3A_335, %dma_wait3A_336] : memref<32x2x50x100xi32, #tpu.memory_space<hbm>> -> memref<1x1x50x100xi32, #tpu.memory_space<hbm>>
      %dma_wait3A_338 = tpu.memref_squeeze %dma_wait3A_337 : memref<1x1x50x100xi32, #tpu.memory_space<hbm>> -> memref<50x100xi32, #tpu.memory_space<hbm>>
      tpu.wait_dma2 semaphore(%run_scoped3A_322 : memref<!tpu.dma_semaphore, #tpu.memory_space<semaphore_mem>>) src(%dma_wait3A_338 : memref<50x100xi32, #tpu.memory_space<hbm>>) dst(%arg11 : memref<50x100xi32, #tpu.memory_space<vmem>>)
      tpu.yield
    }) : () -> ()
    %dma_start3A_247 = arith.constant 0 : i32
    %dma_start3A_248 = arith.constant 0 : i32
    %dma_start3A_249 = tpu.memref_slice %arg11[%dma_start3A_247, %dma_start3A_248] : memref<50x100xi32, #tpu.memory_space<vmem>> -> memref<1x100xi32, #tpu.memory_space<vmem>>
    %dma_start3A_250 = tpu.memref_squeeze %dma_start3A_249 : memref<1x100xi32, #tpu.memory_space<vmem>> -> memref<100xi32, #tpu.memory_space<vmem>>
    %dma_start3A_251 = arith.constant 0 : i32
    %dma_start3A_252 = arith.constant 0 : i32
    %dma_start3A_253 = tpu.memref_slice %arg9[%dma_start3A_251, %dma_start3A_252] : memref<10000x128xf32, #tpu.memory_space<vmem_shared>> -> memref<10000x128xf32, #tpu.memory_space<vmem_shared>>
    tpu.enqueue_indirect_dma source(%arg12 : memref<100x128xf32, #tpu.memory_space<vmem>>) target(%dma_start3A_253 : memref<10000x128xf32, #tpu.memory_space<vmem_shared>>) offsets(%dma_start3A_250 : memref<100xi32, #tpu.memory_space<vmem>>) semaphore(%arg18 : memref<!tpu.dma_semaphore, #tpu.memory_space<semaphore_mem>>) {add = true}
    %dma_start3A_254 = arith.constant 1 : i32
    %dma_start3A_255 = arith.constant 0 : i32
    %dma_start3A_256 = tpu.memref_slice %arg11[%dma_start3A_254, %dma_start3A_255] : memref<50x100xi32, #tpu.memory_space<vmem>> -> memref<1x100xi32, #tpu.memory_space<vmem>>
    %dma_start3A_257 = tpu.memref_squeeze %dma_start3A_256 : memref<1x100xi32, #tpu.memory_space<vmem>> -> memref<100xi32, #tpu.memory_space<vmem>>
    %dma_start3A_258 = arith.constant 0 : i32
    %dma_start3A_259 = arith.constant 0 : i32
    %dma_start3A_260 = tpu.memref_slice %arg9[%dma_start3A_258, %dma_start3A_259] : memref<10000x128xf32, #tpu.memory_space<vmem_shared>> -> memref<10000x128xf32, #tpu.memory_space<vmem_shared>>
    tpu.enqueue_indirect_dma source(%arg12 : memref<100x128xf32, #tpu.memory_space<vmem>>) target(%dma_start3A_260 : memref<10000x128xf32, #tpu.memory_space<vmem_shared>>) offsets(%dma_start3A_257 : memref<100xi32, #tpu.memory_space<vmem>>) semaphore(%arg19 : memref<!tpu.dma_semaphore, #tpu.memory_space<semaphore_mem>>) {add = true}
    %scan3A_261 = arith.constant 0 : i32
    %scan3A_262 = arith.constant 0 : i32
    %scan3A_263 = arith.constant 24 : i32
    %scan3A_264 = arith.addi %scan3A_262, %scan3A_263 : i32
    %scan3A_265 = arith.constant 1 : i32
    scf.for %scan3A_322 = %scan3A_262 to %scan3A_264 step %scan3A_265  : i32 {
      %mul3A_323 = arith.constant 2 : i32
      %mul3A_324 = arith.muli %scan3A_322, %mul3A_323 : i32
      %dma_wait3A_325 = arith.constant 0 : i32
      %dma_wait3A_326 = tpu.memref_slice %arg11[%mul3A_324, %dma_wait3A_325] : memref<50x100xi32, #tpu.memory_space<vmem>> -> memref<1x100xi32, #tpu.memory_space<vmem>>
      %dma_wait3A_327 = tpu.memref_squeeze %dma_wait3A_326 : memref<1x100xi32, #tpu.memory_space<vmem>> -> memref<100xi32, #tpu.memory_space<vmem>>
      %dma_wait3A_328 = arith.constant 0 : i32
      %dma_wait3A_329 = arith.constant 0 : i32
      %dma_wait3A_330 = tpu.memref_slice %arg9[%dma_wait3A_328, %dma_wait3A_329] : memref<10000x128xf32, #tpu.memory_space<vmem_shared>> -> memref<10000x128xf32, #tpu.memory_space<vmem_shared>>
      tpu.wait_indirect_dma semaphore(%arg18 : memref<!tpu.dma_semaphore, #tpu.memory_space<semaphore_mem>>) src(%arg12 : memref<100x128xf32, #tpu.memory_space<vmem>>) dst(%dma_wait3A_330 : memref<10000x128xf32, #tpu.memory_space<vmem_shared>>)
      %add3A_331 = arith.constant 2 : i32
      %add3A_332 = arith.addi %mul3A_324, %add3A_331 : i32
      %dma_start3A_333 = arith.constant 0 : i32
      %dma_start3A_334 = tpu.memref_slice %arg11[%add3A_332, %dma_start3A_333] : memref<50x100xi32, #tpu.memory_space<vmem>> -> memref<1x100xi32, #tpu.memory_space<vmem>>
      %dma_start3A_335 = tpu.memref_squeeze %dma_start3A_334 : memref<1x100xi32, #tpu.memory_space<vmem>> -> memref<100xi32, #tpu.memory_space<vmem>>
      %dma_start3A_336 = arith.constant 0 : i32
      %dma_start3A_337 = arith.constant 0 : i32
      %dma_start3A_338 = tpu.memref_slice %arg9[%dma_start3A_336, %dma_start3A_337] : memref<10000x128xf32, #tpu.memory_space<vmem_shared>> -> memref<10000x128xf32, #tpu.memory_space<vmem_shared>>
      tpu.enqueue_indirect_dma source(%arg12 : memref<100x128xf32, #tpu.memory_space<vmem>>) target(%dma_start3A_338 : memref<10000x128xf32, #tpu.memory_space<vmem_shared>>) offsets(%dma_start3A_335 : memref<100xi32, #tpu.memory_space<vmem>>) semaphore(%arg18 : memref<!tpu.dma_semaphore, #tpu.memory_space<semaphore_mem>>) {add = true}
      %add3A_339 = arith.constant 1 : i32
      %add3A_340 = arith.addi %mul3A_324, %add3A_339 : i32
      %dma_wait3A_341 = arith.constant 0 : i32
      %dma_wait3A_342 = tpu.memref_slice %arg11[%add3A_340, %dma_wait3A_341] : memref<50x100xi32, #tpu.memory_space<vmem>> -> memref<1x100xi32, #tpu.memory_space<vmem>>
      %dma_wait3A_343 = tpu.memref_squeeze %dma_wait3A_342 : memref<1x100xi32, #tpu.memory_space<vmem>> -> memref<100xi32, #tpu.memory_space<vmem>>
      %dma_wait3A_344 = arith.constant 0 : i32
      %dma_wait3A_345 = arith.constant 0 : i32
      %dma_wait3A_346 = tpu.memref_slice %arg9[%dma_wait3A_344, %dma_wait3A_345] : memref<10000x128xf32, #tpu.memory_space<vmem_shared>> -> memref<10000x128xf32, #tpu.memory_space<vmem_shared>>
      tpu.wait_indirect_dma semaphore(%arg19 : memref<!tpu.dma_semaphore, #tpu.memory_space<semaphore_mem>>) src(%arg12 : memref<100x128xf32, #tpu.memory_space<vmem>>) dst(%dma_wait3A_346 : memref<10000x128xf32, #tpu.memory_space<vmem_shared>>)
      %add3A_347 = arith.constant 3 : i32
      %add3A_348 = arith.addi %mul3A_324, %add3A_347 : i32
      %dma_start3A_349 = arith.constant 0 : i32
      %dma_start3A_350 = tpu.memref_slice %arg11[%add3A_348, %dma_start3A_349] : memref<50x100xi32, #tpu.memory_space<vmem>> -> memref<1x100xi32, #tpu.memory_space<vmem>>
      %dma_start3A_351 = tpu.memref_squeeze %dma_start3A_350 : memref<1x100xi32, #tpu.memory_space<vmem>> -> memref<100xi32, #tpu.memory_space<vmem>>
      %dma_start3A_352 = arith.constant 0 : i32
      %dma_start3A_353 = arith.constant 0 : i32
      %dma_start3A_354 = tpu.memref_slice %arg9[%dma_start3A_352, %dma_start3A_353] : memref<10000x128xf32, #tpu.memory_space<vmem_shared>> -> memref<10000x128xf32, #tpu.memory_space<vmem_shared>>
      tpu.enqueue_indirect_dma source(%arg12 : memref<100x128xf32, #tpu.memory_space<vmem>>) target(%dma_start3A_354 : memref<10000x128xf32, #tpu.memory_space<vmem_shared>>) offsets(%dma_start3A_351 : memref<100xi32, #tpu.memory_space<vmem>>) semaphore(%arg19 : memref<!tpu.dma_semaphore, #tpu.memory_space<semaphore_mem>>) {add = true}
    }
    %scan3A_266 = arith.constant 24 : i32
    %dma_wait3A_267 = arith.constant 48 : i32
    %dma_wait3A_268 = arith.constant 0 : i32
    %dma_wait3A_269 = tpu.memref_slice %arg11[%dma_wait3A_267, %dma_wait3A_268] : memref<50x100xi32, #tpu.memory_space<vmem>> -> memref<1x100xi32, #tpu.memory_space<vmem>>
    %dma_wait3A_270 = tpu.memref_squeeze %dma_wait3A_269 : memref<1x100xi32, #tpu.memory_space<vmem>> -> memref<100xi32, #tpu.memory_space<vmem>>
    %dma_wait3A_271 = arith.constant 0 : i32
    %dma_wait3A_272 = arith.constant 0 : i32
    %dma_wait3A_273 = tpu.memref_slice %arg9[%dma_wait3A_271, %dma_wait3A_272] : memref<10000x128xf32, #tpu.memory_space<vmem_shared>> -> memref<10000x128xf32, #tpu.memory_space<vmem_shared>>
    tpu.wait_indirect_dma semaphore(%arg18 : memref<!tpu.dma_semaphore, #tpu.memory_space<semaphore_mem>>) src(%arg12 : memref<100x128xf32, #tpu.memory_space<vmem>>) dst(%dma_wait3A_273 : memref<10000x128xf32, #tpu.memory_space<vmem_shared>>)
    %dma_wait3A_274 = arith.constant 49 : i32
    %dma_wait3A_275 = arith.constant 0 : i32
    %dma_wait3A_276 = tpu.memref_slice %arg11[%dma_wait3A_274, %dma_wait3A_275] : memref<50x100xi32, #tpu.memory_space<vmem>> -> memref<1x100xi32, #tpu.memory_space<vmem>>
    %dma_wait3A_277 = tpu.memref_squeeze %dma_wait3A_276 : memref<1x100xi32, #tpu.memory_space<vmem>> -> memref<100xi32, #tpu.memory_space<vmem>>
    %dma_wait3A_278 = arith.constant 0 : i32
    %dma_wait3A_279 = arith.constant 0 : i32
    %dma_wait3A_280 = tpu.memref_slice %arg9[%dma_wait3A_278, %dma_wait3A_279] : memref<10000x128xf32, #tpu.memory_space<vmem_shared>> -> memref<10000x128xf32, #tpu.memory_space<vmem_shared>>
    tpu.wait_indirect_dma semaphore(%arg19 : memref<!tpu.dma_semaphore, #tpu.memory_space<semaphore_mem>>) src(%arg12 : memref<100x128xf32, #tpu.memory_space<vmem>>) dst(%dma_wait3A_280 : memref<10000x128xf32, #tpu.memory_space<vmem_shared>>)
    %run_scoped3A_281 = arith.constant 1 : i32
    "tpu.region"() ({
      %run_scoped3A_322 = tpu.sem_alloc : memref<!tpu.dma_semaphore, #tpu.memory_space<semaphore_mem>>
      %dma_start3A_323 = arith.constant 0 : i32
      %dma_start3A_324 = arith.constant 0 : i32
      %dma_start3A_325 = tpu.memref_slice %arg4[%add3A, %run_scoped3A_281, %dma_start3A_323, %dma_start3A_324] : memref<32x2x50x100xi32, #tpu.memory_space<hbm>> -> memref<1x1x50x100xi32, #tpu.memory_space<hbm>>
      %dma_start3A_326 = tpu.memref_squeeze %dma_start3A_325 : memref<1x1x50x100xi32, #tpu.memory_space<hbm>> -> memref<50x100xi32, #tpu.memory_space<hbm>>
      %dma_start3A_327 = arith.constant 0 : i32
      %dma_start3A_328 = arith.constant 0 : i32
      %dma_start3A_329 = tpu.memref_slice %arg4[%add3A, %run_scoped3A_281, %dma_start3A_327, %dma_start3A_328] : memref<32x2x50x100xi32, #tpu.memory_space<hbm>> -> memref<1x1x50x100xi32, #tpu.memory_space<hbm>>
      %dma_start3A_330 = tpu.memref_squeeze %dma_start3A_329 : memref<1x1x50x100xi32, #tpu.memory_space<hbm>> -> memref<50x100xi32, #tpu.memory_space<hbm>>
      tpu.enqueue_dma source(%dma_start3A_330 : memref<50x100xi32, #tpu.memory_space<hbm>>) target(%arg11 : memref<50x100xi32, #tpu.memory_space<vmem>>) target_semaphore(%run_scoped3A_322 : memref<!tpu.dma_semaphore, #tpu.memory_space<semaphore_mem>>)
      %dma_wait3A_331 = arith.constant 0 : i32
      %dma_wait3A_332 = arith.constant 0 : i32
      %dma_wait3A_333 = tpu.memref_slice %arg4[%add3A, %run_scoped3A_281, %dma_wait3A_331, %dma_wait3A_332] : memref<32x2x50x100xi32, #tpu.memory_space<hbm>> -> memref<1x1x50x100xi32, #tpu.memory_space<hbm>>
      %dma_wait3A_334 = tpu.memref_squeeze %dma_wait3A_333 : memref<1x1x50x100xi32, #tpu.memory_space<hbm>> -> memref<50x100xi32, #tpu.memory_space<hbm>>
      %dma_wait3A_335 = arith.constant 0 : i32
      %dma_wait3A_336 = arith.constant 0 : i32
      %dma_wait3A_337 = tpu.memref_slice %arg4[%add3A, %run_scoped3A_281, %dma_wait3A_335, %dma_wait3A_336] : memref<32x2x50x100xi32, #tpu.memory_space<hbm>> -> memref<1x1x50x100xi32, #tpu.memory_space<hbm>>
      %dma_wait3A_338 = tpu.memref_squeeze %dma_wait3A_337 : memref<1x1x50x100xi32, #tpu.memory_space<hbm>> -> memref<50x100xi32, #tpu.memory_space<hbm>>
      tpu.wait_dma2 semaphore(%run_scoped3A_322 : memref<!tpu.dma_semaphore, #tpu.memory_space<semaphore_mem>>) src(%dma_wait3A_338 : memref<50x100xi32, #tpu.memory_space<hbm>>) dst(%arg11 : memref<50x100xi32, #tpu.memory_space<vmem>>)
      tpu.yield
    }) : () -> ()
    %dma_start3A_282 = arith.constant 0 : i32
    %dma_start3A_283 = arith.constant 0 : i32
    %dma_start3A_284 = tpu.memref_slice %arg11[%dma_start3A_282, %dma_start3A_283] : memref<50x100xi32, #tpu.memory_space<vmem>> -> memref<1x100xi32, #tpu.memory_space<vmem>>
    %dma_start3A_285 = tpu.memref_squeeze %dma_start3A_284 : memref<1x100xi32, #tpu.memory_space<vmem>> -> memref<100xi32, #tpu.memory_space<vmem>>
    %dma_start3A_286 = arith.constant 0 : i32
    %dma_start3A_287 = arith.constant 0 : i32
    %dma_start3A_288 = tpu.memref_slice %arg9[%dma_start3A_286, %dma_start3A_287] : memref<10000x128xf32, #tpu.memory_space<vmem_shared>> -> memref<10000x128xf32, #tpu.memory_space<vmem_shared>>
    tpu.enqueue_indirect_dma source(%arg12 : memref<100x128xf32, #tpu.memory_space<vmem>>) target(%dma_start3A_288 : memref<10000x128xf32, #tpu.memory_space<vmem_shared>>) offsets(%dma_start3A_285 : memref<100xi32, #tpu.memory_space<vmem>>) semaphore(%arg18 : memref<!tpu.dma_semaphore, #tpu.memory_space<semaphore_mem>>) {add = true}
    %dma_start3A_289 = arith.constant 1 : i32
    %dma_start3A_290 = arith.constant 0 : i32
    %dma_start3A_291 = tpu.memref_slice %arg11[%dma_start3A_289, %dma_start3A_290] : memref<50x100xi32, #tpu.memory_space<vmem>> -> memref<1x100xi32, #tpu.memory_space<vmem>>
    %dma_start3A_292 = tpu.memref_squeeze %dma_start3A_291 : memref<1x100xi32, #tpu.memory_space<vmem>> -> memref<100xi32, #tpu.memory_space<vmem>>
    %dma_start3A_293 = arith.constant 0 : i32
    %dma_start3A_294 = arith.constant 0 : i32
    %dma_start3A_295 = tpu.memref_slice %arg9[%dma_start3A_293, %dma_start3A_294] : memref<10000x128xf32, #tpu.memory_space<vmem_shared>> -> memref<10000x128xf32, #tpu.memory_space<vmem_shared>>
    tpu.enqueue_indirect_dma source(%arg12 : memref<100x128xf32, #tpu.memory_space<vmem>>) target(%dma_start3A_295 : memref<10000x128xf32, #tpu.memory_space<vmem_shared>>) offsets(%dma_start3A_292 : memref<100xi32, #tpu.memory_space<vmem>>) semaphore(%arg19 : memref<!tpu.dma_semaphore, #tpu.memory_space<semaphore_mem>>) {add = true}
    %scan3A_296 = arith.constant 0 : i32
    %scan3A_297 = arith.constant 0 : i32
    %scan3A_298 = arith.constant 24 : i32
    %scan3A_299 = arith.addi %scan3A_297, %scan3A_298 : i32
    %scan3A_300 = arith.constant 1 : i32
    scf.for %scan3A_322 = %scan3A_297 to %scan3A_299 step %scan3A_300  : i32 {
      %mul3A_323 = arith.constant 2 : i32
      %mul3A_324 = arith.muli %scan3A_322, %mul3A_323 : i32
      %dma_wait3A_325 = arith.constant 0 : i32
      %dma_wait3A_326 = tpu.memref_slice %arg11[%mul3A_324, %dma_wait3A_325] : memref<50x100xi32, #tpu.memory_space<vmem>> -> memref<1x100xi32, #tpu.memory_space<vmem>>
      %dma_wait3A_327 = tpu.memref_squeeze %dma_wait3A_326 : memref<1x100xi32, #tpu.memory_space<vmem>> -> memref<100xi32, #tpu.memory_space<vmem>>
      %dma_wait3A_328 = arith.constant 0 : i32
      %dma_wait3A_329 = arith.constant 0 : i32
      %dma_wait3A_330 = tpu.memref_slice %arg9[%dma_wait3A_328, %dma_wait3A_329] : memref<10000x128xf32, #tpu.memory_space<vmem_shared>> -> memref<10000x128xf32, #tpu.memory_space<vmem_shared>>
      tpu.wait_indirect_dma semaphore(%arg18 : memref<!tpu.dma_semaphore, #tpu.memory_space<semaphore_mem>>) src(%arg12 : memref<100x128xf32, #tpu.memory_space<vmem>>) dst(%dma_wait3A_330 : memref<10000x128xf32, #tpu.memory_space<vmem_shared>>)
      %add3A_331 = arith.constant 2 : i32
      %add3A_332 = arith.addi %mul3A_324, %add3A_331 : i32
      %dma_start3A_333 = arith.constant 0 : i32
      %dma_start3A_334 = tpu.memref_slice %arg11[%add3A_332, %dma_start3A_333] : memref<50x100xi32, #tpu.memory_space<vmem>> -> memref<1x100xi32, #tpu.memory_space<vmem>>
      %dma_start3A_335 = tpu.memref_squeeze %dma_start3A_334 : memref<1x100xi32, #tpu.memory_space<vmem>> -> memref<100xi32, #tpu.memory_space<vmem>>
      %dma_start3A_336 = arith.constant 0 : i32
      %dma_start3A_337 = arith.constant 0 : i32
      %dma_start3A_338 = tpu.memref_slice %arg9[%dma_start3A_336, %dma_start3A_337] : memref<10000x128xf32, #tpu.memory_space<vmem_shared>> -> memref<10000x128xf32, #tpu.memory_space<vmem_shared>>
      tpu.enqueue_indirect_dma source(%arg12 : memref<100x128xf32, #tpu.memory_space<vmem>>) target(%dma_start3A_338 : memref<10000x128xf32, #tpu.memory_space<vmem_shared>>) offsets(%dma_start3A_335 : memref<100xi32, #tpu.memory_space<vmem>>) semaphore(%arg18 : memref<!tpu.dma_semaphore, #tpu.memory_space<semaphore_mem>>) {add = true}
      %add3A_339 = arith.constant 1 : i32
      %add3A_340 = arith.addi %mul3A_324, %add3A_339 : i32
      %dma_wait3A_341 = arith.constant 0 : i32
      %dma_wait3A_342 = tpu.memref_slice %arg11[%add3A_340, %dma_wait3A_341] : memref<50x100xi32, #tpu.memory_space<vmem>> -> memref<1x100xi32, #tpu.memory_space<vmem>>
      %dma_wait3A_343 = tpu.memref_squeeze %dma_wait3A_342 : memref<1x100xi32, #tpu.memory_space<vmem>> -> memref<100xi32, #tpu.memory_space<vmem>>
      %dma_wait3A_344 = arith.constant 0 : i32
      %dma_wait3A_345 = arith.constant 0 : i32
      %dma_wait3A_346 = tpu.memref_slice %arg9[%dma_wait3A_344, %dma_wait3A_345] : memref<10000x128xf32, #tpu.memory_space<vmem_shared>> -> memref<10000x128xf32, #tpu.memory_space<vmem_shared>>
      tpu.wait_indirect_dma semaphore(%arg19 : memref<!tpu.dma_semaphore, #tpu.memory_space<semaphore_mem>>) src(%arg12 : memref<100x128xf32, #tpu.memory_space<vmem>>) dst(%dma_wait3A_346 : memref<10000x128xf32, #tpu.memory_space<vmem_shared>>)
      %add3A_347 = arith.constant 3 : i32
      %add3A_348 = arith.addi %mul3A_324, %add3A_347 : i32
      %dma_start3A_349 = arith.constant 0 : i32
      %dma_start3A_350 = tpu.memref_slice %arg11[%add3A_348, %dma_start3A_349] : memref<50x100xi32, #tpu.memory_space<vmem>> -> memref<1x100xi32, #tpu.memory_space<vmem>>
      %dma_start3A_351 = tpu.memref_squeeze %dma_start3A_350 : memref<1x100xi32, #tpu.memory_space<vmem>> -> memref<100xi32, #tpu.memory_space<vmem>>
      %dma_start3A_352 = arith.constant 0 : i32
      %dma_start3A_353 = arith.constant 0 : i32
      %dma_start3A_354 = tpu.memref_slice %arg9[%dma_start3A_352, %dma_start3A_353] : memref<10000x128xf32, #tpu.memory_space<vmem_shared>> -> memref<10000x128xf32, #tpu.memory_space<vmem_shared>>
      tpu.enqueue_indirect_dma source(%arg12 : memref<100x128xf32, #tpu.memory_space<vmem>>) target(%dma_start3A_354 : memref<10000x128xf32, #tpu.memory_space<vmem_shared>>) offsets(%dma_start3A_351 : memref<100xi32, #tpu.memory_space<vmem>>) semaphore(%arg19 : memref<!tpu.dma_semaphore, #tpu.memory_space<semaphore_mem>>) {add = true}
    }
    %scan3A_301 = arith.constant 24 : i32
    %dma_wait3A_302 = arith.constant 48 : i32
    %dma_wait3A_303 = arith.constant 0 : i32
    %dma_wait3A_304 = tpu.memref_slice %arg11[%dma_wait3A_302, %dma_wait3A_303] : memref<50x100xi32, #tpu.memory_space<vmem>> -> memref<1x100xi32, #tpu.memory_space<vmem>>
    %dma_wait3A_305 = tpu.memref_squeeze %dma_wait3A_304 : memref<1x100xi32, #tpu.memory_space<vmem>> -> memref<100xi32, #tpu.memory_space<vmem>>
    %dma_wait3A_306 = arith.constant 0 : i32
    %dma_wait3A_307 = arith.constant 0 : i32
    %dma_wait3A_308 = tpu.memref_slice %arg9[%dma_wait3A_306, %dma_wait3A_307] : memref<10000x128xf32, #tpu.memory_space<vmem_shared>> -> memref<10000x128xf32, #tpu.memory_space<vmem_shared>>
    tpu.wait_indirect_dma semaphore(%arg18 : memref<!tpu.dma_semaphore, #tpu.memory_space<semaphore_mem>>) src(%arg12 : memref<100x128xf32, #tpu.memory_space<vmem>>) dst(%dma_wait3A_308 : memref<10000x128xf32, #tpu.memory_space<vmem_shared>>)
    %dma_wait3A_309 = arith.constant 49 : i32
    %dma_wait3A_310 = arith.constant 0 : i32
    %dma_wait3A_311 = tpu.memref_slice %arg11[%dma_wait3A_309, %dma_wait3A_310] : memref<50x100xi32, #tpu.memory_space<vmem>> -> memref<1x100xi32, #tpu.memory_space<vmem>>
    %dma_wait3A_312 = tpu.memref_squeeze %dma_wait3A_311 : memref<1x100xi32, #tpu.memory_space<vmem>> -> memref<100xi32, #tpu.memory_space<vmem>>
    %dma_wait3A_313 = arith.constant 0 : i32
    %dma_wait3A_314 = arith.constant 0 : i32
    %dma_wait3A_315 = tpu.memref_slice %arg9[%dma_wait3A_313, %dma_wait3A_314] : memref<10000x128xf32, #tpu.memory_space<vmem_shared>> -> memref<10000x128xf32, #tpu.memory_space<vmem_shared>>
    tpu.wait_indirect_dma semaphore(%arg19 : memref<!tpu.dma_semaphore, #tpu.memory_space<semaphore_mem>>) src(%arg12 : memref<100x128xf32, #tpu.memory_space<vmem>>) dst(%dma_wait3A_315 : memref<10000x128xf32, #tpu.memory_space<vmem_shared>>)
    %barrier3A_316 = arith.constant 0 : index
    tpu.barrier barrier_id(%barrier3A_316)
    "tpu.region"() ({
      %run_scoped3A_322 = tpu.sem_alloc : memref<!tpu.dma_semaphore, #tpu.memory_space<semaphore_mem>>
      %dma_start3A_323 = arith.constant 0 : i32
      %dma_start3A_324 = tpu.memref_slice %arg8[%arg0, %mul3A_2, %dma_start3A_323] : memref<2x10000x128xf32, #tpu.memory_space<hbm>> -> memref<1x624x128xf32, #tpu.memory_space<hbm>>
      %dma_start3A_325 = tpu.memref_squeeze %dma_start3A_324 : memref<1x624x128xf32, #tpu.memory_space<hbm>> -> memref<624x128xf32, #tpu.memory_space<hbm>>
      %dma_start3A_326 = arith.constant 0 : i32
      %dma_start3A_327 = tpu.memref_slice %arg9[%mul3A_2, %dma_start3A_326] : memref<10000x128xf32, #tpu.memory_space<vmem_shared>> -> memref<624x128xf32, #tpu.memory_space<vmem_shared>>
      tpu.enqueue_dma source(%dma_start3A_327 : memref<624x128xf32, #tpu.memory_space<vmem_shared>>) target(%dma_start3A_325 : memref<624x128xf32, #tpu.memory_space<hbm>>) target_semaphore(%run_scoped3A_322 : memref<!tpu.dma_semaphore, #tpu.memory_space<semaphore_mem>>)
      %dma_wait3A_328 = arith.constant 0 : i32
      %dma_wait3A_329 = tpu.memref_slice %arg8[%arg0, %mul3A_2, %dma_wait3A_328] : memref<2x10000x128xf32, #tpu.memory_space<hbm>> -> memref<1x624x128xf32, #tpu.memory_space<hbm>>
      %dma_wait3A_330 = tpu.memref_squeeze %dma_wait3A_329 : memref<1x624x128xf32, #tpu.memory_space<hbm>> -> memref<624x128xf32, #tpu.memory_space<hbm>>
      %dma_wait3A_331 = arith.constant 0 : i32
      %dma_wait3A_332 = tpu.memref_slice %arg9[%mul3A_2, %dma_wait3A_331] : memref<10000x128xf32, #tpu.memory_space<vmem_shared>> -> memref<624x128xf32, #tpu.memory_space<vmem_shared>>
      tpu.wait_dma2 semaphore(%run_scoped3A_322 : memref<!tpu.dma_semaphore, #tpu.memory_space<semaphore_mem>>) src(%dma_wait3A_332 : memref<624x128xf32, #tpu.memory_space<vmem_shared>>) dst(%dma_wait3A_330 : memref<624x128xf32, #tpu.memory_space<hbm>>)
      tpu.yield
    }) : () -> ()
    %eq3A_317 = arith.constant 0 : i32
    %eq3A_318 = arith.cmpi eq, %arg1, %eq3A_317 : i32
    %convert_element_type3A_319 = arith.extui %eq3A_318 : i1 to i32
    %cond3A_320 = arith.constant 0 : i32
    %cond3A_321 = arith.cmpi ne, %convert_element_type3A_319, %cond3A_320 : i32
    scf.if %cond3A_321 {
      "tpu.region"() ({
        %run_scoped3A_322 = tpu.sem_alloc : memref<!tpu.dma_semaphore, #tpu.memory_space<semaphore_mem>>
        %dma_start3A_323 = arith.constant 9984 : i32
        %dma_start3A_324 = arith.constant 0 : i32
        %dma_start3A_325 = tpu.memref_slice %arg8[%arg0, %dma_start3A_323, %dma_start3A_324] : memref<2x10000x128xf32, #tpu.memory_space<hbm>> -> memref<1x16x128xf32, #tpu.memory_space<hbm>>
        %dma_start3A_326 = tpu.memref_squeeze %dma_start3A_325 : memref<1x16x128xf32, #tpu.memory_space<hbm>> -> memref<16x128xf32, #tpu.memory_space<hbm>>
        %dma_start3A_327 = arith.constant 9984 : i32
        %dma_start3A_328 = arith.constant 0 : i32
        %dma_start3A_329 = tpu.memref_slice %arg9[%dma_start3A_327, %dma_start3A_328] : memref<10000x128xf32, #tpu.memory_space<vmem_shared>> -> memref<16x128xf32, #tpu.memory_space<vmem_shared>>
        tpu.enqueue_dma source(%dma_start3A_329 : memref<16x128xf32, #tpu.memory_space<vmem_shared>>) target(%dma_start3A_326 : memref<16x128xf32, #tpu.memory_space<hbm>>) target_semaphore(%run_scoped3A_322 : memref<!tpu.dma_semaphore, #tpu.memory_space<semaphore_mem>>)
        %dma_wait3A_330 = arith.constant 9984 : i32
        %dma_wait3A_331 = arith.constant 0 : i32
        %dma_wait3A_332 = tpu.memref_slice %arg8[%arg0, %dma_wait3A_330, %dma_wait3A_331] : memref<2x10000x128xf32, #tpu.memory_space<hbm>> -> memref<1x16x128xf32, #tpu.memory_space<hbm>>
        %dma_wait3A_333 = tpu.memref_squeeze %dma_wait3A_332 : memref<1x16x128xf32, #tpu.memory_space<hbm>> -> memref<16x128xf32, #tpu.memory_space<hbm>>
        %dma_wait3A_334 = arith.constant 9984 : i32
        %dma_wait3A_335 = arith.constant 0 : i32
        %dma_wait3A_336 = tpu.memref_slice %arg9[%dma_wait3A_334, %dma_wait3A_335] : memref<10000x128xf32, #tpu.memory_space<vmem_shared>> -> memref<16x128xf32, #tpu.memory_space<vmem_shared>>
        tpu.wait_dma2 semaphore(%run_scoped3A_322 : memref<!tpu.dma_semaphore, #tpu.memory_space<semaphore_mem>>) src(%dma_wait3A_336 : memref<16x128xf32, #tpu.memory_space<vmem_shared>>) dst(%dma_wait3A_333 : memref<16x128xf32, #tpu.memory_space<hbm>>)
        tpu.yield
      }) : () -> ()
    } else {
    }
    return
  }
}

#map = affine_map<(d0, d1) -> (0, 0)>
#map1 = affine_map<(d0, d1) -> (0, 0, 0, 0)>
#map2 = affine_map<(d0, d1) -> (0, 0, 0)>
module attributes {stable_mosaic.version = 14 : i64} {
  func.func @sage_sc_aggregate(%arg0: i32, %arg1: i32, %arg2: memref<10000x128xf32, #tpu.memory_space<hbm>>, %arg3: memref<32x2x50x100xi32, #tpu.memory_space<hbm>>, %arg4: memref<32x2x50x100xi32, #tpu.memory_space<hbm>>, %arg5: memref<10000x128xf32, #tpu.memory_space<hbm>>, %arg6: memref<100x128xf32, #tpu.memory_space<hbm>>, %arg7: memref<2x10000x128xf32, #tpu.memory_space<hbm>>, %arg8: memref<10000x128xf32, #tpu.memory_space<vmem_shared>>, %arg9: memref<50x100xi32, #tpu.memory_space<vmem>>, %arg10: memref<50x100xi32, #tpu.memory_space<vmem>>, %arg11: memref<100x128xf32, #tpu.memory_space<vmem>>, %arg12: memref<100x128xf32, #tpu.memory_space<vmem>>, %arg13: memref<!tpu.dma_semaphore, #tpu.memory_space<semaphore_mem>>, %arg14: memref<!tpu.dma_semaphore, #tpu.memory_space<semaphore_mem>>, %arg15: memref<!tpu.dma_semaphore, #tpu.memory_space<semaphore_mem>>, %arg16: memref<!tpu.dma_semaphore, #tpu.memory_space<semaphore_mem>>, %arg17: memref<!tpu.dma_semaphore, #tpu.memory_space<semaphore_mem>>, %arg18: memref<!tpu.dma_semaphore, #tpu.memory_space<semaphore_mem>>) attributes {dimension_semantics = [#tpu.dimension_semantics<core_parallel>, #tpu.dimension_semantics<subcore_parallel>], iteration_bounds = array<i64: 2, 16>, scalar_prefetch = 0 : i64, scratch_operands = 11 : i64, tpu.core_type = #tpu.core_type<sc_vector_subcore>, window_params = [{transform_indices = #map}, {transform_indices = #map1}, {transform_indices = #map1}, {transform_indices = #map}, {transform_indices = #map}, {transform_indices = #map2}]} {
    %mul3A = arith.constant 16 : i32
    %mul3A_0 = arith.muli %arg0, %mul3A : i32
    %add3A = arith.addi %mul3A_0, %arg1 : i32
    %mul3A_1 = arith.constant 624 : i32
    %mul3A_2 = arith.muli %arg1, %mul3A_1 : i32
    "tpu.region"() ({
      %run_scoped3A_239 = tpu.sem_alloc : memref<!tpu.dma_semaphore, #tpu.memory_space<semaphore_mem>>
      %dma_start3A_240 = arith.constant 0 : i32
      %dma_start3A_241 = tpu.memref_slice %arg8[%mul3A_2, %dma_start3A_240] : memref<10000x128xf32, #tpu.memory_space<vmem_shared>> -> memref<624x128xf32, #tpu.memory_space<vmem_shared>>
      %dma_start3A_242 = arith.constant 0 : i32
      %dma_start3A_243 = tpu.memref_slice %arg5[%mul3A_2, %dma_start3A_242] : memref<10000x128xf32, #tpu.memory_space<hbm>> -> memref<624x128xf32, #tpu.memory_space<hbm>>
      tpu.enqueue_dma source(%dma_start3A_243 : memref<624x128xf32, #tpu.memory_space<hbm>>) target(%dma_start3A_241 : memref<624x128xf32, #tpu.memory_space<vmem_shared>>) target_semaphore(%run_scoped3A_239 : memref<!tpu.dma_semaphore, #tpu.memory_space<semaphore_mem>>)
      %dma_wait3A_244 = arith.constant 0 : i32
      %dma_wait3A_245 = tpu.memref_slice %arg8[%mul3A_2, %dma_wait3A_244] : memref<10000x128xf32, #tpu.memory_space<vmem_shared>> -> memref<624x128xf32, #tpu.memory_space<vmem_shared>>
      %dma_wait3A_246 = arith.constant 0 : i32
      %dma_wait3A_247 = tpu.memref_slice %arg5[%mul3A_2, %dma_wait3A_246] : memref<10000x128xf32, #tpu.memory_space<hbm>> -> memref<624x128xf32, #tpu.memory_space<hbm>>
      tpu.wait_dma2 semaphore(%run_scoped3A_239 : memref<!tpu.dma_semaphore, #tpu.memory_space<semaphore_mem>>) src(%dma_wait3A_247 : memref<624x128xf32, #tpu.memory_space<hbm>>) dst(%dma_wait3A_245 : memref<624x128xf32, #tpu.memory_space<vmem_shared>>)
      tpu.yield
    }) : () -> ()
    %eq3A = arith.constant 0 : i32
    %eq3A_3 = arith.cmpi eq, %arg1, %eq3A : i32
    %convert_element_type3A = arith.extui %eq3A_3 : i1 to i32
    %cond3A = arith.constant 0 : i32
    %cond3A_4 = arith.cmpi ne, %convert_element_type3A, %cond3A : i32
    scf.if %cond3A_4 {
      "tpu.region"() ({
        %run_scoped3A_239 = tpu.sem_alloc : memref<!tpu.dma_semaphore, #tpu.memory_space<semaphore_mem>>
        %dma_start3A_240 = arith.constant 9984 : i32
        %dma_start3A_241 = arith.constant 0 : i32
        %dma_start3A_242 = tpu.memref_slice %arg8[%dma_start3A_240, %dma_start3A_241] : memref<10000x128xf32, #tpu.memory_space<vmem_shared>> -> memref<16x128xf32, #tpu.memory_space<vmem_shared>>
        %dma_start3A_243 = arith.constant 9984 : i32
        %dma_start3A_244 = arith.constant 0 : i32
        %dma_start3A_245 = tpu.memref_slice %arg5[%dma_start3A_243, %dma_start3A_244] : memref<10000x128xf32, #tpu.memory_space<hbm>> -> memref<16x128xf32, #tpu.memory_space<hbm>>
        tpu.enqueue_dma source(%dma_start3A_245 : memref<16x128xf32, #tpu.memory_space<hbm>>) target(%dma_start3A_242 : memref<16x128xf32, #tpu.memory_space<vmem_shared>>) target_semaphore(%run_scoped3A_239 : memref<!tpu.dma_semaphore, #tpu.memory_space<semaphore_mem>>)
        %dma_wait3A_246 = arith.constant 9984 : i32
        %dma_wait3A_247 = arith.constant 0 : i32
        %dma_wait3A_248 = tpu.memref_slice %arg8[%dma_wait3A_246, %dma_wait3A_247] : memref<10000x128xf32, #tpu.memory_space<vmem_shared>> -> memref<16x128xf32, #tpu.memory_space<vmem_shared>>
        %dma_wait3A_249 = arith.constant 9984 : i32
        %dma_wait3A_250 = arith.constant 0 : i32
        %dma_wait3A_251 = tpu.memref_slice %arg5[%dma_wait3A_249, %dma_wait3A_250] : memref<10000x128xf32, #tpu.memory_space<hbm>> -> memref<16x128xf32, #tpu.memory_space<hbm>>
        tpu.wait_dma2 semaphore(%run_scoped3A_239 : memref<!tpu.dma_semaphore, #tpu.memory_space<semaphore_mem>>) src(%dma_wait3A_251 : memref<16x128xf32, #tpu.memory_space<hbm>>) dst(%dma_wait3A_248 : memref<16x128xf32, #tpu.memory_space<vmem_shared>>)
        tpu.yield
      }) : () -> ()
    } else {
    }
    %barrier3A = arith.constant 0 : index
    tpu.barrier barrier_id(%barrier3A)
    %run_scoped3A = arith.constant 0 : i32
    "tpu.region"() ({
      %run_scoped3A_239 = tpu.sem_alloc : memref<!tpu.dma_semaphore, #tpu.memory_space<semaphore_mem>>
      %dma_start3A_240 = arith.constant 0 : i32
      %dma_start3A_241 = arith.constant 0 : i32
      %dma_start3A_242 = tpu.memref_slice %arg3[%add3A, %run_scoped3A, %dma_start3A_240, %dma_start3A_241] : memref<32x2x50x100xi32, #tpu.memory_space<hbm>> -> memref<1x1x50x100xi32, #tpu.memory_space<hbm>>
      %dma_start3A_243 = tpu.memref_squeeze %dma_start3A_242 : memref<1x1x50x100xi32, #tpu.memory_space<hbm>> -> memref<50x100xi32, #tpu.memory_space<hbm>>
      %dma_start3A_244 = arith.constant 0 : i32
      %dma_start3A_245 = arith.constant 0 : i32
      %dma_start3A_246 = tpu.memref_slice %arg3[%add3A, %run_scoped3A, %dma_start3A_244, %dma_start3A_245] : memref<32x2x50x100xi32, #tpu.memory_space<hbm>> -> memref<1x1x50x100xi32, #tpu.memory_space<hbm>>
      %dma_start3A_247 = tpu.memref_squeeze %dma_start3A_246 : memref<1x1x50x100xi32, #tpu.memory_space<hbm>> -> memref<50x100xi32, #tpu.memory_space<hbm>>
      tpu.enqueue_dma source(%dma_start3A_247 : memref<50x100xi32, #tpu.memory_space<hbm>>) target(%arg9 : memref<50x100xi32, #tpu.memory_space<vmem>>) target_semaphore(%run_scoped3A_239 : memref<!tpu.dma_semaphore, #tpu.memory_space<semaphore_mem>>)
      %dma_wait3A_248 = arith.constant 0 : i32
      %dma_wait3A_249 = arith.constant 0 : i32
      %dma_wait3A_250 = tpu.memref_slice %arg3[%add3A, %run_scoped3A, %dma_wait3A_248, %dma_wait3A_249] : memref<32x2x50x100xi32, #tpu.memory_space<hbm>> -> memref<1x1x50x100xi32, #tpu.memory_space<hbm>>
      %dma_wait3A_251 = tpu.memref_squeeze %dma_wait3A_250 : memref<1x1x50x100xi32, #tpu.memory_space<hbm>> -> memref<50x100xi32, #tpu.memory_space<hbm>>
      %dma_wait3A_252 = arith.constant 0 : i32
      %dma_wait3A_253 = arith.constant 0 : i32
      %dma_wait3A_254 = tpu.memref_slice %arg3[%add3A, %run_scoped3A, %dma_wait3A_252, %dma_wait3A_253] : memref<32x2x50x100xi32, #tpu.memory_space<hbm>> -> memref<1x1x50x100xi32, #tpu.memory_space<hbm>>
      %dma_wait3A_255 = tpu.memref_squeeze %dma_wait3A_254 : memref<1x1x50x100xi32, #tpu.memory_space<hbm>> -> memref<50x100xi32, #tpu.memory_space<hbm>>
      tpu.wait_dma2 semaphore(%run_scoped3A_239 : memref<!tpu.dma_semaphore, #tpu.memory_space<semaphore_mem>>) src(%dma_wait3A_255 : memref<50x100xi32, #tpu.memory_space<hbm>>) dst(%arg9 : memref<50x100xi32, #tpu.memory_space<vmem>>)
      tpu.yield
    }) : () -> ()
    %run_scoped3A_5 = arith.constant 0 : i32
    "tpu.region"() ({
      %run_scoped3A_239 = tpu.sem_alloc : memref<!tpu.dma_semaphore, #tpu.memory_space<semaphore_mem>>
      %dma_start3A_240 = arith.constant 0 : i32
      %dma_start3A_241 = arith.constant 0 : i32
      %dma_start3A_242 = tpu.memref_slice %arg4[%add3A, %run_scoped3A_5, %dma_start3A_240, %dma_start3A_241] : memref<32x2x50x100xi32, #tpu.memory_space<hbm>> -> memref<1x1x50x100xi32, #tpu.memory_space<hbm>>
      %dma_start3A_243 = tpu.memref_squeeze %dma_start3A_242 : memref<1x1x50x100xi32, #tpu.memory_space<hbm>> -> memref<50x100xi32, #tpu.memory_space<hbm>>
      %dma_start3A_244 = arith.constant 0 : i32
      %dma_start3A_245 = arith.constant 0 : i32
      %dma_start3A_246 = tpu.memref_slice %arg4[%add3A, %run_scoped3A_5, %dma_start3A_244, %dma_start3A_245] : memref<32x2x50x100xi32, #tpu.memory_space<hbm>> -> memref<1x1x50x100xi32, #tpu.memory_space<hbm>>
      %dma_start3A_247 = tpu.memref_squeeze %dma_start3A_246 : memref<1x1x50x100xi32, #tpu.memory_space<hbm>> -> memref<50x100xi32, #tpu.memory_space<hbm>>
      tpu.enqueue_dma source(%dma_start3A_247 : memref<50x100xi32, #tpu.memory_space<hbm>>) target(%arg10 : memref<50x100xi32, #tpu.memory_space<vmem>>) target_semaphore(%run_scoped3A_239 : memref<!tpu.dma_semaphore, #tpu.memory_space<semaphore_mem>>)
      %dma_wait3A_248 = arith.constant 0 : i32
      %dma_wait3A_249 = arith.constant 0 : i32
      %dma_wait3A_250 = tpu.memref_slice %arg4[%add3A, %run_scoped3A_5, %dma_wait3A_248, %dma_wait3A_249] : memref<32x2x50x100xi32, #tpu.memory_space<hbm>> -> memref<1x1x50x100xi32, #tpu.memory_space<hbm>>
      %dma_wait3A_251 = tpu.memref_squeeze %dma_wait3A_250 : memref<1x1x50x100xi32, #tpu.memory_space<hbm>> -> memref<50x100xi32, #tpu.memory_space<hbm>>
      %dma_wait3A_252 = arith.constant 0 : i32
      %dma_wait3A_253 = arith.constant 0 : i32
      %dma_wait3A_254 = tpu.memref_slice %arg4[%add3A, %run_scoped3A_5, %dma_wait3A_252, %dma_wait3A_253] : memref<32x2x50x100xi32, #tpu.memory_space<hbm>> -> memref<1x1x50x100xi32, #tpu.memory_space<hbm>>
      %dma_wait3A_255 = tpu.memref_squeeze %dma_wait3A_254 : memref<1x1x50x100xi32, #tpu.memory_space<hbm>> -> memref<50x100xi32, #tpu.memory_space<hbm>>
      tpu.wait_dma2 semaphore(%run_scoped3A_239 : memref<!tpu.dma_semaphore, #tpu.memory_space<semaphore_mem>>) src(%dma_wait3A_255 : memref<50x100xi32, #tpu.memory_space<hbm>>) dst(%arg10 : memref<50x100xi32, #tpu.memory_space<vmem>>)
      tpu.yield
    }) : () -> ()
    %dma_start3A = arith.constant 0 : i32
    %dma_start3A_6 = arith.constant 0 : i32
    %dma_start3A_7 = arith.constant 0 : i32
    %dma_start3A_8 = tpu.memref_slice %arg11[%dma_start3A_6, %dma_start3A_7] : memref<100x128xf32, #tpu.memory_space<vmem>> -> memref<48x128xf32, #tpu.memory_space<vmem>>
    %dma_start3A_9 = arith.constant 0 : i32
    %dma_start3A_10 = tpu.memref_slice %arg9[%dma_start3A, %dma_start3A_9] : memref<50x100xi32, #tpu.memory_space<vmem>> -> memref<1x48xi32, #tpu.memory_space<vmem>>
    %dma_start3A_11 = tpu.memref_squeeze %dma_start3A_10 : memref<1x48xi32, #tpu.memory_space<vmem>> -> memref<48xi32, #tpu.memory_space<vmem>>
    %dma_start3A_12 = arith.constant 0 : i32
    %dma_start3A_13 = arith.constant 0 : i32
    %dma_start3A_14 = tpu.memref_slice %arg2[%dma_start3A_12, %dma_start3A_13] : memref<10000x128xf32, #tpu.memory_space<hbm>> -> memref<10000x128xf32, #tpu.memory_space<hbm>>
    tpu.enqueue_indirect_dma source(%dma_start3A_14 : memref<10000x128xf32, #tpu.memory_space<hbm>>) target(%dma_start3A_8 : memref<48x128xf32, #tpu.memory_space<vmem>>) offsets(%dma_start3A_11 : memref<48xi32, #tpu.memory_space<vmem>>) semaphore(%arg13 : memref<!tpu.dma_semaphore, #tpu.memory_space<semaphore_mem>>)
    %dma_start3A_15 = arith.constant 0 : i32
    %dma_start3A_16 = arith.constant 48 : i32
    %dma_start3A_17 = arith.constant 0 : i32
    %dma_start3A_18 = tpu.memref_slice %arg11[%dma_start3A_16, %dma_start3A_17] : memref<100x128xf32, #tpu.memory_space<vmem>> -> memref<52x128xf32, #tpu.memory_space<vmem>>
    %dma_start3A_19 = arith.constant 48 : i32
    %dma_start3A_20 = tpu.memref_slice %arg9[%dma_start3A_15, %dma_start3A_19] : memref<50x100xi32, #tpu.memory_space<vmem>> -> memref<1x52xi32, #tpu.memory_space<vmem>>
    %dma_start3A_21 = tpu.memref_squeeze %dma_start3A_20 : memref<1x52xi32, #tpu.memory_space<vmem>> -> memref<52xi32, #tpu.memory_space<vmem>>
    %dma_start3A_22 = arith.constant 0 : i32
    %dma_start3A_23 = arith.constant 0 : i32
    %dma_start3A_24 = tpu.memref_slice %arg2[%dma_start3A_22, %dma_start3A_23] : memref<10000x128xf32, #tpu.memory_space<hbm>> -> memref<10000x128xf32, #tpu.memory_space<hbm>>
    tpu.enqueue_indirect_dma source(%dma_start3A_24 : memref<10000x128xf32, #tpu.memory_space<hbm>>) target(%dma_start3A_18 : memref<52x128xf32, #tpu.memory_space<vmem>>) offsets(%dma_start3A_21 : memref<52xi32, #tpu.memory_space<vmem>>) semaphore(%arg14 : memref<!tpu.dma_semaphore, #tpu.memory_space<semaphore_mem>>)
    %dma_start3A_25 = arith.constant 1 : i32
    %dma_start3A_26 = arith.constant 0 : i32
    %dma_start3A_27 = arith.constant 0 : i32
    %dma_start3A_28 = tpu.memref_slice %arg12[%dma_start3A_26, %dma_start3A_27] : memref<100x128xf32, #tpu.memory_space<vmem>> -> memref<48x128xf32, #tpu.memory_space<vmem>>
    %dma_start3A_29 = arith.constant 0 : i32
    %dma_start3A_30 = tpu.memref_slice %arg9[%dma_start3A_25, %dma_start3A_29] : memref<50x100xi32, #tpu.memory_space<vmem>> -> memref<1x48xi32, #tpu.memory_space<vmem>>
    %dma_start3A_31 = tpu.memref_squeeze %dma_start3A_30 : memref<1x48xi32, #tpu.memory_space<vmem>> -> memref<48xi32, #tpu.memory_space<vmem>>
    %dma_start3A_32 = arith.constant 0 : i32
    %dma_start3A_33 = arith.constant 0 : i32
    %dma_start3A_34 = tpu.memref_slice %arg2[%dma_start3A_32, %dma_start3A_33] : memref<10000x128xf32, #tpu.memory_space<hbm>> -> memref<10000x128xf32, #tpu.memory_space<hbm>>
    tpu.enqueue_indirect_dma source(%dma_start3A_34 : memref<10000x128xf32, #tpu.memory_space<hbm>>) target(%dma_start3A_28 : memref<48x128xf32, #tpu.memory_space<vmem>>) offsets(%dma_start3A_31 : memref<48xi32, #tpu.memory_space<vmem>>) semaphore(%arg15 : memref<!tpu.dma_semaphore, #tpu.memory_space<semaphore_mem>>)
    %dma_start3A_35 = arith.constant 1 : i32
    %dma_start3A_36 = arith.constant 48 : i32
    %dma_start3A_37 = arith.constant 0 : i32
    %dma_start3A_38 = tpu.memref_slice %arg12[%dma_start3A_36, %dma_start3A_37] : memref<100x128xf32, #tpu.memory_space<vmem>> -> memref<52x128xf32, #tpu.memory_space<vmem>>
    %dma_start3A_39 = arith.constant 48 : i32
    %dma_start3A_40 = tpu.memref_slice %arg9[%dma_start3A_35, %dma_start3A_39] : memref<50x100xi32, #tpu.memory_space<vmem>> -> memref<1x52xi32, #tpu.memory_space<vmem>>
    %dma_start3A_41 = tpu.memref_squeeze %dma_start3A_40 : memref<1x52xi32, #tpu.memory_space<vmem>> -> memref<52xi32, #tpu.memory_space<vmem>>
    %dma_start3A_42 = arith.constant 0 : i32
    %dma_start3A_43 = arith.constant 0 : i32
    %dma_start3A_44 = tpu.memref_slice %arg2[%dma_start3A_42, %dma_start3A_43] : memref<10000x128xf32, #tpu.memory_space<hbm>> -> memref<10000x128xf32, #tpu.memory_space<hbm>>
    tpu.enqueue_indirect_dma source(%dma_start3A_44 : memref<10000x128xf32, #tpu.memory_space<hbm>>) target(%dma_start3A_38 : memref<52x128xf32, #tpu.memory_space<vmem>>) offsets(%dma_start3A_41 : memref<52xi32, #tpu.memory_space<vmem>>) semaphore(%arg16 : memref<!tpu.dma_semaphore, #tpu.memory_space<semaphore_mem>>)
    %scan3A = arith.constant 0 : i32
    %scan3A_45 = arith.constant 0 : i32
    %scan3A_46 = arith.constant 24 : i32
    %scan3A_47 = arith.addi %scan3A_45, %scan3A_46 : i32
    %scan3A_48 = arith.constant 1 : i32
    scf.for %scan3A_239 = %scan3A_45 to %scan3A_47 step %scan3A_48  : i32 {
      %mul3A_240 = arith.constant 2 : i32
      %mul3A_241 = arith.muli %scan3A_239, %mul3A_240 : i32
      %dma_wait3A_242 = arith.constant 0 : i32
      %dma_wait3A_243 = arith.constant 0 : i32
      %dma_wait3A_244 = tpu.memref_slice %arg11[%dma_wait3A_242, %dma_wait3A_243] : memref<100x128xf32, #tpu.memory_space<vmem>> -> memref<48x128xf32, #tpu.memory_space<vmem>>
      %dma_wait3A_245 = arith.constant 0 : i32
      %dma_wait3A_246 = tpu.memref_slice %arg9[%mul3A_241, %dma_wait3A_245] : memref<50x100xi32, #tpu.memory_space<vmem>> -> memref<1x48xi32, #tpu.memory_space<vmem>>
      %dma_wait3A_247 = tpu.memref_squeeze %dma_wait3A_246 : memref<1x48xi32, #tpu.memory_space<vmem>> -> memref<48xi32, #tpu.memory_space<vmem>>
      %dma_wait3A_248 = arith.constant 0 : i32
      %dma_wait3A_249 = arith.constant 0 : i32
      %dma_wait3A_250 = tpu.memref_slice %arg2[%dma_wait3A_248, %dma_wait3A_249] : memref<10000x128xf32, #tpu.memory_space<hbm>> -> memref<10000x128xf32, #tpu.memory_space<hbm>>
      tpu.wait_indirect_dma semaphore(%arg13 : memref<!tpu.dma_semaphore, #tpu.memory_space<semaphore_mem>>) src(%dma_wait3A_250 : memref<10000x128xf32, #tpu.memory_space<hbm>>) dst(%dma_wait3A_244 : memref<48x128xf32, #tpu.memory_space<vmem>>)
      %dma_wait3A_251 = arith.constant 48 : i32
      %dma_wait3A_252 = arith.constant 0 : i32
      %dma_wait3A_253 = tpu.memref_slice %arg11[%dma_wait3A_251, %dma_wait3A_252] : memref<100x128xf32, #tpu.memory_space<vmem>> -> memref<52x128xf32, #tpu.memory_space<vmem>>
      %dma_wait3A_254 = arith.constant 48 : i32
      %dma_wait3A_255 = tpu.memref_slice %arg9[%mul3A_241, %dma_wait3A_254] : memref<50x100xi32, #tpu.memory_space<vmem>> -> memref<1x52xi32, #tpu.memory_space<vmem>>
      %dma_wait3A_256 = tpu.memref_squeeze %dma_wait3A_255 : memref<1x52xi32, #tpu.memory_space<vmem>> -> memref<52xi32, #tpu.memory_space<vmem>>
      %dma_wait3A_257 = arith.constant 0 : i32
      %dma_wait3A_258 = arith.constant 0 : i32
      %dma_wait3A_259 = tpu.memref_slice %arg2[%dma_wait3A_257, %dma_wait3A_258] : memref<10000x128xf32, #tpu.memory_space<hbm>> -> memref<10000x128xf32, #tpu.memory_space<hbm>>
      tpu.wait_indirect_dma semaphore(%arg14 : memref<!tpu.dma_semaphore, #tpu.memory_space<semaphore_mem>>) src(%dma_wait3A_259 : memref<10000x128xf32, #tpu.memory_space<hbm>>) dst(%dma_wait3A_253 : memref<52x128xf32, #tpu.memory_space<vmem>>)
      %dma_start3A_260 = arith.constant 0 : i32
      %dma_start3A_261 = tpu.memref_slice %arg10[%mul3A_241, %dma_start3A_260] : memref<50x100xi32, #tpu.memory_space<vmem>> -> memref<1x100xi32, #tpu.memory_space<vmem>>
      %dma_start3A_262 = tpu.memref_squeeze %dma_start3A_261 : memref<1x100xi32, #tpu.memory_space<vmem>> -> memref<100xi32, #tpu.memory_space<vmem>>
      %dma_start3A_263 = arith.constant 0 : i32
      %dma_start3A_264 = arith.constant 0 : i32
      %dma_start3A_265 = tpu.memref_slice %arg8[%dma_start3A_263, %dma_start3A_264] : memref<10000x128xf32, #tpu.memory_space<vmem_shared>> -> memref<10000x128xf32, #tpu.memory_space<vmem_shared>>
      tpu.enqueue_indirect_dma source(%arg11 : memref<100x128xf32, #tpu.memory_space<vmem>>) target(%dma_start3A_265 : memref<10000x128xf32, #tpu.memory_space<vmem_shared>>) offsets(%dma_start3A_262 : memref<100xi32, #tpu.memory_space<vmem>>) semaphore(%arg17 : memref<!tpu.dma_semaphore, #tpu.memory_space<semaphore_mem>>) {add = true}
      %add3A_266 = arith.constant 1 : i32
      %add3A_267 = arith.addi %mul3A_241, %add3A_266 : i32
      %dma_wait3A_268 = arith.constant 0 : i32
      %dma_wait3A_269 = arith.constant 0 : i32
      %dma_wait3A_270 = tpu.memref_slice %arg12[%dma_wait3A_268, %dma_wait3A_269] : memref<100x128xf32, #tpu.memory_space<vmem>> -> memref<48x128xf32, #tpu.memory_space<vmem>>
      %dma_wait3A_271 = arith.constant 0 : i32
      %dma_wait3A_272 = tpu.memref_slice %arg9[%add3A_267, %dma_wait3A_271] : memref<50x100xi32, #tpu.memory_space<vmem>> -> memref<1x48xi32, #tpu.memory_space<vmem>>
      %dma_wait3A_273 = tpu.memref_squeeze %dma_wait3A_272 : memref<1x48xi32, #tpu.memory_space<vmem>> -> memref<48xi32, #tpu.memory_space<vmem>>
      %dma_wait3A_274 = arith.constant 0 : i32
      %dma_wait3A_275 = arith.constant 0 : i32
      %dma_wait3A_276 = tpu.memref_slice %arg2[%dma_wait3A_274, %dma_wait3A_275] : memref<10000x128xf32, #tpu.memory_space<hbm>> -> memref<10000x128xf32, #tpu.memory_space<hbm>>
      tpu.wait_indirect_dma semaphore(%arg15 : memref<!tpu.dma_semaphore, #tpu.memory_space<semaphore_mem>>) src(%dma_wait3A_276 : memref<10000x128xf32, #tpu.memory_space<hbm>>) dst(%dma_wait3A_270 : memref<48x128xf32, #tpu.memory_space<vmem>>)
      %dma_wait3A_277 = arith.constant 48 : i32
      %dma_wait3A_278 = arith.constant 0 : i32
      %dma_wait3A_279 = tpu.memref_slice %arg12[%dma_wait3A_277, %dma_wait3A_278] : memref<100x128xf32, #tpu.memory_space<vmem>> -> memref<52x128xf32, #tpu.memory_space<vmem>>
      %dma_wait3A_280 = arith.constant 48 : i32
      %dma_wait3A_281 = tpu.memref_slice %arg9[%add3A_267, %dma_wait3A_280] : memref<50x100xi32, #tpu.memory_space<vmem>> -> memref<1x52xi32, #tpu.memory_space<vmem>>
      %dma_wait3A_282 = tpu.memref_squeeze %dma_wait3A_281 : memref<1x52xi32, #tpu.memory_space<vmem>> -> memref<52xi32, #tpu.memory_space<vmem>>
      %dma_wait3A_283 = arith.constant 0 : i32
      %dma_wait3A_284 = arith.constant 0 : i32
      %dma_wait3A_285 = tpu.memref_slice %arg2[%dma_wait3A_283, %dma_wait3A_284] : memref<10000x128xf32, #tpu.memory_space<hbm>> -> memref<10000x128xf32, #tpu.memory_space<hbm>>
      tpu.wait_indirect_dma semaphore(%arg16 : memref<!tpu.dma_semaphore, #tpu.memory_space<semaphore_mem>>) src(%dma_wait3A_285 : memref<10000x128xf32, #tpu.memory_space<hbm>>) dst(%dma_wait3A_279 : memref<52x128xf32, #tpu.memory_space<vmem>>)
      %add3A_286 = arith.constant 1 : i32
      %add3A_287 = arith.addi %mul3A_241, %add3A_286 : i32
      %dma_start3A_288 = arith.constant 0 : i32
      %dma_start3A_289 = tpu.memref_slice %arg10[%add3A_287, %dma_start3A_288] : memref<50x100xi32, #tpu.memory_space<vmem>> -> memref<1x100xi32, #tpu.memory_space<vmem>>
      %dma_start3A_290 = tpu.memref_squeeze %dma_start3A_289 : memref<1x100xi32, #tpu.memory_space<vmem>> -> memref<100xi32, #tpu.memory_space<vmem>>
      %dma_start3A_291 = arith.constant 0 : i32
      %dma_start3A_292 = arith.constant 0 : i32
      %dma_start3A_293 = tpu.memref_slice %arg8[%dma_start3A_291, %dma_start3A_292] : memref<10000x128xf32, #tpu.memory_space<vmem_shared>> -> memref<10000x128xf32, #tpu.memory_space<vmem_shared>>
      tpu.enqueue_indirect_dma source(%arg12 : memref<100x128xf32, #tpu.memory_space<vmem>>) target(%dma_start3A_293 : memref<10000x128xf32, #tpu.memory_space<vmem_shared>>) offsets(%dma_start3A_290 : memref<100xi32, #tpu.memory_space<vmem>>) semaphore(%arg18 : memref<!tpu.dma_semaphore, #tpu.memory_space<semaphore_mem>>) {add = true}
      %dma_wait3A_294 = arith.constant 0 : i32
      %dma_wait3A_295 = tpu.memref_slice %arg10[%mul3A_241, %dma_wait3A_294] : memref<50x100xi32, #tpu.memory_space<vmem>> -> memref<1x100xi32, #tpu.memory_space<vmem>>
      %dma_wait3A_296 = tpu.memref_squeeze %dma_wait3A_295 : memref<1x100xi32, #tpu.memory_space<vmem>> -> memref<100xi32, #tpu.memory_space<vmem>>
      %dma_wait3A_297 = arith.constant 0 : i32
      %dma_wait3A_298 = arith.constant 0 : i32
      %dma_wait3A_299 = tpu.memref_slice %arg8[%dma_wait3A_297, %dma_wait3A_298] : memref<10000x128xf32, #tpu.memory_space<vmem_shared>> -> memref<10000x128xf32, #tpu.memory_space<vmem_shared>>
      tpu.wait_indirect_dma semaphore(%arg17 : memref<!tpu.dma_semaphore, #tpu.memory_space<semaphore_mem>>) src(%arg11 : memref<100x128xf32, #tpu.memory_space<vmem>>) dst(%dma_wait3A_299 : memref<10000x128xf32, #tpu.memory_space<vmem_shared>>)
      %add3A_300 = arith.constant 2 : i32
      %add3A_301 = arith.addi %mul3A_241, %add3A_300 : i32
      %dma_start3A_302 = arith.constant 0 : i32
      %dma_start3A_303 = arith.constant 0 : i32
      %dma_start3A_304 = tpu.memref_slice %arg11[%dma_start3A_302, %dma_start3A_303] : memref<100x128xf32, #tpu.memory_space<vmem>> -> memref<48x128xf32, #tpu.memory_space<vmem>>
      %dma_start3A_305 = arith.constant 0 : i32
      %dma_start3A_306 = tpu.memref_slice %arg9[%add3A_301, %dma_start3A_305] : memref<50x100xi32, #tpu.memory_space<vmem>> -> memref<1x48xi32, #tpu.memory_space<vmem>>
      %dma_start3A_307 = tpu.memref_squeeze %dma_start3A_306 : memref<1x48xi32, #tpu.memory_space<vmem>> -> memref<48xi32, #tpu.memory_space<vmem>>
      %dma_start3A_308 = arith.constant 0 : i32
      %dma_start3A_309 = arith.constant 0 : i32
      %dma_start3A_310 = tpu.memref_slice %arg2[%dma_start3A_308, %dma_start3A_309] : memref<10000x128xf32, #tpu.memory_space<hbm>> -> memref<10000x128xf32, #tpu.memory_space<hbm>>
      tpu.enqueue_indirect_dma source(%dma_start3A_310 : memref<10000x128xf32, #tpu.memory_space<hbm>>) target(%dma_start3A_304 : memref<48x128xf32, #tpu.memory_space<vmem>>) offsets(%dma_start3A_307 : memref<48xi32, #tpu.memory_space<vmem>>) semaphore(%arg13 : memref<!tpu.dma_semaphore, #tpu.memory_space<semaphore_mem>>)
      %dma_start3A_311 = arith.constant 48 : i32
      %dma_start3A_312 = arith.constant 0 : i32
      %dma_start3A_313 = tpu.memref_slice %arg11[%dma_start3A_311, %dma_start3A_312] : memref<100x128xf32, #tpu.memory_space<vmem>> -> memref<52x128xf32, #tpu.memory_space<vmem>>
      %dma_start3A_314 = arith.constant 48 : i32
      %dma_start3A_315 = tpu.memref_slice %arg9[%add3A_301, %dma_start3A_314] : memref<50x100xi32, #tpu.memory_space<vmem>> -> memref<1x52xi32, #tpu.memory_space<vmem>>
      %dma_start3A_316 = tpu.memref_squeeze %dma_start3A_315 : memref<1x52xi32, #tpu.memory_space<vmem>> -> memref<52xi32, #tpu.memory_space<vmem>>
      %dma_start3A_317 = arith.constant 0 : i32
      %dma_start3A_318 = arith.constant 0 : i32
      %dma_start3A_319 = tpu.memref_slice %arg2[%dma_start3A_317, %dma_start3A_318] : memref<10000x128xf32, #tpu.memory_space<hbm>> -> memref<10000x128xf32, #tpu.memory_space<hbm>>
      tpu.enqueue_indirect_dma source(%dma_start3A_319 : memref<10000x128xf32, #tpu.memory_space<hbm>>) target(%dma_start3A_313 : memref<52x128xf32, #tpu.memory_space<vmem>>) offsets(%dma_start3A_316 : memref<52xi32, #tpu.memory_space<vmem>>) semaphore(%arg14 : memref<!tpu.dma_semaphore, #tpu.memory_space<semaphore_mem>>)
      %add3A_320 = arith.constant 1 : i32
      %add3A_321 = arith.addi %mul3A_241, %add3A_320 : i32
      %dma_wait3A_322 = arith.constant 0 : i32
      %dma_wait3A_323 = tpu.memref_slice %arg10[%add3A_321, %dma_wait3A_322] : memref<50x100xi32, #tpu.memory_space<vmem>> -> memref<1x100xi32, #tpu.memory_space<vmem>>
      %dma_wait3A_324 = tpu.memref_squeeze %dma_wait3A_323 : memref<1x100xi32, #tpu.memory_space<vmem>> -> memref<100xi32, #tpu.memory_space<vmem>>
      %dma_wait3A_325 = arith.constant 0 : i32
      %dma_wait3A_326 = arith.constant 0 : i32
      %dma_wait3A_327 = tpu.memref_slice %arg8[%dma_wait3A_325, %dma_wait3A_326] : memref<10000x128xf32, #tpu.memory_space<vmem_shared>> -> memref<10000x128xf32, #tpu.memory_space<vmem_shared>>
      tpu.wait_indirect_dma semaphore(%arg18 : memref<!tpu.dma_semaphore, #tpu.memory_space<semaphore_mem>>) src(%arg12 : memref<100x128xf32, #tpu.memory_space<vmem>>) dst(%dma_wait3A_327 : memref<10000x128xf32, #tpu.memory_space<vmem_shared>>)
      %add3A_328 = arith.constant 3 : i32
      %add3A_329 = arith.addi %mul3A_241, %add3A_328 : i32
      %dma_start3A_330 = arith.constant 0 : i32
      %dma_start3A_331 = arith.constant 0 : i32
      %dma_start3A_332 = tpu.memref_slice %arg12[%dma_start3A_330, %dma_start3A_331] : memref<100x128xf32, #tpu.memory_space<vmem>> -> memref<48x128xf32, #tpu.memory_space<vmem>>
      %dma_start3A_333 = arith.constant 0 : i32
      %dma_start3A_334 = tpu.memref_slice %arg9[%add3A_329, %dma_start3A_333] : memref<50x100xi32, #tpu.memory_space<vmem>> -> memref<1x48xi32, #tpu.memory_space<vmem>>
      %dma_start3A_335 = tpu.memref_squeeze %dma_start3A_334 : memref<1x48xi32, #tpu.memory_space<vmem>> -> memref<48xi32, #tpu.memory_space<vmem>>
      %dma_start3A_336 = arith.constant 0 : i32
      %dma_start3A_337 = arith.constant 0 : i32
      %dma_start3A_338 = tpu.memref_slice %arg2[%dma_start3A_336, %dma_start3A_337] : memref<10000x128xf32, #tpu.memory_space<hbm>> -> memref<10000x128xf32, #tpu.memory_space<hbm>>
      tpu.enqueue_indirect_dma source(%dma_start3A_338 : memref<10000x128xf32, #tpu.memory_space<hbm>>) target(%dma_start3A_332 : memref<48x128xf32, #tpu.memory_space<vmem>>) offsets(%dma_start3A_335 : memref<48xi32, #tpu.memory_space<vmem>>) semaphore(%arg15 : memref<!tpu.dma_semaphore, #tpu.memory_space<semaphore_mem>>)
      %dma_start3A_339 = arith.constant 48 : i32
      %dma_start3A_340 = arith.constant 0 : i32
      %dma_start3A_341 = tpu.memref_slice %arg12[%dma_start3A_339, %dma_start3A_340] : memref<100x128xf32, #tpu.memory_space<vmem>> -> memref<52x128xf32, #tpu.memory_space<vmem>>
      %dma_start3A_342 = arith.constant 48 : i32
      %dma_start3A_343 = tpu.memref_slice %arg9[%add3A_329, %dma_start3A_342] : memref<50x100xi32, #tpu.memory_space<vmem>> -> memref<1x52xi32, #tpu.memory_space<vmem>>
      %dma_start3A_344 = tpu.memref_squeeze %dma_start3A_343 : memref<1x52xi32, #tpu.memory_space<vmem>> -> memref<52xi32, #tpu.memory_space<vmem>>
      %dma_start3A_345 = arith.constant 0 : i32
      %dma_start3A_346 = arith.constant 0 : i32
      %dma_start3A_347 = tpu.memref_slice %arg2[%dma_start3A_345, %dma_start3A_346] : memref<10000x128xf32, #tpu.memory_space<hbm>> -> memref<10000x128xf32, #tpu.memory_space<hbm>>
      tpu.enqueue_indirect_dma source(%dma_start3A_347 : memref<10000x128xf32, #tpu.memory_space<hbm>>) target(%dma_start3A_341 : memref<52x128xf32, #tpu.memory_space<vmem>>) offsets(%dma_start3A_344 : memref<52xi32, #tpu.memory_space<vmem>>) semaphore(%arg16 : memref<!tpu.dma_semaphore, #tpu.memory_space<semaphore_mem>>)
    }
    %scan3A_49 = arith.constant 24 : i32
    %dma_wait3A = arith.constant 48 : i32
    %dma_wait3A_50 = arith.constant 0 : i32
    %dma_wait3A_51 = arith.constant 0 : i32
    %dma_wait3A_52 = tpu.memref_slice %arg11[%dma_wait3A_50, %dma_wait3A_51] : memref<100x128xf32, #tpu.memory_space<vmem>> -> memref<48x128xf32, #tpu.memory_space<vmem>>
    %dma_wait3A_53 = arith.constant 0 : i32
    %dma_wait3A_54 = tpu.memref_slice %arg9[%dma_wait3A, %dma_wait3A_53] : memref<50x100xi32, #tpu.memory_space<vmem>> -> memref<1x48xi32, #tpu.memory_space<vmem>>
    %dma_wait3A_55 = tpu.memref_squeeze %dma_wait3A_54 : memref<1x48xi32, #tpu.memory_space<vmem>> -> memref<48xi32, #tpu.memory_space<vmem>>
    %dma_wait3A_56 = arith.constant 0 : i32
    %dma_wait3A_57 = arith.constant 0 : i32
    %dma_wait3A_58 = tpu.memref_slice %arg2[%dma_wait3A_56, %dma_wait3A_57] : memref<10000x128xf32, #tpu.memory_space<hbm>> -> memref<10000x128xf32, #tpu.memory_space<hbm>>
    tpu.wait_indirect_dma semaphore(%arg13 : memref<!tpu.dma_semaphore, #tpu.memory_space<semaphore_mem>>) src(%dma_wait3A_58 : memref<10000x128xf32, #tpu.memory_space<hbm>>) dst(%dma_wait3A_52 : memref<48x128xf32, #tpu.memory_space<vmem>>)
    %dma_wait3A_59 = arith.constant 48 : i32
    %dma_wait3A_60 = arith.constant 48 : i32
    %dma_wait3A_61 = arith.constant 0 : i32
    %dma_wait3A_62 = tpu.memref_slice %arg11[%dma_wait3A_60, %dma_wait3A_61] : memref<100x128xf32, #tpu.memory_space<vmem>> -> memref<52x128xf32, #tpu.memory_space<vmem>>
    %dma_wait3A_63 = arith.constant 48 : i32
    %dma_wait3A_64 = tpu.memref_slice %arg9[%dma_wait3A_59, %dma_wait3A_63] : memref<50x100xi32, #tpu.memory_space<vmem>> -> memref<1x52xi32, #tpu.memory_space<vmem>>
    %dma_wait3A_65 = tpu.memref_squeeze %dma_wait3A_64 : memref<1x52xi32, #tpu.memory_space<vmem>> -> memref<52xi32, #tpu.memory_space<vmem>>
    %dma_wait3A_66 = arith.constant 0 : i32
    %dma_wait3A_67 = arith.constant 0 : i32
    %dma_wait3A_68 = tpu.memref_slice %arg2[%dma_wait3A_66, %dma_wait3A_67] : memref<10000x128xf32, #tpu.memory_space<hbm>> -> memref<10000x128xf32, #tpu.memory_space<hbm>>
    tpu.wait_indirect_dma semaphore(%arg14 : memref<!tpu.dma_semaphore, #tpu.memory_space<semaphore_mem>>) src(%dma_wait3A_68 : memref<10000x128xf32, #tpu.memory_space<hbm>>) dst(%dma_wait3A_62 : memref<52x128xf32, #tpu.memory_space<vmem>>)
    %dma_start3A_69 = arith.constant 48 : i32
    %dma_start3A_70 = arith.constant 0 : i32
    %dma_start3A_71 = tpu.memref_slice %arg10[%dma_start3A_69, %dma_start3A_70] : memref<50x100xi32, #tpu.memory_space<vmem>> -> memref<1x100xi32, #tpu.memory_space<vmem>>
    %dma_start3A_72 = tpu.memref_squeeze %dma_start3A_71 : memref<1x100xi32, #tpu.memory_space<vmem>> -> memref<100xi32, #tpu.memory_space<vmem>>
    %dma_start3A_73 = arith.constant 0 : i32
    %dma_start3A_74 = arith.constant 0 : i32
    %dma_start3A_75 = tpu.memref_slice %arg8[%dma_start3A_73, %dma_start3A_74] : memref<10000x128xf32, #tpu.memory_space<vmem_shared>> -> memref<10000x128xf32, #tpu.memory_space<vmem_shared>>
    tpu.enqueue_indirect_dma source(%arg11 : memref<100x128xf32, #tpu.memory_space<vmem>>) target(%dma_start3A_75 : memref<10000x128xf32, #tpu.memory_space<vmem_shared>>) offsets(%dma_start3A_72 : memref<100xi32, #tpu.memory_space<vmem>>) semaphore(%arg17 : memref<!tpu.dma_semaphore, #tpu.memory_space<semaphore_mem>>) {add = true}
    %dma_wait3A_76 = arith.constant 49 : i32
    %dma_wait3A_77 = arith.constant 0 : i32
    %dma_wait3A_78 = arith.constant 0 : i32
    %dma_wait3A_79 = tpu.memref_slice %arg12[%dma_wait3A_77, %dma_wait3A_78] : memref<100x128xf32, #tpu.memory_space<vmem>> -> memref<48x128xf32, #tpu.memory_space<vmem>>
    %dma_wait3A_80 = arith.constant 0 : i32
    %dma_wait3A_81 = tpu.memref_slice %arg9[%dma_wait3A_76, %dma_wait3A_80] : memref<50x100xi32, #tpu.memory_space<vmem>> -> memref<1x48xi32, #tpu.memory_space<vmem>>
    %dma_wait3A_82 = tpu.memref_squeeze %dma_wait3A_81 : memref<1x48xi32, #tpu.memory_space<vmem>> -> memref<48xi32, #tpu.memory_space<vmem>>
    %dma_wait3A_83 = arith.constant 0 : i32
    %dma_wait3A_84 = arith.constant 0 : i32
    %dma_wait3A_85 = tpu.memref_slice %arg2[%dma_wait3A_83, %dma_wait3A_84] : memref<10000x128xf32, #tpu.memory_space<hbm>> -> memref<10000x128xf32, #tpu.memory_space<hbm>>
    tpu.wait_indirect_dma semaphore(%arg15 : memref<!tpu.dma_semaphore, #tpu.memory_space<semaphore_mem>>) src(%dma_wait3A_85 : memref<10000x128xf32, #tpu.memory_space<hbm>>) dst(%dma_wait3A_79 : memref<48x128xf32, #tpu.memory_space<vmem>>)
    %dma_wait3A_86 = arith.constant 49 : i32
    %dma_wait3A_87 = arith.constant 48 : i32
    %dma_wait3A_88 = arith.constant 0 : i32
    %dma_wait3A_89 = tpu.memref_slice %arg12[%dma_wait3A_87, %dma_wait3A_88] : memref<100x128xf32, #tpu.memory_space<vmem>> -> memref<52x128xf32, #tpu.memory_space<vmem>>
    %dma_wait3A_90 = arith.constant 48 : i32
    %dma_wait3A_91 = tpu.memref_slice %arg9[%dma_wait3A_86, %dma_wait3A_90] : memref<50x100xi32, #tpu.memory_space<vmem>> -> memref<1x52xi32, #tpu.memory_space<vmem>>
    %dma_wait3A_92 = tpu.memref_squeeze %dma_wait3A_91 : memref<1x52xi32, #tpu.memory_space<vmem>> -> memref<52xi32, #tpu.memory_space<vmem>>
    %dma_wait3A_93 = arith.constant 0 : i32
    %dma_wait3A_94 = arith.constant 0 : i32
    %dma_wait3A_95 = tpu.memref_slice %arg2[%dma_wait3A_93, %dma_wait3A_94] : memref<10000x128xf32, #tpu.memory_space<hbm>> -> memref<10000x128xf32, #tpu.memory_space<hbm>>
    tpu.wait_indirect_dma semaphore(%arg16 : memref<!tpu.dma_semaphore, #tpu.memory_space<semaphore_mem>>) src(%dma_wait3A_95 : memref<10000x128xf32, #tpu.memory_space<hbm>>) dst(%dma_wait3A_89 : memref<52x128xf32, #tpu.memory_space<vmem>>)
    %dma_start3A_96 = arith.constant 49 : i32
    %dma_start3A_97 = arith.constant 0 : i32
    %dma_start3A_98 = tpu.memref_slice %arg10[%dma_start3A_96, %dma_start3A_97] : memref<50x100xi32, #tpu.memory_space<vmem>> -> memref<1x100xi32, #tpu.memory_space<vmem>>
    %dma_start3A_99 = tpu.memref_squeeze %dma_start3A_98 : memref<1x100xi32, #tpu.memory_space<vmem>> -> memref<100xi32, #tpu.memory_space<vmem>>
    %dma_start3A_100 = arith.constant 0 : i32
    %dma_start3A_101 = arith.constant 0 : i32
    %dma_start3A_102 = tpu.memref_slice %arg8[%dma_start3A_100, %dma_start3A_101] : memref<10000x128xf32, #tpu.memory_space<vmem_shared>> -> memref<10000x128xf32, #tpu.memory_space<vmem_shared>>
    tpu.enqueue_indirect_dma source(%arg12 : memref<100x128xf32, #tpu.memory_space<vmem>>) target(%dma_start3A_102 : memref<10000x128xf32, #tpu.memory_space<vmem_shared>>) offsets(%dma_start3A_99 : memref<100xi32, #tpu.memory_space<vmem>>) semaphore(%arg18 : memref<!tpu.dma_semaphore, #tpu.memory_space<semaphore_mem>>) {add = true}
    %dma_wait3A_103 = arith.constant 48 : i32
    %dma_wait3A_104 = arith.constant 0 : i32
    %dma_wait3A_105 = tpu.memref_slice %arg10[%dma_wait3A_103, %dma_wait3A_104] : memref<50x100xi32, #tpu.memory_space<vmem>> -> memref<1x100xi32, #tpu.memory_space<vmem>>
    %dma_wait3A_106 = tpu.memref_squeeze %dma_wait3A_105 : memref<1x100xi32, #tpu.memory_space<vmem>> -> memref<100xi32, #tpu.memory_space<vmem>>
    %dma_wait3A_107 = arith.constant 0 : i32
    %dma_wait3A_108 = arith.constant 0 : i32
    %dma_wait3A_109 = tpu.memref_slice %arg8[%dma_wait3A_107, %dma_wait3A_108] : memref<10000x128xf32, #tpu.memory_space<vmem_shared>> -> memref<10000x128xf32, #tpu.memory_space<vmem_shared>>
    tpu.wait_indirect_dma semaphore(%arg17 : memref<!tpu.dma_semaphore, #tpu.memory_space<semaphore_mem>>) src(%arg11 : memref<100x128xf32, #tpu.memory_space<vmem>>) dst(%dma_wait3A_109 : memref<10000x128xf32, #tpu.memory_space<vmem_shared>>)
    %dma_wait3A_110 = arith.constant 49 : i32
    %dma_wait3A_111 = arith.constant 0 : i32
    %dma_wait3A_112 = tpu.memref_slice %arg10[%dma_wait3A_110, %dma_wait3A_111] : memref<50x100xi32, #tpu.memory_space<vmem>> -> memref<1x100xi32, #tpu.memory_space<vmem>>
    %dma_wait3A_113 = tpu.memref_squeeze %dma_wait3A_112 : memref<1x100xi32, #tpu.memory_space<vmem>> -> memref<100xi32, #tpu.memory_space<vmem>>
    %dma_wait3A_114 = arith.constant 0 : i32
    %dma_wait3A_115 = arith.constant 0 : i32
    %dma_wait3A_116 = tpu.memref_slice %arg8[%dma_wait3A_114, %dma_wait3A_115] : memref<10000x128xf32, #tpu.memory_space<vmem_shared>> -> memref<10000x128xf32, #tpu.memory_space<vmem_shared>>
    tpu.wait_indirect_dma semaphore(%arg18 : memref<!tpu.dma_semaphore, #tpu.memory_space<semaphore_mem>>) src(%arg12 : memref<100x128xf32, #tpu.memory_space<vmem>>) dst(%dma_wait3A_116 : memref<10000x128xf32, #tpu.memory_space<vmem_shared>>)
    %run_scoped3A_117 = arith.constant 1 : i32
    "tpu.region"() ({
      %run_scoped3A_239 = tpu.sem_alloc : memref<!tpu.dma_semaphore, #tpu.memory_space<semaphore_mem>>
      %dma_start3A_240 = arith.constant 0 : i32
      %dma_start3A_241 = arith.constant 0 : i32
      %dma_start3A_242 = tpu.memref_slice %arg3[%add3A, %run_scoped3A_117, %dma_start3A_240, %dma_start3A_241] : memref<32x2x50x100xi32, #tpu.memory_space<hbm>> -> memref<1x1x50x100xi32, #tpu.memory_space<hbm>>
      %dma_start3A_243 = tpu.memref_squeeze %dma_start3A_242 : memref<1x1x50x100xi32, #tpu.memory_space<hbm>> -> memref<50x100xi32, #tpu.memory_space<hbm>>
      %dma_start3A_244 = arith.constant 0 : i32
      %dma_start3A_245 = arith.constant 0 : i32
      %dma_start3A_246 = tpu.memref_slice %arg3[%add3A, %run_scoped3A_117, %dma_start3A_244, %dma_start3A_245] : memref<32x2x50x100xi32, #tpu.memory_space<hbm>> -> memref<1x1x50x100xi32, #tpu.memory_space<hbm>>
      %dma_start3A_247 = tpu.memref_squeeze %dma_start3A_246 : memref<1x1x50x100xi32, #tpu.memory_space<hbm>> -> memref<50x100xi32, #tpu.memory_space<hbm>>
      tpu.enqueue_dma source(%dma_start3A_247 : memref<50x100xi32, #tpu.memory_space<hbm>>) target(%arg9 : memref<50x100xi32, #tpu.memory_space<vmem>>) target_semaphore(%run_scoped3A_239 : memref<!tpu.dma_semaphore, #tpu.memory_space<semaphore_mem>>)
      %dma_wait3A_248 = arith.constant 0 : i32
      %dma_wait3A_249 = arith.constant 0 : i32
      %dma_wait3A_250 = tpu.memref_slice %arg3[%add3A, %run_scoped3A_117, %dma_wait3A_248, %dma_wait3A_249] : memref<32x2x50x100xi32, #tpu.memory_space<hbm>> -> memref<1x1x50x100xi32, #tpu.memory_space<hbm>>
      %dma_wait3A_251 = tpu.memref_squeeze %dma_wait3A_250 : memref<1x1x50x100xi32, #tpu.memory_space<hbm>> -> memref<50x100xi32, #tpu.memory_space<hbm>>
      %dma_wait3A_252 = arith.constant 0 : i32
      %dma_wait3A_253 = arith.constant 0 : i32
      %dma_wait3A_254 = tpu.memref_slice %arg3[%add3A, %run_scoped3A_117, %dma_wait3A_252, %dma_wait3A_253] : memref<32x2x50x100xi32, #tpu.memory_space<hbm>> -> memref<1x1x50x100xi32, #tpu.memory_space<hbm>>
      %dma_wait3A_255 = tpu.memref_squeeze %dma_wait3A_254 : memref<1x1x50x100xi32, #tpu.memory_space<hbm>> -> memref<50x100xi32, #tpu.memory_space<hbm>>
      tpu.wait_dma2 semaphore(%run_scoped3A_239 : memref<!tpu.dma_semaphore, #tpu.memory_space<semaphore_mem>>) src(%dma_wait3A_255 : memref<50x100xi32, #tpu.memory_space<hbm>>) dst(%arg9 : memref<50x100xi32, #tpu.memory_space<vmem>>)
      tpu.yield
    }) : () -> ()
    %run_scoped3A_118 = arith.constant 1 : i32
    "tpu.region"() ({
      %run_scoped3A_239 = tpu.sem_alloc : memref<!tpu.dma_semaphore, #tpu.memory_space<semaphore_mem>>
      %dma_start3A_240 = arith.constant 0 : i32
      %dma_start3A_241 = arith.constant 0 : i32
      %dma_start3A_242 = tpu.memref_slice %arg4[%add3A, %run_scoped3A_118, %dma_start3A_240, %dma_start3A_241] : memref<32x2x50x100xi32, #tpu.memory_space<hbm>> -> memref<1x1x50x100xi32, #tpu.memory_space<hbm>>
      %dma_start3A_243 = tpu.memref_squeeze %dma_start3A_242 : memref<1x1x50x100xi32, #tpu.memory_space<hbm>> -> memref<50x100xi32, #tpu.memory_space<hbm>>
      %dma_start3A_244 = arith.constant 0 : i32
      %dma_start3A_245 = arith.constant 0 : i32
      %dma_start3A_246 = tpu.memref_slice %arg4[%add3A, %run_scoped3A_118, %dma_start3A_244, %dma_start3A_245] : memref<32x2x50x100xi32, #tpu.memory_space<hbm>> -> memref<1x1x50x100xi32, #tpu.memory_space<hbm>>
      %dma_start3A_247 = tpu.memref_squeeze %dma_start3A_246 : memref<1x1x50x100xi32, #tpu.memory_space<hbm>> -> memref<50x100xi32, #tpu.memory_space<hbm>>
      tpu.enqueue_dma source(%dma_start3A_247 : memref<50x100xi32, #tpu.memory_space<hbm>>) target(%arg10 : memref<50x100xi32, #tpu.memory_space<vmem>>) target_semaphore(%run_scoped3A_239 : memref<!tpu.dma_semaphore, #tpu.memory_space<semaphore_mem>>)
      %dma_wait3A_248 = arith.constant 0 : i32
      %dma_wait3A_249 = arith.constant 0 : i32
      %dma_wait3A_250 = tpu.memref_slice %arg4[%add3A, %run_scoped3A_118, %dma_wait3A_248, %dma_wait3A_249] : memref<32x2x50x100xi32, #tpu.memory_space<hbm>> -> memref<1x1x50x100xi32, #tpu.memory_space<hbm>>
      %dma_wait3A_251 = tpu.memref_squeeze %dma_wait3A_250 : memref<1x1x50x100xi32, #tpu.memory_space<hbm>> -> memref<50x100xi32, #tpu.memory_space<hbm>>
      %dma_wait3A_252 = arith.constant 0 : i32
      %dma_wait3A_253 = arith.constant 0 : i32
      %dma_wait3A_254 = tpu.memref_slice %arg4[%add3A, %run_scoped3A_118, %dma_wait3A_252, %dma_wait3A_253] : memref<32x2x50x100xi32, #tpu.memory_space<hbm>> -> memref<1x1x50x100xi32, #tpu.memory_space<hbm>>
      %dma_wait3A_255 = tpu.memref_squeeze %dma_wait3A_254 : memref<1x1x50x100xi32, #tpu.memory_space<hbm>> -> memref<50x100xi32, #tpu.memory_space<hbm>>
      tpu.wait_dma2 semaphore(%run_scoped3A_239 : memref<!tpu.dma_semaphore, #tpu.memory_space<semaphore_mem>>) src(%dma_wait3A_255 : memref<50x100xi32, #tpu.memory_space<hbm>>) dst(%arg10 : memref<50x100xi32, #tpu.memory_space<vmem>>)
      tpu.yield
    }) : () -> ()
    %dma_start3A_119 = arith.constant 0 : i32
    %dma_start3A_120 = arith.constant 0 : i32
    %dma_start3A_121 = arith.constant 0 : i32
    %dma_start3A_122 = tpu.memref_slice %arg11[%dma_start3A_120, %dma_start3A_121] : memref<100x128xf32, #tpu.memory_space<vmem>> -> memref<48x128xf32, #tpu.memory_space<vmem>>
    %dma_start3A_123 = arith.constant 0 : i32
    %dma_start3A_124 = tpu.memref_slice %arg9[%dma_start3A_119, %dma_start3A_123] : memref<50x100xi32, #tpu.memory_space<vmem>> -> memref<1x48xi32, #tpu.memory_space<vmem>>
    %dma_start3A_125 = tpu.memref_squeeze %dma_start3A_124 : memref<1x48xi32, #tpu.memory_space<vmem>> -> memref<48xi32, #tpu.memory_space<vmem>>
    %dma_start3A_126 = arith.constant 0 : i32
    %dma_start3A_127 = arith.constant 0 : i32
    %dma_start3A_128 = tpu.memref_slice %arg2[%dma_start3A_126, %dma_start3A_127] : memref<10000x128xf32, #tpu.memory_space<hbm>> -> memref<10000x128xf32, #tpu.memory_space<hbm>>
    tpu.enqueue_indirect_dma source(%dma_start3A_128 : memref<10000x128xf32, #tpu.memory_space<hbm>>) target(%dma_start3A_122 : memref<48x128xf32, #tpu.memory_space<vmem>>) offsets(%dma_start3A_125 : memref<48xi32, #tpu.memory_space<vmem>>) semaphore(%arg13 : memref<!tpu.dma_semaphore, #tpu.memory_space<semaphore_mem>>)
    %dma_start3A_129 = arith.constant 0 : i32
    %dma_start3A_130 = arith.constant 48 : i32
    %dma_start3A_131 = arith.constant 0 : i32
    %dma_start3A_132 = tpu.memref_slice %arg11[%dma_start3A_130, %dma_start3A_131] : memref<100x128xf32, #tpu.memory_space<vmem>> -> memref<52x128xf32, #tpu.memory_space<vmem>>
    %dma_start3A_133 = arith.constant 48 : i32
    %dma_start3A_134 = tpu.memref_slice %arg9[%dma_start3A_129, %dma_start3A_133] : memref<50x100xi32, #tpu.memory_space<vmem>> -> memref<1x52xi32, #tpu.memory_space<vmem>>
    %dma_start3A_135 = tpu.memref_squeeze %dma_start3A_134 : memref<1x52xi32, #tpu.memory_space<vmem>> -> memref<52xi32, #tpu.memory_space<vmem>>
    %dma_start3A_136 = arith.constant 0 : i32
    %dma_start3A_137 = arith.constant 0 : i32
    %dma_start3A_138 = tpu.memref_slice %arg2[%dma_start3A_136, %dma_start3A_137] : memref<10000x128xf32, #tpu.memory_space<hbm>> -> memref<10000x128xf32, #tpu.memory_space<hbm>>
    tpu.enqueue_indirect_dma source(%dma_start3A_138 : memref<10000x128xf32, #tpu.memory_space<hbm>>) target(%dma_start3A_132 : memref<52x128xf32, #tpu.memory_space<vmem>>) offsets(%dma_start3A_135 : memref<52xi32, #tpu.memory_space<vmem>>) semaphore(%arg14 : memref<!tpu.dma_semaphore, #tpu.memory_space<semaphore_mem>>)
    %dma_start3A_139 = arith.constant 1 : i32
    %dma_start3A_140 = arith.constant 0 : i32
    %dma_start3A_141 = arith.constant 0 : i32
    %dma_start3A_142 = tpu.memref_slice %arg12[%dma_start3A_140, %dma_start3A_141] : memref<100x128xf32, #tpu.memory_space<vmem>> -> memref<48x128xf32, #tpu.memory_space<vmem>>
    %dma_start3A_143 = arith.constant 0 : i32
    %dma_start3A_144 = tpu.memref_slice %arg9[%dma_start3A_139, %dma_start3A_143] : memref<50x100xi32, #tpu.memory_space<vmem>> -> memref<1x48xi32, #tpu.memory_space<vmem>>
    %dma_start3A_145 = tpu.memref_squeeze %dma_start3A_144 : memref<1x48xi32, #tpu.memory_space<vmem>> -> memref<48xi32, #tpu.memory_space<vmem>>
    %dma_start3A_146 = arith.constant 0 : i32
    %dma_start3A_147 = arith.constant 0 : i32
    %dma_start3A_148 = tpu.memref_slice %arg2[%dma_start3A_146, %dma_start3A_147] : memref<10000x128xf32, #tpu.memory_space<hbm>> -> memref<10000x128xf32, #tpu.memory_space<hbm>>
    tpu.enqueue_indirect_dma source(%dma_start3A_148 : memref<10000x128xf32, #tpu.memory_space<hbm>>) target(%dma_start3A_142 : memref<48x128xf32, #tpu.memory_space<vmem>>) offsets(%dma_start3A_145 : memref<48xi32, #tpu.memory_space<vmem>>) semaphore(%arg15 : memref<!tpu.dma_semaphore, #tpu.memory_space<semaphore_mem>>)
    %dma_start3A_149 = arith.constant 1 : i32
    %dma_start3A_150 = arith.constant 48 : i32
    %dma_start3A_151 = arith.constant 0 : i32
    %dma_start3A_152 = tpu.memref_slice %arg12[%dma_start3A_150, %dma_start3A_151] : memref<100x128xf32, #tpu.memory_space<vmem>> -> memref<52x128xf32, #tpu.memory_space<vmem>>
    %dma_start3A_153 = arith.constant 48 : i32
    %dma_start3A_154 = tpu.memref_slice %arg9[%dma_start3A_149, %dma_start3A_153] : memref<50x100xi32, #tpu.memory_space<vmem>> -> memref<1x52xi32, #tpu.memory_space<vmem>>
    %dma_start3A_155 = tpu.memref_squeeze %dma_start3A_154 : memref<1x52xi32, #tpu.memory_space<vmem>> -> memref<52xi32, #tpu.memory_space<vmem>>
    %dma_start3A_156 = arith.constant 0 : i32
    %dma_start3A_157 = arith.constant 0 : i32
    %dma_start3A_158 = tpu.memref_slice %arg2[%dma_start3A_156, %dma_start3A_157] : memref<10000x128xf32, #tpu.memory_space<hbm>> -> memref<10000x128xf32, #tpu.memory_space<hbm>>
    tpu.enqueue_indirect_dma source(%dma_start3A_158 : memref<10000x128xf32, #tpu.memory_space<hbm>>) target(%dma_start3A_152 : memref<52x128xf32, #tpu.memory_space<vmem>>) offsets(%dma_start3A_155 : memref<52xi32, #tpu.memory_space<vmem>>) semaphore(%arg16 : memref<!tpu.dma_semaphore, #tpu.memory_space<semaphore_mem>>)
    %scan3A_159 = arith.constant 0 : i32
    %scan3A_160 = arith.constant 0 : i32
    %scan3A_161 = arith.constant 24 : i32
    %scan3A_162 = arith.addi %scan3A_160, %scan3A_161 : i32
    %scan3A_163 = arith.constant 1 : i32
    scf.for %scan3A_239 = %scan3A_160 to %scan3A_162 step %scan3A_163  : i32 {
      %mul3A_240 = arith.constant 2 : i32
      %mul3A_241 = arith.muli %scan3A_239, %mul3A_240 : i32
      %dma_wait3A_242 = arith.constant 0 : i32
      %dma_wait3A_243 = arith.constant 0 : i32
      %dma_wait3A_244 = tpu.memref_slice %arg11[%dma_wait3A_242, %dma_wait3A_243] : memref<100x128xf32, #tpu.memory_space<vmem>> -> memref<48x128xf32, #tpu.memory_space<vmem>>
      %dma_wait3A_245 = arith.constant 0 : i32
      %dma_wait3A_246 = tpu.memref_slice %arg9[%mul3A_241, %dma_wait3A_245] : memref<50x100xi32, #tpu.memory_space<vmem>> -> memref<1x48xi32, #tpu.memory_space<vmem>>
      %dma_wait3A_247 = tpu.memref_squeeze %dma_wait3A_246 : memref<1x48xi32, #tpu.memory_space<vmem>> -> memref<48xi32, #tpu.memory_space<vmem>>
      %dma_wait3A_248 = arith.constant 0 : i32
      %dma_wait3A_249 = arith.constant 0 : i32
      %dma_wait3A_250 = tpu.memref_slice %arg2[%dma_wait3A_248, %dma_wait3A_249] : memref<10000x128xf32, #tpu.memory_space<hbm>> -> memref<10000x128xf32, #tpu.memory_space<hbm>>
      tpu.wait_indirect_dma semaphore(%arg13 : memref<!tpu.dma_semaphore, #tpu.memory_space<semaphore_mem>>) src(%dma_wait3A_250 : memref<10000x128xf32, #tpu.memory_space<hbm>>) dst(%dma_wait3A_244 : memref<48x128xf32, #tpu.memory_space<vmem>>)
      %dma_wait3A_251 = arith.constant 48 : i32
      %dma_wait3A_252 = arith.constant 0 : i32
      %dma_wait3A_253 = tpu.memref_slice %arg11[%dma_wait3A_251, %dma_wait3A_252] : memref<100x128xf32, #tpu.memory_space<vmem>> -> memref<52x128xf32, #tpu.memory_space<vmem>>
      %dma_wait3A_254 = arith.constant 48 : i32
      %dma_wait3A_255 = tpu.memref_slice %arg9[%mul3A_241, %dma_wait3A_254] : memref<50x100xi32, #tpu.memory_space<vmem>> -> memref<1x52xi32, #tpu.memory_space<vmem>>
      %dma_wait3A_256 = tpu.memref_squeeze %dma_wait3A_255 : memref<1x52xi32, #tpu.memory_space<vmem>> -> memref<52xi32, #tpu.memory_space<vmem>>
      %dma_wait3A_257 = arith.constant 0 : i32
      %dma_wait3A_258 = arith.constant 0 : i32
      %dma_wait3A_259 = tpu.memref_slice %arg2[%dma_wait3A_257, %dma_wait3A_258] : memref<10000x128xf32, #tpu.memory_space<hbm>> -> memref<10000x128xf32, #tpu.memory_space<hbm>>
      tpu.wait_indirect_dma semaphore(%arg14 : memref<!tpu.dma_semaphore, #tpu.memory_space<semaphore_mem>>) src(%dma_wait3A_259 : memref<10000x128xf32, #tpu.memory_space<hbm>>) dst(%dma_wait3A_253 : memref<52x128xf32, #tpu.memory_space<vmem>>)
      %dma_start3A_260 = arith.constant 0 : i32
      %dma_start3A_261 = tpu.memref_slice %arg10[%mul3A_241, %dma_start3A_260] : memref<50x100xi32, #tpu.memory_space<vmem>> -> memref<1x100xi32, #tpu.memory_space<vmem>>
      %dma_start3A_262 = tpu.memref_squeeze %dma_start3A_261 : memref<1x100xi32, #tpu.memory_space<vmem>> -> memref<100xi32, #tpu.memory_space<vmem>>
      %dma_start3A_263 = arith.constant 0 : i32
      %dma_start3A_264 = arith.constant 0 : i32
      %dma_start3A_265 = tpu.memref_slice %arg8[%dma_start3A_263, %dma_start3A_264] : memref<10000x128xf32, #tpu.memory_space<vmem_shared>> -> memref<10000x128xf32, #tpu.memory_space<vmem_shared>>
      tpu.enqueue_indirect_dma source(%arg11 : memref<100x128xf32, #tpu.memory_space<vmem>>) target(%dma_start3A_265 : memref<10000x128xf32, #tpu.memory_space<vmem_shared>>) offsets(%dma_start3A_262 : memref<100xi32, #tpu.memory_space<vmem>>) semaphore(%arg17 : memref<!tpu.dma_semaphore, #tpu.memory_space<semaphore_mem>>) {add = true}
      %add3A_266 = arith.constant 1 : i32
      %add3A_267 = arith.addi %mul3A_241, %add3A_266 : i32
      %dma_wait3A_268 = arith.constant 0 : i32
      %dma_wait3A_269 = arith.constant 0 : i32
      %dma_wait3A_270 = tpu.memref_slice %arg12[%dma_wait3A_268, %dma_wait3A_269] : memref<100x128xf32, #tpu.memory_space<vmem>> -> memref<48x128xf32, #tpu.memory_space<vmem>>
      %dma_wait3A_271 = arith.constant 0 : i32
      %dma_wait3A_272 = tpu.memref_slice %arg9[%add3A_267, %dma_wait3A_271] : memref<50x100xi32, #tpu.memory_space<vmem>> -> memref<1x48xi32, #tpu.memory_space<vmem>>
      %dma_wait3A_273 = tpu.memref_squeeze %dma_wait3A_272 : memref<1x48xi32, #tpu.memory_space<vmem>> -> memref<48xi32, #tpu.memory_space<vmem>>
      %dma_wait3A_274 = arith.constant 0 : i32
      %dma_wait3A_275 = arith.constant 0 : i32
      %dma_wait3A_276 = tpu.memref_slice %arg2[%dma_wait3A_274, %dma_wait3A_275] : memref<10000x128xf32, #tpu.memory_space<hbm>> -> memref<10000x128xf32, #tpu.memory_space<hbm>>
      tpu.wait_indirect_dma semaphore(%arg15 : memref<!tpu.dma_semaphore, #tpu.memory_space<semaphore_mem>>) src(%dma_wait3A_276 : memref<10000x128xf32, #tpu.memory_space<hbm>>) dst(%dma_wait3A_270 : memref<48x128xf32, #tpu.memory_space<vmem>>)
      %dma_wait3A_277 = arith.constant 48 : i32
      %dma_wait3A_278 = arith.constant 0 : i32
      %dma_wait3A_279 = tpu.memref_slice %arg12[%dma_wait3A_277, %dma_wait3A_278] : memref<100x128xf32, #tpu.memory_space<vmem>> -> memref<52x128xf32, #tpu.memory_space<vmem>>
      %dma_wait3A_280 = arith.constant 48 : i32
      %dma_wait3A_281 = tpu.memref_slice %arg9[%add3A_267, %dma_wait3A_280] : memref<50x100xi32, #tpu.memory_space<vmem>> -> memref<1x52xi32, #tpu.memory_space<vmem>>
      %dma_wait3A_282 = tpu.memref_squeeze %dma_wait3A_281 : memref<1x52xi32, #tpu.memory_space<vmem>> -> memref<52xi32, #tpu.memory_space<vmem>>
      %dma_wait3A_283 = arith.constant 0 : i32
      %dma_wait3A_284 = arith.constant 0 : i32
      %dma_wait3A_285 = tpu.memref_slice %arg2[%dma_wait3A_283, %dma_wait3A_284] : memref<10000x128xf32, #tpu.memory_space<hbm>> -> memref<10000x128xf32, #tpu.memory_space<hbm>>
      tpu.wait_indirect_dma semaphore(%arg16 : memref<!tpu.dma_semaphore, #tpu.memory_space<semaphore_mem>>) src(%dma_wait3A_285 : memref<10000x128xf32, #tpu.memory_space<hbm>>) dst(%dma_wait3A_279 : memref<52x128xf32, #tpu.memory_space<vmem>>)
      %add3A_286 = arith.constant 1 : i32
      %add3A_287 = arith.addi %mul3A_241, %add3A_286 : i32
      %dma_start3A_288 = arith.constant 0 : i32
      %dma_start3A_289 = tpu.memref_slice %arg10[%add3A_287, %dma_start3A_288] : memref<50x100xi32, #tpu.memory_space<vmem>> -> memref<1x100xi32, #tpu.memory_space<vmem>>
      %dma_start3A_290 = tpu.memref_squeeze %dma_start3A_289 : memref<1x100xi32, #tpu.memory_space<vmem>> -> memref<100xi32, #tpu.memory_space<vmem>>
      %dma_start3A_291 = arith.constant 0 : i32
      %dma_start3A_292 = arith.constant 0 : i32
      %dma_start3A_293 = tpu.memref_slice %arg8[%dma_start3A_291, %dma_start3A_292] : memref<10000x128xf32, #tpu.memory_space<vmem_shared>> -> memref<10000x128xf32, #tpu.memory_space<vmem_shared>>
      tpu.enqueue_indirect_dma source(%arg12 : memref<100x128xf32, #tpu.memory_space<vmem>>) target(%dma_start3A_293 : memref<10000x128xf32, #tpu.memory_space<vmem_shared>>) offsets(%dma_start3A_290 : memref<100xi32, #tpu.memory_space<vmem>>) semaphore(%arg18 : memref<!tpu.dma_semaphore, #tpu.memory_space<semaphore_mem>>) {add = true}
      %dma_wait3A_294 = arith.constant 0 : i32
      %dma_wait3A_295 = tpu.memref_slice %arg10[%mul3A_241, %dma_wait3A_294] : memref<50x100xi32, #tpu.memory_space<vmem>> -> memref<1x100xi32, #tpu.memory_space<vmem>>
      %dma_wait3A_296 = tpu.memref_squeeze %dma_wait3A_295 : memref<1x100xi32, #tpu.memory_space<vmem>> -> memref<100xi32, #tpu.memory_space<vmem>>
      %dma_wait3A_297 = arith.constant 0 : i32
      %dma_wait3A_298 = arith.constant 0 : i32
      %dma_wait3A_299 = tpu.memref_slice %arg8[%dma_wait3A_297, %dma_wait3A_298] : memref<10000x128xf32, #tpu.memory_space<vmem_shared>> -> memref<10000x128xf32, #tpu.memory_space<vmem_shared>>
      tpu.wait_indirect_dma semaphore(%arg17 : memref<!tpu.dma_semaphore, #tpu.memory_space<semaphore_mem>>) src(%arg11 : memref<100x128xf32, #tpu.memory_space<vmem>>) dst(%dma_wait3A_299 : memref<10000x128xf32, #tpu.memory_space<vmem_shared>>)
      %add3A_300 = arith.constant 2 : i32
      %add3A_301 = arith.addi %mul3A_241, %add3A_300 : i32
      %dma_start3A_302 = arith.constant 0 : i32
      %dma_start3A_303 = arith.constant 0 : i32
      %dma_start3A_304 = tpu.memref_slice %arg11[%dma_start3A_302, %dma_start3A_303] : memref<100x128xf32, #tpu.memory_space<vmem>> -> memref<48x128xf32, #tpu.memory_space<vmem>>
      %dma_start3A_305 = arith.constant 0 : i32
      %dma_start3A_306 = tpu.memref_slice %arg9[%add3A_301, %dma_start3A_305] : memref<50x100xi32, #tpu.memory_space<vmem>> -> memref<1x48xi32, #tpu.memory_space<vmem>>
      %dma_start3A_307 = tpu.memref_squeeze %dma_start3A_306 : memref<1x48xi32, #tpu.memory_space<vmem>> -> memref<48xi32, #tpu.memory_space<vmem>>
      %dma_start3A_308 = arith.constant 0 : i32
      %dma_start3A_309 = arith.constant 0 : i32
      %dma_start3A_310 = tpu.memref_slice %arg2[%dma_start3A_308, %dma_start3A_309] : memref<10000x128xf32, #tpu.memory_space<hbm>> -> memref<10000x128xf32, #tpu.memory_space<hbm>>
      tpu.enqueue_indirect_dma source(%dma_start3A_310 : memref<10000x128xf32, #tpu.memory_space<hbm>>) target(%dma_start3A_304 : memref<48x128xf32, #tpu.memory_space<vmem>>) offsets(%dma_start3A_307 : memref<48xi32, #tpu.memory_space<vmem>>) semaphore(%arg13 : memref<!tpu.dma_semaphore, #tpu.memory_space<semaphore_mem>>)
      %dma_start3A_311 = arith.constant 48 : i32
      %dma_start3A_312 = arith.constant 0 : i32
      %dma_start3A_313 = tpu.memref_slice %arg11[%dma_start3A_311, %dma_start3A_312] : memref<100x128xf32, #tpu.memory_space<vmem>> -> memref<52x128xf32, #tpu.memory_space<vmem>>
      %dma_start3A_314 = arith.constant 48 : i32
      %dma_start3A_315 = tpu.memref_slice %arg9[%add3A_301, %dma_start3A_314] : memref<50x100xi32, #tpu.memory_space<vmem>> -> memref<1x52xi32, #tpu.memory_space<vmem>>
      %dma_start3A_316 = tpu.memref_squeeze %dma_start3A_315 : memref<1x52xi32, #tpu.memory_space<vmem>> -> memref<52xi32, #tpu.memory_space<vmem>>
      %dma_start3A_317 = arith.constant 0 : i32
      %dma_start3A_318 = arith.constant 0 : i32
      %dma_start3A_319 = tpu.memref_slice %arg2[%dma_start3A_317, %dma_start3A_318] : memref<10000x128xf32, #tpu.memory_space<hbm>> -> memref<10000x128xf32, #tpu.memory_space<hbm>>
      tpu.enqueue_indirect_dma source(%dma_start3A_319 : memref<10000x128xf32, #tpu.memory_space<hbm>>) target(%dma_start3A_313 : memref<52x128xf32, #tpu.memory_space<vmem>>) offsets(%dma_start3A_316 : memref<52xi32, #tpu.memory_space<vmem>>) semaphore(%arg14 : memref<!tpu.dma_semaphore, #tpu.memory_space<semaphore_mem>>)
      %add3A_320 = arith.constant 1 : i32
      %add3A_321 = arith.addi %mul3A_241, %add3A_320 : i32
      %dma_wait3A_322 = arith.constant 0 : i32
      %dma_wait3A_323 = tpu.memref_slice %arg10[%add3A_321, %dma_wait3A_322] : memref<50x100xi32, #tpu.memory_space<vmem>> -> memref<1x100xi32, #tpu.memory_space<vmem>>
      %dma_wait3A_324 = tpu.memref_squeeze %dma_wait3A_323 : memref<1x100xi32, #tpu.memory_space<vmem>> -> memref<100xi32, #tpu.memory_space<vmem>>
      %dma_wait3A_325 = arith.constant 0 : i32
      %dma_wait3A_326 = arith.constant 0 : i32
      %dma_wait3A_327 = tpu.memref_slice %arg8[%dma_wait3A_325, %dma_wait3A_326] : memref<10000x128xf32, #tpu.memory_space<vmem_shared>> -> memref<10000x128xf32, #tpu.memory_space<vmem_shared>>
      tpu.wait_indirect_dma semaphore(%arg18 : memref<!tpu.dma_semaphore, #tpu.memory_space<semaphore_mem>>) src(%arg12 : memref<100x128xf32, #tpu.memory_space<vmem>>) dst(%dma_wait3A_327 : memref<10000x128xf32, #tpu.memory_space<vmem_shared>>)
      %add3A_328 = arith.constant 3 : i32
      %add3A_329 = arith.addi %mul3A_241, %add3A_328 : i32
      %dma_start3A_330 = arith.constant 0 : i32
      %dma_start3A_331 = arith.constant 0 : i32
      %dma_start3A_332 = tpu.memref_slice %arg12[%dma_start3A_330, %dma_start3A_331] : memref<100x128xf32, #tpu.memory_space<vmem>> -> memref<48x128xf32, #tpu.memory_space<vmem>>
      %dma_start3A_333 = arith.constant 0 : i32
      %dma_start3A_334 = tpu.memref_slice %arg9[%add3A_329, %dma_start3A_333] : memref<50x100xi32, #tpu.memory_space<vmem>> -> memref<1x48xi32, #tpu.memory_space<vmem>>
      %dma_start3A_335 = tpu.memref_squeeze %dma_start3A_334 : memref<1x48xi32, #tpu.memory_space<vmem>> -> memref<48xi32, #tpu.memory_space<vmem>>
      %dma_start3A_336 = arith.constant 0 : i32
      %dma_start3A_337 = arith.constant 0 : i32
      %dma_start3A_338 = tpu.memref_slice %arg2[%dma_start3A_336, %dma_start3A_337] : memref<10000x128xf32, #tpu.memory_space<hbm>> -> memref<10000x128xf32, #tpu.memory_space<hbm>>
      tpu.enqueue_indirect_dma source(%dma_start3A_338 : memref<10000x128xf32, #tpu.memory_space<hbm>>) target(%dma_start3A_332 : memref<48x128xf32, #tpu.memory_space<vmem>>) offsets(%dma_start3A_335 : memref<48xi32, #tpu.memory_space<vmem>>) semaphore(%arg15 : memref<!tpu.dma_semaphore, #tpu.memory_space<semaphore_mem>>)
      %dma_start3A_339 = arith.constant 48 : i32
      %dma_start3A_340 = arith.constant 0 : i32
      %dma_start3A_341 = tpu.memref_slice %arg12[%dma_start3A_339, %dma_start3A_340] : memref<100x128xf32, #tpu.memory_space<vmem>> -> memref<52x128xf32, #tpu.memory_space<vmem>>
      %dma_start3A_342 = arith.constant 48 : i32
      %dma_start3A_343 = tpu.memref_slice %arg9[%add3A_329, %dma_start3A_342] : memref<50x100xi32, #tpu.memory_space<vmem>> -> memref<1x52xi32, #tpu.memory_space<vmem>>
      %dma_start3A_344 = tpu.memref_squeeze %dma_start3A_343 : memref<1x52xi32, #tpu.memory_space<vmem>> -> memref<52xi32, #tpu.memory_space<vmem>>
      %dma_start3A_345 = arith.constant 0 : i32
      %dma_start3A_346 = arith.constant 0 : i32
      %dma_start3A_347 = tpu.memref_slice %arg2[%dma_start3A_345, %dma_start3A_346] : memref<10000x128xf32, #tpu.memory_space<hbm>> -> memref<10000x128xf32, #tpu.memory_space<hbm>>
      tpu.enqueue_indirect_dma source(%dma_start3A_347 : memref<10000x128xf32, #tpu.memory_space<hbm>>) target(%dma_start3A_341 : memref<52x128xf32, #tpu.memory_space<vmem>>) offsets(%dma_start3A_344 : memref<52xi32, #tpu.memory_space<vmem>>) semaphore(%arg16 : memref<!tpu.dma_semaphore, #tpu.memory_space<semaphore_mem>>)
    }
    %scan3A_164 = arith.constant 24 : i32
    %dma_wait3A_165 = arith.constant 48 : i32
    %dma_wait3A_166 = arith.constant 0 : i32
    %dma_wait3A_167 = arith.constant 0 : i32
    %dma_wait3A_168 = tpu.memref_slice %arg11[%dma_wait3A_166, %dma_wait3A_167] : memref<100x128xf32, #tpu.memory_space<vmem>> -> memref<48x128xf32, #tpu.memory_space<vmem>>
    %dma_wait3A_169 = arith.constant 0 : i32
    %dma_wait3A_170 = tpu.memref_slice %arg9[%dma_wait3A_165, %dma_wait3A_169] : memref<50x100xi32, #tpu.memory_space<vmem>> -> memref<1x48xi32, #tpu.memory_space<vmem>>
    %dma_wait3A_171 = tpu.memref_squeeze %dma_wait3A_170 : memref<1x48xi32, #tpu.memory_space<vmem>> -> memref<48xi32, #tpu.memory_space<vmem>>
    %dma_wait3A_172 = arith.constant 0 : i32
    %dma_wait3A_173 = arith.constant 0 : i32
    %dma_wait3A_174 = tpu.memref_slice %arg2[%dma_wait3A_172, %dma_wait3A_173] : memref<10000x128xf32, #tpu.memory_space<hbm>> -> memref<10000x128xf32, #tpu.memory_space<hbm>>
    tpu.wait_indirect_dma semaphore(%arg13 : memref<!tpu.dma_semaphore, #tpu.memory_space<semaphore_mem>>) src(%dma_wait3A_174 : memref<10000x128xf32, #tpu.memory_space<hbm>>) dst(%dma_wait3A_168 : memref<48x128xf32, #tpu.memory_space<vmem>>)
    %dma_wait3A_175 = arith.constant 48 : i32
    %dma_wait3A_176 = arith.constant 48 : i32
    %dma_wait3A_177 = arith.constant 0 : i32
    %dma_wait3A_178 = tpu.memref_slice %arg11[%dma_wait3A_176, %dma_wait3A_177] : memref<100x128xf32, #tpu.memory_space<vmem>> -> memref<52x128xf32, #tpu.memory_space<vmem>>
    %dma_wait3A_179 = arith.constant 48 : i32
    %dma_wait3A_180 = tpu.memref_slice %arg9[%dma_wait3A_175, %dma_wait3A_179] : memref<50x100xi32, #tpu.memory_space<vmem>> -> memref<1x52xi32, #tpu.memory_space<vmem>>
    %dma_wait3A_181 = tpu.memref_squeeze %dma_wait3A_180 : memref<1x52xi32, #tpu.memory_space<vmem>> -> memref<52xi32, #tpu.memory_space<vmem>>
    %dma_wait3A_182 = arith.constant 0 : i32
    %dma_wait3A_183 = arith.constant 0 : i32
    %dma_wait3A_184 = tpu.memref_slice %arg2[%dma_wait3A_182, %dma_wait3A_183] : memref<10000x128xf32, #tpu.memory_space<hbm>> -> memref<10000x128xf32, #tpu.memory_space<hbm>>
    tpu.wait_indirect_dma semaphore(%arg14 : memref<!tpu.dma_semaphore, #tpu.memory_space<semaphore_mem>>) src(%dma_wait3A_184 : memref<10000x128xf32, #tpu.memory_space<hbm>>) dst(%dma_wait3A_178 : memref<52x128xf32, #tpu.memory_space<vmem>>)
    %dma_start3A_185 = arith.constant 48 : i32
    %dma_start3A_186 = arith.constant 0 : i32
    %dma_start3A_187 = tpu.memref_slice %arg10[%dma_start3A_185, %dma_start3A_186] : memref<50x100xi32, #tpu.memory_space<vmem>> -> memref<1x100xi32, #tpu.memory_space<vmem>>
    %dma_start3A_188 = tpu.memref_squeeze %dma_start3A_187 : memref<1x100xi32, #tpu.memory_space<vmem>> -> memref<100xi32, #tpu.memory_space<vmem>>
    %dma_start3A_189 = arith.constant 0 : i32
    %dma_start3A_190 = arith.constant 0 : i32
    %dma_start3A_191 = tpu.memref_slice %arg8[%dma_start3A_189, %dma_start3A_190] : memref<10000x128xf32, #tpu.memory_space<vmem_shared>> -> memref<10000x128xf32, #tpu.memory_space<vmem_shared>>
    tpu.enqueue_indirect_dma source(%arg11 : memref<100x128xf32, #tpu.memory_space<vmem>>) target(%dma_start3A_191 : memref<10000x128xf32, #tpu.memory_space<vmem_shared>>) offsets(%dma_start3A_188 : memref<100xi32, #tpu.memory_space<vmem>>) semaphore(%arg17 : memref<!tpu.dma_semaphore, #tpu.memory_space<semaphore_mem>>) {add = true}
    %dma_wait3A_192 = arith.constant 49 : i32
    %dma_wait3A_193 = arith.constant 0 : i32
    %dma_wait3A_194 = arith.constant 0 : i32
    %dma_wait3A_195 = tpu.memref_slice %arg12[%dma_wait3A_193, %dma_wait3A_194] : memref<100x128xf32, #tpu.memory_space<vmem>> -> memref<48x128xf32, #tpu.memory_space<vmem>>
    %dma_wait3A_196 = arith.constant 0 : i32
    %dma_wait3A_197 = tpu.memref_slice %arg9[%dma_wait3A_192, %dma_wait3A_196] : memref<50x100xi32, #tpu.memory_space<vmem>> -> memref<1x48xi32, #tpu.memory_space<vmem>>
    %dma_wait3A_198 = tpu.memref_squeeze %dma_wait3A_197 : memref<1x48xi32, #tpu.memory_space<vmem>> -> memref<48xi32, #tpu.memory_space<vmem>>
    %dma_wait3A_199 = arith.constant 0 : i32
    %dma_wait3A_200 = arith.constant 0 : i32
    %dma_wait3A_201 = tpu.memref_slice %arg2[%dma_wait3A_199, %dma_wait3A_200] : memref<10000x128xf32, #tpu.memory_space<hbm>> -> memref<10000x128xf32, #tpu.memory_space<hbm>>
    tpu.wait_indirect_dma semaphore(%arg15 : memref<!tpu.dma_semaphore, #tpu.memory_space<semaphore_mem>>) src(%dma_wait3A_201 : memref<10000x128xf32, #tpu.memory_space<hbm>>) dst(%dma_wait3A_195 : memref<48x128xf32, #tpu.memory_space<vmem>>)
    %dma_wait3A_202 = arith.constant 49 : i32
    %dma_wait3A_203 = arith.constant 48 : i32
    %dma_wait3A_204 = arith.constant 0 : i32
    %dma_wait3A_205 = tpu.memref_slice %arg12[%dma_wait3A_203, %dma_wait3A_204] : memref<100x128xf32, #tpu.memory_space<vmem>> -> memref<52x128xf32, #tpu.memory_space<vmem>>
    %dma_wait3A_206 = arith.constant 48 : i32
    %dma_wait3A_207 = tpu.memref_slice %arg9[%dma_wait3A_202, %dma_wait3A_206] : memref<50x100xi32, #tpu.memory_space<vmem>> -> memref<1x52xi32, #tpu.memory_space<vmem>>
    %dma_wait3A_208 = tpu.memref_squeeze %dma_wait3A_207 : memref<1x52xi32, #tpu.memory_space<vmem>> -> memref<52xi32, #tpu.memory_space<vmem>>
    %dma_wait3A_209 = arith.constant 0 : i32
    %dma_wait3A_210 = arith.constant 0 : i32
    %dma_wait3A_211 = tpu.memref_slice %arg2[%dma_wait3A_209, %dma_wait3A_210] : memref<10000x128xf32, #tpu.memory_space<hbm>> -> memref<10000x128xf32, #tpu.memory_space<hbm>>
    tpu.wait_indirect_dma semaphore(%arg16 : memref<!tpu.dma_semaphore, #tpu.memory_space<semaphore_mem>>) src(%dma_wait3A_211 : memref<10000x128xf32, #tpu.memory_space<hbm>>) dst(%dma_wait3A_205 : memref<52x128xf32, #tpu.memory_space<vmem>>)
    %dma_start3A_212 = arith.constant 49 : i32
    %dma_start3A_213 = arith.constant 0 : i32
    %dma_start3A_214 = tpu.memref_slice %arg10[%dma_start3A_212, %dma_start3A_213] : memref<50x100xi32, #tpu.memory_space<vmem>> -> memref<1x100xi32, #tpu.memory_space<vmem>>
    %dma_start3A_215 = tpu.memref_squeeze %dma_start3A_214 : memref<1x100xi32, #tpu.memory_space<vmem>> -> memref<100xi32, #tpu.memory_space<vmem>>
    %dma_start3A_216 = arith.constant 0 : i32
    %dma_start3A_217 = arith.constant 0 : i32
    %dma_start3A_218 = tpu.memref_slice %arg8[%dma_start3A_216, %dma_start3A_217] : memref<10000x128xf32, #tpu.memory_space<vmem_shared>> -> memref<10000x128xf32, #tpu.memory_space<vmem_shared>>
    tpu.enqueue_indirect_dma source(%arg12 : memref<100x128xf32, #tpu.memory_space<vmem>>) target(%dma_start3A_218 : memref<10000x128xf32, #tpu.memory_space<vmem_shared>>) offsets(%dma_start3A_215 : memref<100xi32, #tpu.memory_space<vmem>>) semaphore(%arg18 : memref<!tpu.dma_semaphore, #tpu.memory_space<semaphore_mem>>) {add = true}
    %dma_wait3A_219 = arith.constant 48 : i32
    %dma_wait3A_220 = arith.constant 0 : i32
    %dma_wait3A_221 = tpu.memref_slice %arg10[%dma_wait3A_219, %dma_wait3A_220] : memref<50x100xi32, #tpu.memory_space<vmem>> -> memref<1x100xi32, #tpu.memory_space<vmem>>
    %dma_wait3A_222 = tpu.memref_squeeze %dma_wait3A_221 : memref<1x100xi32, #tpu.memory_space<vmem>> -> memref<100xi32, #tpu.memory_space<vmem>>
    %dma_wait3A_223 = arith.constant 0 : i32
    %dma_wait3A_224 = arith.constant 0 : i32
    %dma_wait3A_225 = tpu.memref_slice %arg8[%dma_wait3A_223, %dma_wait3A_224] : memref<10000x128xf32, #tpu.memory_space<vmem_shared>> -> memref<10000x128xf32, #tpu.memory_space<vmem_shared>>
    tpu.wait_indirect_dma semaphore(%arg17 : memref<!tpu.dma_semaphore, #tpu.memory_space<semaphore_mem>>) src(%arg11 : memref<100x128xf32, #tpu.memory_space<vmem>>) dst(%dma_wait3A_225 : memref<10000x128xf32, #tpu.memory_space<vmem_shared>>)
    %dma_wait3A_226 = arith.constant 49 : i32
    %dma_wait3A_227 = arith.constant 0 : i32
    %dma_wait3A_228 = tpu.memref_slice %arg10[%dma_wait3A_226, %dma_wait3A_227] : memref<50x100xi32, #tpu.memory_space<vmem>> -> memref<1x100xi32, #tpu.memory_space<vmem>>
    %dma_wait3A_229 = tpu.memref_squeeze %dma_wait3A_228 : memref<1x100xi32, #tpu.memory_space<vmem>> -> memref<100xi32, #tpu.memory_space<vmem>>
    %dma_wait3A_230 = arith.constant 0 : i32
    %dma_wait3A_231 = arith.constant 0 : i32
    %dma_wait3A_232 = tpu.memref_slice %arg8[%dma_wait3A_230, %dma_wait3A_231] : memref<10000x128xf32, #tpu.memory_space<vmem_shared>> -> memref<10000x128xf32, #tpu.memory_space<vmem_shared>>
    tpu.wait_indirect_dma semaphore(%arg18 : memref<!tpu.dma_semaphore, #tpu.memory_space<semaphore_mem>>) src(%arg12 : memref<100x128xf32, #tpu.memory_space<vmem>>) dst(%dma_wait3A_232 : memref<10000x128xf32, #tpu.memory_space<vmem_shared>>)
    %barrier3A_233 = arith.constant 0 : index
    tpu.barrier barrier_id(%barrier3A_233)
    "tpu.region"() ({
      %run_scoped3A_239 = tpu.sem_alloc : memref<!tpu.dma_semaphore, #tpu.memory_space<semaphore_mem>>
      %dma_start3A_240 = arith.constant 0 : i32
      %dma_start3A_241 = tpu.memref_slice %arg7[%arg0, %mul3A_2, %dma_start3A_240] : memref<2x10000x128xf32, #tpu.memory_space<hbm>> -> memref<1x624x128xf32, #tpu.memory_space<hbm>>
      %dma_start3A_242 = tpu.memref_squeeze %dma_start3A_241 : memref<1x624x128xf32, #tpu.memory_space<hbm>> -> memref<624x128xf32, #tpu.memory_space<hbm>>
      %dma_start3A_243 = arith.constant 0 : i32
      %dma_start3A_244 = tpu.memref_slice %arg8[%mul3A_2, %dma_start3A_243] : memref<10000x128xf32, #tpu.memory_space<vmem_shared>> -> memref<624x128xf32, #tpu.memory_space<vmem_shared>>
      tpu.enqueue_dma source(%dma_start3A_244 : memref<624x128xf32, #tpu.memory_space<vmem_shared>>) target(%dma_start3A_242 : memref<624x128xf32, #tpu.memory_space<hbm>>) target_semaphore(%run_scoped3A_239 : memref<!tpu.dma_semaphore, #tpu.memory_space<semaphore_mem>>)
      %dma_wait3A_245 = arith.constant 0 : i32
      %dma_wait3A_246 = tpu.memref_slice %arg7[%arg0, %mul3A_2, %dma_wait3A_245] : memref<2x10000x128xf32, #tpu.memory_space<hbm>> -> memref<1x624x128xf32, #tpu.memory_space<hbm>>
      %dma_wait3A_247 = tpu.memref_squeeze %dma_wait3A_246 : memref<1x624x128xf32, #tpu.memory_space<hbm>> -> memref<624x128xf32, #tpu.memory_space<hbm>>
      %dma_wait3A_248 = arith.constant 0 : i32
      %dma_wait3A_249 = tpu.memref_slice %arg8[%mul3A_2, %dma_wait3A_248] : memref<10000x128xf32, #tpu.memory_space<vmem_shared>> -> memref<624x128xf32, #tpu.memory_space<vmem_shared>>
      tpu.wait_dma2 semaphore(%run_scoped3A_239 : memref<!tpu.dma_semaphore, #tpu.memory_space<semaphore_mem>>) src(%dma_wait3A_249 : memref<624x128xf32, #tpu.memory_space<vmem_shared>>) dst(%dma_wait3A_247 : memref<624x128xf32, #tpu.memory_space<hbm>>)
      tpu.yield
    }) : () -> ()
    %eq3A_234 = arith.constant 0 : i32
    %eq3A_235 = arith.cmpi eq, %arg1, %eq3A_234 : i32
    %convert_element_type3A_236 = arith.extui %eq3A_235 : i1 to i32
    %cond3A_237 = arith.constant 0 : i32
    %cond3A_238 = arith.cmpi ne, %convert_element_type3A_236, %cond3A_237 : i32
    scf.if %cond3A_238 {
      "tpu.region"() ({
        %run_scoped3A_239 = tpu.sem_alloc : memref<!tpu.dma_semaphore, #tpu.memory_space<semaphore_mem>>
        %dma_start3A_240 = arith.constant 9984 : i32
        %dma_start3A_241 = arith.constant 0 : i32
        %dma_start3A_242 = tpu.memref_slice %arg7[%arg0, %dma_start3A_240, %dma_start3A_241] : memref<2x10000x128xf32, #tpu.memory_space<hbm>> -> memref<1x16x128xf32, #tpu.memory_space<hbm>>
        %dma_start3A_243 = tpu.memref_squeeze %dma_start3A_242 : memref<1x16x128xf32, #tpu.memory_space<hbm>> -> memref<16x128xf32, #tpu.memory_space<hbm>>
        %dma_start3A_244 = arith.constant 9984 : i32
        %dma_start3A_245 = arith.constant 0 : i32
        %dma_start3A_246 = tpu.memref_slice %arg8[%dma_start3A_244, %dma_start3A_245] : memref<10000x128xf32, #tpu.memory_space<vmem_shared>> -> memref<16x128xf32, #tpu.memory_space<vmem_shared>>
        tpu.enqueue_dma source(%dma_start3A_246 : memref<16x128xf32, #tpu.memory_space<vmem_shared>>) target(%dma_start3A_243 : memref<16x128xf32, #tpu.memory_space<hbm>>) target_semaphore(%run_scoped3A_239 : memref<!tpu.dma_semaphore, #tpu.memory_space<semaphore_mem>>)
        %dma_wait3A_247 = arith.constant 9984 : i32
        %dma_wait3A_248 = arith.constant 0 : i32
        %dma_wait3A_249 = tpu.memref_slice %arg7[%arg0, %dma_wait3A_247, %dma_wait3A_248] : memref<2x10000x128xf32, #tpu.memory_space<hbm>> -> memref<1x16x128xf32, #tpu.memory_space<hbm>>
        %dma_wait3A_250 = tpu.memref_squeeze %dma_wait3A_249 : memref<1x16x128xf32, #tpu.memory_space<hbm>> -> memref<16x128xf32, #tpu.memory_space<hbm>>
        %dma_wait3A_251 = arith.constant 9984 : i32
        %dma_wait3A_252 = arith.constant 0 : i32
        %dma_wait3A_253 = tpu.memref_slice %arg8[%dma_wait3A_251, %dma_wait3A_252] : memref<10000x128xf32, #tpu.memory_space<vmem_shared>> -> memref<16x128xf32, #tpu.memory_space<vmem_shared>>
        tpu.wait_dma2 semaphore(%run_scoped3A_239 : memref<!tpu.dma_semaphore, #tpu.memory_space<semaphore_mem>>) src(%dma_wait3A_253 : memref<16x128xf32, #tpu.memory_space<vmem_shared>>) dst(%dma_wait3A_250 : memref<16x128xf32, #tpu.memory_space<hbm>>)
        tpu.yield
      }) : () -> ()
    } else {
    }
    return
  }
}

module attributes {stable_mosaic.version = 14 : i64} {
  func.func @_tc_logsoftmax_kernel(%arg0: i32, %arg1: memref<1000x128xf32, #tpu.memory_space<vmem>>, %arg2: memref<1000x128xf32, #tpu.memory_space<vmem>>) attributes {dimension_semantics = [#tpu.dimension_semantics<arbitrary>], iteration_bounds = array<i64: 10>, scalar_prefetch = 0 : i64, scratch_operands = 0 : i64, tpu.core_type = #tpu.core_type<tc>, window_params = [{transform_indices = @transform_0, window_bounds = array<i64: 1000, 128>}, {transform_indices = @transform_1, window_bounds = array<i64: 1000, 128>}]} {
    %get3A = arith.constant 0 : index
    %get3A_0 = arith.constant 0 : index
    %get3A_1 = vector.load %arg1[%get3A, %get3A_0] : memref<1000x128xf32, #tpu.memory_space<vmem>>, vector<1000x128xf32>
    %reduce_max3A = arith.constant dense<0xFF800000> : vector<1000xf32>
    %reduce_max3A_2 = vector.multi_reduction <maximumf>, %get3A_1, %reduce_max3A [1] : vector<1000x128xf32> to vector<1000xf32>
    %broadcast_in_dim3A = vector.shape_cast %reduce_max3A_2 : vector<1000xf32> to vector<1000x1xf32>
    %sub3A = vector.broadcast %broadcast_in_dim3A : vector<1000x1xf32> to vector<1000x128xf32>
    %sub3A_3 = arith.subf %get3A_1, %sub3A : vector<1000x128xf32>
    %exp3A = math.exp %sub3A_3 : vector<1000x128xf32>
    %reduce_sum3A = arith.constant dense<0.000000e+00> : vector<1000xf32>
    %reduce_sum3A_4 = vector.multi_reduction <add>, %exp3A, %reduce_sum3A [1] : vector<1000x128xf32> to vector<1000xf32>
    %broadcast_in_dim3A_5 = vector.shape_cast %reduce_sum3A_4 : vector<1000xf32> to vector<1000x1xf32>
    %log3A = math.log %broadcast_in_dim3A_5 : vector<1000x1xf32>
    %add3A = arith.addf %broadcast_in_dim3A, %log3A : vector<1000x1xf32>
    %sub3A_6 = vector.broadcast %add3A : vector<1000x1xf32> to vector<1000x128xf32>
    %sub3A_7 = arith.subf %get3A_1, %sub3A_6 : vector<1000x128xf32>
    %swap3A = arith.constant 0 : index
    %swap3A_8 = arith.constant 0 : index
    %swap3A_9 = vector.load %arg2[%swap3A, %swap3A_8] : memref<1000x128xf32, #tpu.memory_space<vmem>>, vector<1000x128xf32>
    tpu.vector_store %arg2[%swap3A, %swap3A_8], %sub3A_7 {strides = array<i32>} : memref<1000x128xf32, #tpu.memory_space<vmem>>, vector<1000x128xf32>,
    return
  }
  func.func @transform_0(%arg0: i32) -> (i32, i32) {
    %c0_i32 = arith.constant 0 : i32
    %c0_i32_0 = arith.constant 0 : i32
    return %arg0, %c0_i32 : i32, i32
  }
  func.func @transform_1(%arg0: i32) -> (i32, i32) {
    %c0_i32 = arith.constant 0 : i32
    %c0_i32_0 = arith.constant 0 : i32
    return %arg0, %c0_i32 : i32, i32
  }
}

module attributes {stable_mosaic.version = 14 : i64} {
  func.func @_tc_dense_kernel(%arg0: i32, %arg1: memref<2x1000x128xf32, #tpu.memory_space<vmem>>, %arg2: memref<2x1000x128xf32, #tpu.memory_space<vmem>>, %arg3: memref<1000x128xf32, #tpu.memory_space<vmem>>, %arg4: memref<128x128xf32, #tpu.memory_space<vmem>>, %arg5: memref<1x128xf32, #tpu.memory_space<vmem>>, %arg6: memref<128x128xf32, #tpu.memory_space<vmem>>, %arg7: memref<1000x128xf32, #tpu.memory_space<vmem>>) attributes {dimension_semantics = [#tpu.dimension_semantics<arbitrary>], iteration_bounds = array<i64: 10>, scalar_prefetch = 0 : i64, scratch_operands = 0 : i64, tpu.core_type = #tpu.core_type<tc>, window_params = [{transform_indices = @transform_0, window_bounds = array<i64: 2, 1000, 128>}, {transform_indices = @transform_1, window_bounds = array<i64: 2, 1000, 128>}, {transform_indices = @transform_2, window_bounds = array<i64: 1000, 128>}, {pipeline_mode = #tpu.pipeline_mode<synchronous>, transform_indices = @transform_3, window_bounds = array<i64: 128, 128>}, {pipeline_mode = #tpu.pipeline_mode<synchronous>, transform_indices = @transform_4, window_bounds = array<i64: 1, 128>}, {pipeline_mode = #tpu.pipeline_mode<synchronous>, transform_indices = @transform_5, window_bounds = array<i64: 128, 128>}, {transform_indices = @transform_6, window_bounds = array<i64: 1000, 128>}]} {
    %get3A = arith.constant 0 : index
    %get3A_0 = arith.constant 0 : index
    %get3A_1 = arith.constant 0 : index
    %get3A_2 = vector.load %arg1[%get3A, %get3A_0, %get3A_1] : memref<2x1000x128xf32, #tpu.memory_space<vmem>>, vector<1x1000x128xf32>
    %get3A_3 = vector.shape_cast %get3A_2 : vector<1x1000x128xf32> to vector<1000x128xf32>
    %get3A_4 = arith.constant 1 : index
    %get3A_5 = arith.constant 0 : index
    %get3A_6 = arith.constant 0 : index
    %get3A_7 = vector.load %arg1[%get3A_4, %get3A_5, %get3A_6] : memref<2x1000x128xf32, #tpu.memory_space<vmem>>, vector<1x1000x128xf32>
    %get3A_8 = vector.shape_cast %get3A_7 : vector<1x1000x128xf32> to vector<1000x128xf32>
    %add3A = arith.addf %get3A_3, %get3A_8 : vector<1000x128xf32>
    %get3A_9 = arith.constant 0 : index
    %get3A_10 = arith.constant 0 : index
    %get3A_11 = arith.constant 0 : index
    %get3A_12 = vector.load %arg2[%get3A_9, %get3A_10, %get3A_11] : memref<2x1000x128xf32, #tpu.memory_space<vmem>>, vector<1x1000x1xf32>
    %get3A_13 = vector.shape_cast %get3A_12 : vector<1x1000x1xf32> to vector<1000x1xf32>
    %get3A_14 = arith.constant 1 : index
    %get3A_15 = arith.constant 0 : index
    %get3A_16 = arith.constant 0 : index
    %get3A_17 = vector.load %arg2[%get3A_14, %get3A_15, %get3A_16] : memref<2x1000x128xf32, #tpu.memory_space<vmem>>, vector<1x1000x1xf32>
    %get3A_18 = vector.shape_cast %get3A_17 : vector<1x1000x1xf32> to vector<1000x1xf32>
    %add3A_19 = arith.addf %get3A_13, %get3A_18 : vector<1000x1xf32>
    %max3A = arith.constant 1.000000e+00 : f32
    %max3A_20 = vector.broadcast %max3A : f32 to vector<1000x1xf32>
    %max3A_21 = arith.maximumf %add3A_19, %max3A_20 : vector<1000x1xf32>
    %div3A = vector.broadcast %max3A_21 : vector<1000x1xf32> to vector<1000x128xf32>
    %div3A_22 = arith.divf %add3A, %div3A : vector<1000x128xf32>
    %get3A_23 = arith.constant 0 : index
    %get3A_24 = arith.constant 0 : index
    %get3A_25 = vector.load %arg3[%get3A_23, %get3A_24] : memref<1000x128xf32, #tpu.memory_space<vmem>>, vector<1000x128xf32>
    %get3A_26 = arith.constant 0 : index
    %get3A_27 = arith.constant 0 : index
    %get3A_28 = vector.load %arg4[%get3A_26, %get3A_27] : memref<128x128xf32, #tpu.memory_space<vmem>>, vector<128x128xf32>
    %dot_general3A = arith.constant dense<0.000000e+00> : vector<1000x128xf32>
    %dot_general3A_29 = tpu.matmul %div3A_22, %get3A_28, %dot_general3A {dimension_numbers = #tpu.dot_dimension_numbers<[1], [0], [0], [1], [0, 0, 1, 1], [], []>, transpose_lhs_hint = false} : vector<1000x128xf32>, vector<128x128xf32>, vector<1000x128xf32> -> vector<1000x128xf32>
    %get3A_30 = arith.constant 0 : index
    %get3A_31 = arith.constant 0 : index
    %get3A_32 = vector.load %arg6[%get3A_30, %get3A_31] : memref<128x128xf32, #tpu.memory_space<vmem>>, vector<128x128xf32>
    %dot_general3A_33 = arith.constant dense<0.000000e+00> : vector<1000x128xf32>
    %dot_general3A_34 = tpu.matmul %get3A_25, %get3A_32, %dot_general3A_33 {dimension_numbers = #tpu.dot_dimension_numbers<[1], [0], [0], [1], [0, 0, 1, 1], [], []>, transpose_lhs_hint = false} : vector<1000x128xf32>, vector<128x128xf32>, vector<1000x128xf32> -> vector<1000x128xf32>
    %add3A_35 = arith.addf %dot_general3A_29, %dot_general3A_34 : vector<1000x128xf32>
    %get3A_36 = arith.constant 0 : index
    %get3A_37 = arith.constant 0 : index
    %get3A_38 = vector.load %arg5[%get3A_36, %get3A_37] : memref<1x128xf32, #tpu.memory_space<vmem>>, vector<1x128xf32>
    %add3A_39 = vector.broadcast %get3A_38 : vector<1x128xf32> to vector<1000x128xf32>
    %add3A_40 = arith.addf %add3A_35, %add3A_39 : vector<1000x128xf32>
    %gt3A = arith.constant 0.000000e+00 : f32
    %gt3A_41 = vector.broadcast %gt3A : f32 to vector<1000x128xf32>
    %gt3A_42 = arith.cmpf ogt, %add3A_40, %gt3A_41 : vector<1000x128xf32>
    %min3A = arith.constant 0.000000e+00 : f32
    %min3A_43 = vector.broadcast %min3A : f32 to vector<1000x128xf32>
    %min3A_44 = arith.minimumf %add3A_40, %min3A_43 : vector<1000x128xf32>
    %exp3A = math.exp %min3A_44 : vector<1000x128xf32>
    %sub3A = arith.constant 1.000000e+00 : f32
    %sub3A_45 = vector.broadcast %sub3A : f32 to vector<1000x128xf32>
    %sub3A_46 = arith.subf %exp3A, %sub3A_45 : vector<1000x128xf32>
    %select_n3A = arith.select %gt3A_42, %add3A_40, %sub3A_46 : vector<1000x128xi1>, vector<1000x128xf32>
    %swap3A = arith.constant 0 : index
    %swap3A_47 = arith.constant 0 : index
    %swap3A_48 = vector.load %arg7[%swap3A, %swap3A_47] : memref<1000x128xf32, #tpu.memory_space<vmem>>, vector<1000x128xf32>
    tpu.vector_store %arg7[%swap3A, %swap3A_47], %select_n3A {strides = array<i32>} : memref<1000x128xf32, #tpu.memory_space<vmem>>, vector<1000x128xf32>,
    return
  }
  func.func @transform_0(%arg0: i32) -> (i32, i32, i32) {
    %c0_i32 = arith.constant 0 : i32
    %c0_i32_0 = arith.constant 0 : i32
    %c0_i32_1 = arith.constant 0 : i32
    return %c0_i32, %arg0, %c0_i32_0 : i32, i32, i32
  }
  func.func @transform_1(%arg0: i32) -> (i32, i32, i32) {
    %c0_i32 = arith.constant 0 : i32
    %c0_i32_0 = arith.constant 0 : i32
    %c0_i32_1 = arith.constant 0 : i32
    return %c0_i32, %arg0, %c0_i32_0 : i32, i32, i32
  }
  func.func @transform_2(%arg0: i32) -> (i32, i32) {
    %c0_i32 = arith.constant 0 : i32
    %c0_i32_0 = arith.constant 0 : i32
    return %arg0, %c0_i32 : i32, i32
  }
  func.func @transform_3(%arg0: i32) -> (i32, i32) {
    %c0_i32 = arith.constant 0 : i32
    %c0_i32_0 = arith.constant 0 : i32
    %c0_i32_1 = arith.constant 0 : i32
    return %c0_i32, %c0_i32_0 : i32, i32
  }
  func.func @transform_4(%arg0: i32) -> (i32, i32) {
    %c0_i32 = arith.constant 0 : i32
    %c0_i32_0 = arith.constant 0 : i32
    %c0_i32_1 = arith.constant 0 : i32
    return %c0_i32, %c0_i32_0 : i32, i32
  }
  func.func @transform_5(%arg0: i32) -> (i32, i32) {
    %c0_i32 = arith.constant 0 : i32
    %c0_i32_0 = arith.constant 0 : i32
    %c0_i32_1 = arith.constant 0 : i32
    return %c0_i32, %c0_i32_0 : i32, i32
  }
  func.func @transform_6(%arg0: i32) -> (i32, i32) {
    %c0_i32 = arith.constant 0 : i32
    %c0_i32_0 = arith.constant 0 : i32
    return %arg0, %c0_i32 : i32, i32
  }
}

</mosaic_0001>

<sc_bundles>
// kernel: sage_sc_aggregate.3.cloned.1.call-start
scs
__scs_entry_jumppad:
0x0: {  	(pc) =	sbr.rel $0x88, $3  }
0x1: {  	(tag) =	ssettag $0x0;
	lr =	simm.s32 $0x1  }
0x2: {  	[smem:$0x3F99] =	sst lr;
	_ =	strace $0xD0000000  }
0x3: {  	_ = 	snop  }
0x4: {  	_ = 	snop  }
0x5: {  	_ = 	snop  }
0x6: {  	_ = 	snop  }
0x7: {  	_ = 	snop  }
__scs_overlays_trampoline_lowered:
0x8: {  	[smem:$0x3FA8] =	sst s0  }
0x9: {  	[smem:$0x3FA9] =	sst s1  }
0xa: {  	[smem:$0x3FAA] =	sst s2  }
0xb: {  	[smem:$0x3FAB] =	sst s3  }
0xc: {  	[smem:$0x3FAC] =	sst s4  }
0xd: {  	[smem:$0x3FAD] =	sst s5  }
0xe: {  	[smem:$0x3FAE] =	sst s6  }
0xf: {  	[smem:$0x3FAF] =	sst s7  }
0x10: {  	[smem:$0x3FB0] =	sst s8  }
0x11: {  	[smem:$0x3FB1] =	sst s9;
	s0 =	simm.s32 @!p0 $0x0  }
0x12: {  	s1 =	sld [smem:$0x3F97];
	s0 =	simm.s32 @p0 $0x1  }
0x13: {  	[smem:$0x3FB2] =	sst s0;
	s0 =	simm.s32 @!p1 $0x0  }
0x14: {  	s2 =	sld [smem:$0x3F96];
	s0 =	simm.s32 @p1 $0x1  }
0x15: {  	[smem:$0x3FB3] =	sst s0;
	s0 =	simm.s32 @!p2 $0x0  }
0x16: {  	s3 =	sld [smem:$0x3FDB];
	s0 =	simm.s32 @p2 $0x1  }
0x17: {  	s4 =	simm.s32 $0x1BF5;
	[smem:$0x3FB5] =	sst s0  }
0x18: {  	s0 =	sld [smem:$0x3F98];
	_ =	swait.ge [sflag:s4], $0x0  }
0x19: {  	s7 =	sld [smem:$0x3F99]  }
0x1a: {  	s8 =	sadd.s32 $0xFFFFE003, lr  }
0x1b: {  	s9 =	sadd.s32 $0xFFFFFEF7, lr;
	s5 =	simm.s32 $0xFFFFFFFF;
	p2 =	slt.u32 s8, $0xFFFFF086  }
0x1c: {  	p1 =	slt.u32 s9, $0xF7A;
	s5 =	simm.s32 @!p2 $0x0  }
0x1d: {  	s5 =	simm.s32 @p1 $0x1;
	p0 =	seq.s32 s7, s2  }
0x1e: {  	s7 =	smul.u32 @!p0 $0xF7A, s2;
	p2 =	seq.s32 @!p0 s5, $0x0  }
0x1f: {  	s9 =	smul.u32 $0xF7A, s1;
	s8 =	simm.s32 @!p0 $0x1BF5;
	p2 =	por !p2, p0  }
0x20: {  	[sflag:s8] =	ssyncset.s32 @!p0 $0xFFFFF086;
	s6 =	sadd.s32 @!p0 s3, s7;
	s7 =	simm.s32 @!p0 $0x108  }
0x21: {  	s3 =	sadd.s32 s3, s9;
	s6 =	sadd.s32 @!p0 $0x88, s6;
	s7 =	simm.s32 @p2 $0x1082  }
0x22: {  	[simem:s7], [sflag:s8] =	dma.local @!p0 [hbm:s6], $0xF7A  }
0x23: {  	s9 =	sor.u32 $0xD0000000, s2;
	s6 =	simm.s32 $0x108;
	_ =	swait.ge @!p0 [sflag:s8], $0x0  }
0x24: {  	s3 =	sadd.s32 $0x88, s3;
	s6 =	simm.s32 @!p1 $0x1082;
	[sflag:s4] =	ssyncset.s32 $0xFFFFF086  }
0x25: {  	[simem:s6], [sflag:s4] =	dma.local [hbm:s3], $0xF7A  }
0x26: {  	[smem:$0x3F99] =	sst s1;
	(tag) =	ssettag s2;
	_ =	strace s9  }
0x27: {  	s1 =	sld [smem:$0x3FA9]  }
0x28: {  	s2 =	sld [smem:$0x3FAA]  }
0x29: {  	s4 =	sld [smem:$0x3FAC]  }
0x2a: {  	p0 =	seq.s32 s5, $0x0;
	s5 =	sld [smem:$0x3FAD]  }
0x2b: {  	s6 =	sld [smem:$0x3FAE]  }
0x2c: {  	s7 =	sld [smem:$0x3FAF]  }
0x2d: {  	s3 =	simm.s32 $0x108;
	s8 =	sld [smem:$0x3FB0]  }
0x2e: {  	s3 =	simm.s32 @!p0 $0x1082;
	s9 =	sld [smem:$0x3FB1]  }
0x2f: {  	lr =	sadd.s32 s0, s3;
	s0 =	sld [smem:$0x3FA8]  }
0x30: {  	s3 =	sld [smem:$0x3FAB]  }
0x31: {  	[smem:$0x3FB4] =	sst s10  }
0x32: {  	s10 =	sld [smem:$0x3FB2];
	_ =	sdelay $0x3  }
0x33: {  	p0 =	seq.s32 s10, $0x1;
	s10 =	sld [smem:$0x3FB4];
	_ =	sdelay $0x3  }
0x34: {  	[smem:$0x3FB4] =	sst s10  }
0x35: {  	s10 =	sld [smem:$0x3FB3];
	_ =	sdelay $0x3  }
0x36: {  	p1 =	seq.s32 s10, $0x1;
	s10 =	sld [smem:$0x3FB4];
	_ =	sdelay $0x3  }
0x37: {  	[smem:$0x3FB4] =	sst s10  }
0x38: {  	s10 =	sld [smem:$0x3FB5]  }
0x39: {  	_ = 	snop;
	(pc) =	sbr.ind lr, $3  }
0x3a: {  	_ = 	snop  }
0x3b: {  	_ = 	snop  }
0x3c: {  	p2 =	seq.s32 s10, $0x1;
	s10 =	sld [smem:$0x3FB4]  }
0x3d: {  	_ =	shalt  }
0x3e: {  	_ =	shalt  }
0x3f: {  	_ =	shalt  }
0x40: {  	_ =	shalt  }
0x41: {  	_ =	shalt  }
0x42: {  	_ =	shalt  }
0x43: {  	_ =	shalt  }
0x44: {  	_ =	shalt  }
0x45: {  	_ =	shalt  }
0x46: {  	_ =	shalt  }
0x47: {  	_ =	shalt  }
0x48: {  	_ =	shalt  }
0x49: {  	_ =	shalt  }
0x4a: {  	_ =	shalt  }
0x4b: {  	_ =	shalt  }
0x4c: {  	_ =	shalt  }
0x4d: {  	_ =	shalt  }
0x4e: {  	_ =	shalt  }
0x4f: {  	_ =	shalt  }
0x50: {  	_ =	shalt  }
0x51: {  	_ =	shalt  }
0x52: {  	_ =	shalt  }
0x53: {  	_ =	shalt  }
0x54: {  	_ =	shalt  }
0x55: {  	_ =	shalt  }
0x56: {  	_ =	shalt  }
0x57: {  	_ =	shalt  }
0x58: {  	_ =	shalt  }
0x59: {  	_ =	shalt  }
0x5a: {  	_ =	shalt  }
0x5b: {  	_ =	shalt  }
0x5c: {  	_ =	shalt  }
0x5d: {  	_ =	shalt  }
0x5e: {  	_ =	shalt  }
0x5f: {  	_ =	shalt  }
0x60: {  	_ =	shalt  }
0x61: {  	_ =	shalt  }
0x62: {  	_ =	shalt  }
0x63: {  	_ =	shalt  }
0x64: {  	_ =	shalt  }
0x65: {  	_ =	shalt  }
0x66: {  	_ =	shalt  }
0x67: {  	_ =	shalt  }
0x68: {  	_ =	shalt  }
0x69: {  	_ =	shalt  }
0x6a: {  	_ =	shalt  }
0x6b: {  	_ =	shalt  }
0x6c: {  	_ =	shalt  }
0x6d: {  	_ =	shalt  }
0x6e: {  	_ =	shalt  }
0x6f: {  	_ =	shalt  }
0x70: {  	_ =	shalt  }
0x71: {  	_ =	shalt  }
0x72: {  	_ =	shalt  }
0x73: {  	_ =	shalt  }
0x74: {  	_ =	shalt  }
0x75: {  	_ =	shalt  }
0x76: {  	_ =	shalt  }
0x77: {  	_ =	shalt  }
0x78: {  	_ =	shalt  }
0x79: {  	_ =	shalt  }
0x7a: {  	_ =	shalt  }
0x7b: {  	_ =	shalt  }
0x7c: {  	_ =	shalt  }
0x7d: {  	_ =	shalt  }
0x7e: {  	_ =	shalt  }
0x7f: {  	_ =	shalt  }
0x80: {  	_ =	shalt  }
0x81: {  	_ =	shalt  }
0x82: {  	_ =	shalt  }
0x83: {  	_ =	shalt  }
0x84: {  	_ =	shalt  }
0x85: {  	_ =	shalt  }
0x86: {  	_ =	shalt  }
0x87: {  	_ =	shalt  }
.Lfunc_end0:
.L_simem_size_0:
called_computation.1_lowered:
.L_overlay_start_0:
0x88: {  	s2 =	sld [smem:$0x3FD9]  }
0x89: {  	s3 =	sld [smem:$0x3FFE];
	_ =	sdelay $0x1  }
0x8a: {  	s1 =	srdreg.scid  }
0x8b: {  	s0 =	sand.u32 $0x1, s1  }
0x8c: {  	s17 =	sshll.u32 s0, $0xA;
	s2 =	sadd.s32 s3, s2  }
0x8d: {  	s2 =	sadd.s32 s2, s17  }
0x8e: {  	[smem:$0x3FC0] =	sst s2  }
0x8f: {  	_ = 	snop  }
0x90: {  	s2 =	sld [smem:$0x3FD0];
	(tm) =	ssettm $0x1  }
0x91: {  	s18 =	sld [smem:$0x3FFB];
	_ =	sdelay $0x3  }
0x92: {  	_ =	strace s18  }
0x93: {  	s3 =	sld [smem:$0x3FFC];
	_ =	sdelay $0x3  }
0x94: {  	_ =	strace s3  }
0x95: {  	s3 =	sld [smem:$0x3FFD];
	_ =	sdelay $0x3  }
0x96: {  	_ =	strace s3  }
0x97: {  	_ =	strace $0x8FFFFFFF  }
0x98: {  	s19 =	sld [smem:$0x3FDB];
	_ =	sdelay $0x1  }
0x99: {  	s4 =	simm.s32 $_scs_section_size  }
0x9a: {  	s5 =	simm.s32 $_size__tile_overlayer_lowered;
	s6 =	simm.s32 $_tile_overlayer_lowered  }
0x9b: {  	s22 =	simm.s32 $0x1BFF;
	s21 =	sshll.u32 s6, $0x1;
	s3 =	sadd.s32 s4, s19  }
0x9c: {  	s7 =	simm.s32 $0x0;
	s20 =	sshll.u32 s5, $0x1;
	s5 =	sadd.s32 s21, s3  }
0x9d: {  	[timem:s7], [sflag:s22] =	dma.local [hbm:s5], s20  }
0x9e: {  	_ =	swait.ge [sflag:s22], s20  }
0x9f: {  	s4 =	ssub.s32 $0x0, s20;
	[sflag:s22] =	ssyncset.done $0x0  }
0xa0: {  	[sflag:s22] =	ssyncadd.s32 s4;
	_ =	sdelay $0x1  }
0xa1: {  	s23 =	simm.s32 $0x1B8B  }
0xa2: {  	_ =	swait.ge [sflag:s23], $0x1  }
0xa3: {  	[sflag:s23] =	ssyncset.done $0x0  }
0xa4: {  	s25 =	simm.s32 $0x1B8E;
	s24 =	sld [smem:$0x3FFE];
	[sflag:s23] =	ssyncadd.s32 $0xFFFFFFFF  }
0xa5: {  	s26 =	simm.s32 $execute0_lowered;
	[smem:$0x3FD2] =	sst s25  }
0xa6: {  	s5 =	sshll.u32 s26, $0x1;
	_ =	strace $0x80000049;
	[dreg:$0x1] =	wrdreg $0xFFFFFFFF  }
0xa7: {  	s28 =	simm.s32 $_size_execute0_lowered;
	s3 =	sadd.s32 s3, s5;
	[dreg:$0x0] =	wrdreg $0x0  }
0xa8: {  	s5 =	sshll.u32 s28, $0x1;
	[dreg:$0x2] =	wrdreg s3  }
0xa9: {  	[dreg:$0x3] =	wrdreg s5  }
0xaa: {  	[dreg:$0x4] =	wrdreg $0xC0  }
0xab: {  	_ =	task [dreg:s7], $0x5FFFF  }
0xac: {  	[dreg:$0x1] =	wrdreg $0xFFFFFFFF  }
0xad: {  	[dreg:$0x0] =	wrdreg $0x60  }
0xae: {  	[dreg:$0x2] =	wrdreg s24  }
0xaf: {  	[dreg:$0x3] =	wrdreg s2  }
0xb0: {  	[dreg:$0x4] =	wrdreg $0x0  }
0xb1: {  	[dreg:$0x5] =	wrdreg $0x9  }
0xb2: {  	_ =	task.clear_ibuf [dreg:s7], $0x6FFFF;
	_ =	strace $0x90000049  }
0xb3: {  	s29 =	simm.s32 $0x9;
	_ =	strace $0x8000004B  }
0xb4: {  	_ =	swait.ge [sflag:s29], $0x1  }
0xb5: {  	[sflag:s29] =	ssyncadd.s32 $0xFFFFFFFF  }
0xb6: {  	_ =	strace $0x9000004B  }
0xb7: {  	_ =	sfence  }
0xb8: {  	s30 =	sld [smem:$0x0];
	_ =	sdelay $0x2  }
0xb9: {  	s31 =	sshll.u32 s1, $0xD;
	s1 =	sshrl.u32 s1, $0x2  }
0xba: {  	s3 =	sand.u32 $0x4000, s31;
	s1 =	sadd.s32 s1, s30  }
0xbb: {  	s0 =	sor.u32 s3, s0;
	s1 =	sshll.u32 s1, $0x11  }
0xbc: {  	s0 =	sor.u32 s1, s0  }
0xbd: {  	s0 =	sadd.s32 $0x8F2B, s0  }
0xbe: {  	[sflag:s0] =	ssyncadd.remote.s32 $0x1  }
0xbf: {  	_ =	sfence.sel $0xFFFF  }
0xc0: {  	[dreg:$0x0] =	wrdreg $0xFFFFFFFF;
	(pc) =	sbr.abs _section_cstart, $3  }
0xc1: {  	[dreg:$0x1] =	wrdreg $0xFFFFFFFF  }
0xc2: {  	_ =	task.clear_ibuf [dreg:s7], $0x2FFFF;
	_ =	strace $0x9FFFFFFF  }
0xc3: {  	(tm) =	ssettm $0x7FFFFFFF  }
tec
execute0_lowered:
.L_overlay_start_1:
0x0: {  	(tag) =	ssettag $0x1  }
0x1: {  	s0 =	rddreg [dreg:$0x0]  }
0x2: {  	s2 =	rddreg [dreg:$0x1]  }
0x3: {  	s1 =	rddreg [dreg:$0x2];
	s3 =	simm.s32 $0x0  }
0x4: {  	s4 =	srdreg.scid;
	s7 =	stileid.u32;
	s15 =	simm.s32 $0x7  }
0x5: {  	s28 =	simm.s32 $0x1BC80;
	s29 =	simm.s32 $0x1;
	s30 =	simm.s32 $0x2  }
0x6: {  	s31 =	simm.s32 $0x64;
	[smem:$0x7FF] =	sst s3;
	s3 =	sadd.s32 $0x1E800, s0  }
0x7: {  	s6 =	sadd.s32 $0x10000, s0;
	s4 =	sand.u32 $0x1, s4;
	s9 =	smul.u32 $0x4E000, s7  }
0x8: {  	s8 =	sadd.s32 $0x2000, s0;
	s12 =	smul.u32 $0x13800, s7;
	s0 =	sadd.s32 $0xBAC00, s0  }
0x9: {  	s19 =	sshll.u32 s7, $0x6;
	p0 =	sne.s32 s7, $0x0;
	_ =	strace $0x8000004A  }
0xa: {  	s5 =	ssub.s32 $0x2, s4;
	s11 =	sshll.u32 s4, $0x4;
	s4 =	smul.u32 $0x138800, s4  }
0xb: {  	s10 =	sshrl.u32 s5, $0x1;
	s16 =	sor.u32 s7, s11;
	s9 =	sshrl.u32 s9, $0x2  }
0xc: {  	s17 =	sshrl.u32 s12, $0x3;
	s7 =	simm.s32 $0x16C80;
	s10 =	ssub.s32 s5, s10  }
0xd: {  	s13 =	smul.u32 $0x3800, s16;
	s9 =	sadd.s32 s9, s1;
	s18 =	sadd.s32 s2, s17  }
0xe: {  	s5 =	sor.u32 $0x1C07, s19;
	s16 =	sadd.s32 $0x138000, s1;
	s2 =	sadd.s32 $0x27000, s2  }
0xf: {  	s24 =	sadd.s32 s12, s4;
	s4 =	sshrl.u32 s4, $0x3;
	[dreg:$0x4] =	wrdreg s18  }
0x10: {  	s17 =	simm.s32 $0x13880;
	s19 =	simm.s32 $0x30;
	[dreg:$0x5] =	wrdreg s2  }
0x11: {  	s25 =	sshrl.u32 s24, $0x3;
	s14 =	sshrl.u32 s9, $0x3;
	s16 =	sshrl.u32 @!p0 s16, $0x3  }
0x12: {  	s18 =	simm.s32 $0x15480;
	s24 =	simm.s32 $0x13900;
	s9 =	simm.s32 $0x0  }
0x13: {  	s20 =	sshrl.u32 s13, $0x3;
	s26 =	sadd.s32 s0, s25;
	s0 =	sadd.s32 s0, s4  }
0x14: {  	s13 =	smax.u32 s10, $0x1;
	s25 =	simm.s32 $0x1A480;
	s4 =	simm.s32 $0x5  }
0x15: {  	s21 =	sadd.s32 s6, s20;
	s22 =	sadd.s32 s8, s20;
	[dreg:$0xa] =	wrdreg s26  }
0x16: {  	s23 =	sadd.s32 $0x380, s20;
	s0 =	sadd.s32 $0x27000, s0;
	[dreg:$0x6] =	wrdreg s21  }
0x17: {  	s20 =	simm.s32 $0x17080;
	s26 =	simm.s32 $0x13930;
	[dreg:$0x7] =	wrdreg s22  }
0x18: {  	s6 =	sadd.s32 s6, s23;
	s2 =	sadd.s32 s8, s23;
	[dreg:$0xb] =	wrdreg s0  }
0x19: {  	s21 =	simm.s32 $0x34;
	s22 =	simm.s32 $0x138B0;
	s23 =	simm.s32 $0x18880  }
0x1a: {  	s0 =	simm.s32 $0x3;
	s8 =	simm.s32 $0x16D00;
	[dreg:$0x8] =	wrdreg s6  }
0x1b: {  	[dreg:$0x9] =	wrdreg s2;
	s2 =	simm.s32 $0x4;
	s6 =	simm.s32 $0x6  }
.LBB2_1:
0x1c: {  	s10 =	rddreg [dreg:$0x4]  }
0x1d: {  	[spmem:s14], [sflag:s5] =	dma.local [hbm:s10], $0x2700  }
0x1e: {  	_ =	swait.ge [sflag:s15], $0x2700  }
0x1f: {  	[sflag:s15] =	ssyncset.done $0x0  }
0x20: {  	s10 =	rddreg [dreg:$0x5];
	[sflag:s15] =	ssyncadd.s32 $0xFFFFD900  }
0x21: {  	[spmem:s16], [sflag:s5] =	dma.local @!p0 [hbm:s10], $0x100  }
0x22: {  	s10 =	simm.s32 @!p0 $0x7  }
0x23: {  	_ =	swait.ge @!p0 [sflag:s10], $0x100  }
0x24: {  	[sflag:s10] =	ssyncset.done @!p0 $0x0  }
0x25: {  	[sflag:s10] =	ssyncadd.s32 @!p0 $0xFFFFFF00  }
0x26: {  	[bflag:$0x0] =	sbarrier.arrive $0xFFFF  }
0x27: {  	s10 =	simm.s32 $0x0;
	s11 =	rddreg [dreg:$0x6]  }
0x28: {  	[tilespmem:s17], [sflag:$0x7] =	stream.linear.gather [hbm4b:s11+s10], $0x1900, $0x38;
	[tilespmem:$0x1D880] =	vst v63  }
0x29: {  	_ =	swait.ge [sflag:s15], $0x1900  }
0x2a: {  	[sflag:s15] =	ssyncset.done $0x0  }
0x2b: {  	s12 =	rddreg [dreg:$0x7];
	[sflag:s15] =	ssyncadd.s32 $0xFFFFE700  }
0x2c: {  	[tilespmem:s18], [sflag:$0x7] =	stream.linear.gather [hbm4b:s12+s10], $0x1900, $0x38;
	[tilespmem:$0x1D880] =	vst v63  }
0x2d: {  	_ =	swait.ge [sflag:s15], $0x1900  }
0x2e: {  	[sflag:s15] =	ssyncset.done $0x0  }
0x2f: {  	[sflag:s15] =	ssyncadd.s32 $0xFFFFE700  }
0x30: {  	[tilespmem:s20], [sflag:$0x1] =	stream.indirect.gather [hbm4b:s3+s19], $0x80, s17, s19, $0xb8;
	[tilespmem:$0x1D880] =	vst v63  }
0x31: {  	_ = 	snop  }
0x32: {  	[tilespmem:s23], [sflag:$0x2] =	stream.indirect.gather [hbm4b:s3+s21], $0x80, s22, s21, $0xb8;
	[tilespmem:$0x1D880] =	vst v63  }
0x33: {  	_ = 	snop  }
0x34: {  	[tilespmem:s25], [sflag:$0x3] =	stream.indirect.gather [hbm4b:s3+s19], $0x80, s24, s19, $0xb8;
	[tilespmem:$0x1D880] =	vst v63  }
0x35: {  	_ = 	snop  }
0x36: {  	[tilespmem:s28], [sflag:$0x4] =	stream.indirect.gather [hbm4b:s3+s21], $0x80, s26, s21, $0xb8;
	[tilespmem:$0x1D880] =	vst v63  }
0x37: {  	_ =	swait.ge [sflag:s29], $0x1800  }
0x38: {  	[sflag:s29] =	ssyncset.done $0x0  }
0x39: {  	[sflag:s29] =	ssyncadd.s32 $0xFFFFE800  }
0x3a: {  	_ =	swait.ge [sflag:s30], $0x1A00  }
0x3b: {  	[sflag:s30] =	ssyncset.done $0x0  }
0x3c: {  	s12 =	simm.s32 $0x15480;
	[sflag:s30] =	ssyncadd.s32 $0xFFFFE600  }
0x3d: {  	[spmem:s1] =	stream.indirect.scatter.add.f32 [tilespmem:s20], [sflag:$0x5], $0x80, s12, s31, $0xb8;
	[tilespmem:$0x1D880] =	vst v63  }
0x3e: {  	_ =	swait.ge [sflag:s0], $0x1800  }
0x3f: {  	[sflag:s0] =	ssyncset.done $0x0  }
0x40: {  	[sflag:s0] =	ssyncadd.s32 $0xFFFFE800  }
0x41: {  	_ =	swait.ge [sflag:s2], $0x1A00  }
0x42: {  	[sflag:s2] =	ssyncset.done $0x0  }
0x43: {  	s11 =	simm.s32 $0x15500;
	[sflag:s2] =	ssyncadd.s32 $0xFFFFE600  }
0x44: {  	[spmem:s1] =	stream.indirect.scatter.add.f32 [tilespmem:s25], [sflag:$0x6], $0x80, s11, s31, $0xb8;
	[tilespmem:$0x1D880] =	vst v63  }
0x45: {  	_ =	swait.ge [sflag:s4], $0x3200  }
0x46: {  	[sflag:s4] =	ssyncset.done $0x0  }
0x47: {  	s12 =	simm.s32 $0x13980;
	[sflag:s4] =	ssyncadd.s32 $0xFFFFCE00  }
0x48: {  	[tilespmem:s20], [sflag:$0x1] =	stream.indirect.gather [hbm4b:s3+s19], $0x80, s12, s19, $0xb8;
	[tilespmem:$0x1D880] =	vst v63  }
0x49: {  	s11 =	simm.s32 $0x139B0  }
0x4a: {  	[tilespmem:s23], [sflag:$0x2] =	stream.indirect.gather [hbm4b:s3+s21], $0x80, s11, s21, $0xb8;
	[tilespmem:$0x1D880] =	vst v63  }
0x4b: {  	_ =	swait.ge [sflag:s6], $0x3200  }
0x4c: {  	s10 =	simm.s32 $0x400;
	[sflag:s6] =	ssyncset.done $0x0  }
0x4d: {  	s12 =	simm.s32 $0x13A00;
	s11 =	simm.s32 $0x13A30;
	[sflag:s6] =	ssyncadd.s32 $0xFFFFCE00  }
0x4e: {  	[tilespmem:s25], [sflag:$0x3] =	stream.indirect.gather [hbm4b:s3+s19], $0x80, s12, s19, $0xb8;
	[tilespmem:$0x1D880] =	vst v63  }
.LBB2_2:
0x4f: {  	[tilespmem:s28], [sflag:$0x4] =	stream.indirect.gather [hbm4b:s3+s21], $0x80, s11, s21, $0xb8;
	[tilespmem:$0x1D880] =	vst v63  }
0x50: {  	s11 =	smov.u32 s10  }
0x51: {  	p1 =	sne.s32 s10, $0x5C00;
	s10 =	sadd.s32 $0x400, s10;
	_ =	swait.ge [sflag:s29], $0x1800  }
0x52: {  	[sflag:s29] =	ssyncset.done $0x0  }
0x53: {  	[sflag:s29] =	ssyncadd.s32 $0xFFFFE800  }
0x54: {  	_ =	swait.ge [sflag:s30], $0x1A00  }
0x55: {  	s11 =	sshra.s32 s11, $0x2;
	[sflag:s30] =	ssyncset.done $0x0  }
0x56: {  	s12 =	sadd.s32 $0x15480, s11;
	[sflag:s30] =	ssyncadd.s32 $0xFFFFE600  }
0x57: {  	[spmem:s1] =	stream.indirect.scatter.add.f32 [tilespmem:s20], [sflag:$0x5], $0x80, s12, s31, $0xb8;
	[tilespmem:$0x1D880] =	vst v63  }
0x58: {  	_ =	swait.ge [sflag:s0], $0x1800  }
0x59: {  	[sflag:s0] =	ssyncset.done $0x0  }
0x5a: {  	[sflag:s0] =	ssyncadd.s32 $0xFFFFE800  }
0x5b: {  	_ =	swait.ge [sflag:s2], $0x1A00  }
0x5c: {  	[sflag:s2] =	ssyncset.done $0x0  }
0x5d: {  	s12 =	sadd.s32 $0x15500, s11;
	[sflag:s2] =	ssyncadd.s32 $0xFFFFE600  }
0x5e: {  	[spmem:s1] =	stream.indirect.scatter.add.f32 [tilespmem:s25], [sflag:$0x6], $0x80, s12, s31, $0xb8;
	[tilespmem:$0x1D880] =	vst v63  }
0x5f: {  	_ =	swait.ge [sflag:s4], $0x3200  }
0x60: {  	[sflag:s4] =	ssyncset.done $0x0  }
0x61: {  	s12 =	sadd.s32 $0x13980, s11;
	[sflag:s4] =	ssyncadd.s32 $0xFFFFCE00  }
0x62: {  	[tilespmem:s20], [sflag:$0x1] =	stream.indirect.gather [hbm4b:s3+s19], $0x80, s12, s19, $0xb8;
	[tilespmem:$0x1D880] =	vst v63  }
0x63: {  	s12 =	sadd.s32 $0x139B0, s11  }
0x64: {  	[tilespmem:s23], [sflag:$0x2] =	stream.indirect.gather [hbm4b:s3+s21], $0x80, s12, s21, $0xb8;
	[tilespmem:$0x1D880] =	vst v63  }
.Ltmp0:
0x65: {  	_ =	swait.ge [sflag:s6], $0x3200;
	(pc) =	sbr.rel @p1 .LBB2_2-.Ltmp0, $4  }
0x66: {  	[sflag:s6] =	ssyncset.done $0x0  }
0x67: {  	s12 =	sadd.s32 $0x13A00, s11;
	[sflag:s6] =	ssyncadd.s32 $0xFFFFCE00  }
0x68: {  	[tilespmem:s25], [sflag:$0x3] =	stream.indirect.gather [hbm4b:s3+s19], $0x80, s12, s19, $0xb8;
	[tilespmem:$0x1D880] =	vst v63  }
0x69: {  	s11 =	sadd.s32 $0x13A30, s11  }
0x6a: {  	[tilespmem:s28], [sflag:$0x4] =	stream.indirect.gather [hbm4b:s3+s21], $0x80, s11, s21, $0xb8;
	[tilespmem:$0x1D880] =	vst v63  }
0x6b: {  	_ =	swait.ge [sflag:s29], $0x1800  }
0x6c: {  	[sflag:s29] =	ssyncset.done $0x0  }
0x6d: {  	[sflag:s29] =	ssyncadd.s32 $0xFFFFE800  }
0x6e: {  	_ =	swait.ge [sflag:s30], $0x1A00  }
0x6f: {  	[sflag:s30] =	ssyncset.done $0x0  }
0x70: {  	[sflag:s30] =	ssyncadd.s32 $0xFFFFE600  }
0x71: {  	[spmem:s1] =	stream.indirect.scatter.add.f32 [tilespmem:s20], [sflag:$0x5], $0x80, s7, s31, $0xb8;
	[tilespmem:$0x1D880] =	vst v63  }
0x72: {  	_ =	swait.ge [sflag:s0], $0x1800  }
0x73: {  	[sflag:s0] =	ssyncset.done $0x0  }
0x74: {  	[sflag:s0] =	ssyncadd.s32 $0xFFFFE800  }
0x75: {  	_ =	swait.ge [sflag:s2], $0x1A00  }
0x76: {  	[sflag:s2] =	ssyncset.done $0x0  }
0x77: {  	[sflag:s2] =	ssyncadd.s32 $0xFFFFE600  }
0x78: {  	[spmem:s1] =	stream.indirect.scatter.add.f32 [tilespmem:s25], [sflag:$0x6], $0x80, s8, s31, $0xb8;
	[tilespmem:$0x1D880] =	vst v63  }
0x79: {  	_ =	swait.ge [sflag:s4], $0x3200  }
0x7a: {  	[sflag:s4] =	ssyncset.done $0x0  }
0x7b: {  	[sflag:s4] =	ssyncadd.s32 $0xFFFFCE00  }
0x7c: {  	_ =	swait.ge [sflag:s6], $0x3200  }
0x7d: {  	[sflag:s6] =	ssyncset.done $0x0  }
0x7e: {  	s10 =	simm.s32 $0x0;
	s12 =	rddreg [dreg:$0x8];
	[sflag:s6] =	ssyncadd.s32 $0xFFFFCE00  }
0x7f: {  	[tilespmem:s17], [sflag:$0x7] =	stream.linear.gather [hbm4b:s12+s10], $0x1900, $0x38;
	[tilespmem:$0x1D880] =	vst v63  }
0x80: {  	_ =	swait.ge [sflag:s15], $0x1900  }
0x81: {  	[sflag:s15] =	ssyncset.done $0x0  }
0x82: {  	s12 =	rddreg [dreg:$0x9];
	[sflag:s15] =	ssyncadd.s32 $0xFFFFE700  }
0x83: {  	[tilespmem:s18], [sflag:$0x7] =	stream.linear.gather [hbm4b:s12+s10], $0x1900, $0x38;
	[tilespmem:$0x1D880] =	vst v63  }
0x84: {  	_ =	swait.ge [sflag:s15], $0x1900  }
0x85: {  	[sflag:s15] =	ssyncset.done $0x0  }
0x86: {  	[sflag:s15] =	ssyncadd.s32 $0xFFFFE700  }
0x87: {  	[tilespmem:s20], [sflag:$0x1] =	stream.indirect.gather [hbm4b:s3+s19], $0x80, s17, s19, $0xb8;
	[tilespmem:$0x1D880] =	vst v63  }
0x88: {  	_ = 	snop  }
0x89: {  	[tilespmem:s23], [sflag:$0x2] =	stream.indirect.gather [hbm4b:s3+s21], $0x80, s22, s21, $0xb8;
	[tilespmem:$0x1D880] =	vst v63  }
0x8a: {  	_ = 	snop  }
0x8b: {  	[tilespmem:s25], [sflag:$0x3] =	stream.indirect.gather [hbm4b:s3+s19], $0x80, s24, s19, $0xb8;
	[tilespmem:$0x1D880] =	vst v63  }
0x8c: {  	_ = 	snop  }
0x8d: {  	[tilespmem:s28], [sflag:$0x4] =	stream.indirect.gather [hbm4b:s3+s21], $0x80, s26, s21, $0xb8;
	[tilespmem:$0x1D880] =	vst v63  }
0x8e: {  	_ =	swait.ge [sflag:s29], $0x1800  }
0x8f: {  	[sflag:s29] =	ssyncset.done $0x0  }
0x90: {  	[sflag:s29] =	ssyncadd.s32 $0xFFFFE800  }
0x91: {  	_ =	swait.ge [sflag:s30], $0x1A00  }
0x92: {  	[sflag:s30] =	ssyncset.done $0x0  }
0x93: {  	s12 =	simm.s32 $0x15480;
	[sflag:s30] =	ssyncadd.s32 $0xFFFFE600  }
0x94: {  	[spmem:s1] =	stream.indirect.scatter.add.f32 [tilespmem:s20], [sflag:$0x5], $0x80, s12, s31, $0xb8;
	[tilespmem:$0x1D880] =	vst v63  }
0x95: {  	_ =	swait.ge [sflag:s0], $0x1800  }
0x96: {  	[sflag:s0] =	ssyncset.done $0x0  }
0x97: {  	[sflag:s0] =	ssyncadd.s32 $0xFFFFE800  }
0x98: {  	_ =	swait.ge [sflag:s2], $0x1A00  }
0x99: {  	[sflag:s2] =	ssyncset.done $0x0  }
0x9a: {  	s11 =	simm.s32 $0x15500;
	[sflag:s2] =	ssyncadd.s32 $0xFFFFE600  }
0x9b: {  	[spmem:s1] =	stream.indirect.scatter.add.f32 [tilespmem:s25], [sflag:$0x6], $0x80, s11, s31, $0xb8;
	[tilespmem:$0x1D880] =	vst v63  }
0x9c: {  	_ =	swait.ge [sflag:s4], $0x3200  }
0x9d: {  	[sflag:s4] =	ssyncset.done $0x0  }
0x9e: {  	s12 =	simm.s32 $0x13980;
	[sflag:s4] =	ssyncadd.s32 $0xFFFFCE00  }
0x9f: {  	[tilespmem:s20], [sflag:$0x1] =	stream.indirect.gather [hbm4b:s3+s19], $0x80, s12, s19, $0xb8;
	[tilespmem:$0x1D880] =	vst v63  }
0xa0: {  	s11 =	simm.s32 $0x139B0  }
0xa1: {  	[tilespmem:s23], [sflag:$0x2] =	stream.indirect.gather [hbm4b:s3+s21], $0x80, s11, s21, $0xb8;
	[tilespmem:$0x1D880] =	vst v63  }
0xa2: {  	_ =	swait.ge [sflag:s6], $0x3200  }
0xa3: {  	s10 =	simm.s32 $0x400;
	[sflag:s6] =	ssyncset.done $0x0  }
0xa4: {  	s12 =	simm.s32 $0x13A00;
	s11 =	simm.s32 $0x13A30;
	[sflag:s6] =	ssyncadd.s32 $0xFFFFCE00  }
0xa5: {  	[tilespmem:s25], [sflag:$0x3] =	stream.indirect.gather [hbm4b:s3+s19], $0x80, s12, s19, $0xb8;
	[tilespmem:$0x1D880] =	vst v63  }
.LBB2_4:
0xa6: {  	[tilespmem:s28], [sflag:$0x4] =	stream.indirect.gather [hbm4b:s3+s21], $0x80, s11, s21, $0xb8;
	[tilespmem:$0x1D880] =	vst v63  }
0xa7: {  	s11 =	smov.u32 s10  }
0xa8: {  	p1 =	sne.s32 s10, $0x5C00;
	s10 =	sadd.s32 $0x400, s10;
	_ =	swait.ge [sflag:s29], $0x1800  }
0xa9: {  	[sflag:s29] =	ssyncset.done $0x0  }
0xaa: {  	[sflag:s29] =	ssyncadd.s32 $0xFFFFE800  }
0xab: {  	_ =	swait.ge [sflag:s30], $0x1A00  }
0xac: {  	s11 =	sshra.s32 s11, $0x2;
	[sflag:s30] =	ssyncset.done $0x0  }
0xad: {  	s12 =	sadd.s32 $0x15480, s11;
	[sflag:s30] =	ssyncadd.s32 $0xFFFFE600  }
0xae: {  	[spmem:s1] =	stream.indirect.scatter.add.f32 [tilespmem:s20], [sflag:$0x5], $0x80, s12, s31, $0xb8;
	[tilespmem:$0x1D880] =	vst v63  }
0xaf: {  	_ =	swait.ge [sflag:s0], $0x1800  }
0xb0: {  	[sflag:s0] =	ssyncset.done $0x0  }
0xb1: {  	[sflag:s0] =	ssyncadd.s32 $0xFFFFE800  }
0xb2: {  	_ =	swait.ge [sflag:s2], $0x1A00  }
0xb3: {  	[sflag:s2] =	ssyncset.done $0x0  }
0xb4: {  	s12 =	sadd.s32 $0x15500, s11;
	[sflag:s2] =	ssyncadd.s32 $0xFFFFE600  }
0xb5: {  	[spmem:s1] =	stream.indirect.scatter.add.f32 [tilespmem:s25], [sflag:$0x6], $0x80, s12, s31, $0xb8;
	[tilespmem:$0x1D880] =	vst v63  }
0xb6: {  	_ =	swait.ge [sflag:s4], $0x3200  }
0xb7: {  	[sflag:s4] =	ssyncset.done $0x0  }
0xb8: {  	s12 =	sadd.s32 $0x13980, s11;
	[sflag:s4] =	ssyncadd.s32 $0xFFFFCE00  }
0xb9: {  	[tilespmem:s20], [sflag:$0x1] =	stream.indirect.gather [hbm4b:s3+s19], $0x80, s12, s19, $0xb8;
	[tilespmem:$0x1D880] =	vst v63  }
0xba: {  	s12 =	sadd.s32 $0x139B0, s11  }
0xbb: {  	[tilespmem:s23], [sflag:$0x2] =	stream.indirect.gather [hbm4b:s3+s21], $0x80, s12, s21, $0xb8;
	[tilespmem:$0x1D880] =	vst v63  }
.Ltmp1:
0xbc: {  	_ =	swait.ge [sflag:s6], $0x3200;
	(pc) =	sbr.rel @p1 .LBB2_4-.Ltmp1, $4  }
0xbd: {  	[sflag:s6] =	ssyncset.done $0x0  }
0xbe: {  	s12 =	sadd.s32 $0x13A00, s11;
	[sflag:s6] =	ssyncadd.s32 $0xFFFFCE00  }
0xbf: {  	[tilespmem:s25], [sflag:$0x3] =	stream.indirect.gather [hbm4b:s3+s19], $0x80, s12, s19, $0xb8;
	[tilespmem:$0x1D880] =	vst v63  }
0xc0: {  	s11 =	sadd.s32 $0x13A30, s11  }
0xc1: {  	[tilespmem:s28], [sflag:$0x4] =	stream.indirect.gather [hbm4b:s3+s21], $0x80, s11, s21, $0xb8;
	[tilespmem:$0x1D880] =	vst v63  }
0xc2: {  	_ =	swait.ge [sflag:s29], $0x1800  }
0xc3: {  	[sflag:s29] =	ssyncset.done $0x0  }
0xc4: {  	[sflag:s29] =	ssyncadd.s32 $0xFFFFE800  }
0xc5: {  	_ =	swait.ge [sflag:s30], $0x1A00  }
0xc6: {  	[sflag:s30] =	ssyncset.done $0x0  }
0xc7: {  	[sflag:s30] =	ssyncadd.s32 $0xFFFFE600  }
0xc8: {  	[spmem:s1] =	stream.indirect.scatter.add.f32 [tilespmem:s20], [sflag:$0x5], $0x80, s7, s31, $0xb8;
	[tilespmem:$0x1D880] =	vst v63  }
0xc9: {  	_ =	swait.ge [sflag:s0], $0x1800  }
0xca: {  	[sflag:s0] =	ssyncset.done $0x0  }
0xcb: {  	[sflag:s0] =	ssyncadd.s32 $0xFFFFE800  }
0xcc: {  	_ =	swait.ge [sflag:s2], $0x1A00  }
0xcd: {  	[sflag:s2] =	ssyncset.done $0x0  }
0xce: {  	[sflag:s2] =	ssyncadd.s32 $0xFFFFE600  }
0xcf: {  	[spmem:s1] =	stream.indirect.scatter.add.f32 [tilespmem:s25], [sflag:$0x6], $0x80, s8, s31, $0xb8;
	[tilespmem:$0x1D880] =	vst v63  }
0xd0: {  	_ =	swait.ge [sflag:s4], $0x3200  }
0xd1: {  	[sflag:s4] =	ssyncset.done $0x0  }
0xd2: {  	[sflag:s4] =	ssyncadd.s32 $0xFFFFCE00  }
0xd3: {  	_ =	swait.ge [sflag:s6], $0x3200  }
0xd4: {  	[sflag:s6] =	ssyncset.done $0x0  }
0xd5: {  	[sflag:s6] =	ssyncadd.s32 $0xFFFFCE00  }
0xd6: {  	[bflag:$0x0] =	sbarrier.arrive $0xFFFF  }
0xd7: {  	s10 =	rddreg [dreg:$0xa]  }
0xd8: {  	[hbm:s10], [sflag:s5] =	dma.local [spmem:s14], $0x2700  }
0xd9: {  	_ =	swait.ge [sflag:s15], $0x2700  }
0xda: {  	s9 =	sadd.s32 $0x1, s9;
	[sflag:s15] =	ssyncset.done $0x0  }
0xdb: {  	p1 =	sne.s32 s9, s13;
	s10 =	rddreg [dreg:$0xb];
	[sflag:s15] =	ssyncadd.s32 $0xFFFFD900  }
0xdc: {  	[hbm:s10], [sflag:s5] =	dma.local @!p0 [spmem:s16], $0x100  }
.Ltmp2:
0xdd: {  	_ = 	snop;
	(pc) =	sbr.rel @p1 .LBB2_1-.Ltmp2, $4  }
0xde: {  	s10 =	simm.s32 @!p0 $0x7  }
0xdf: {  	_ =	swait.ge @!p0 [sflag:s10], $0x100  }
0xe0: {  	[sflag:s10] =	ssyncset.done @!p0 $0x0  }
0xe1: {  	[sflag:s10] =	ssyncadd.s32 @!p0 $0xFFFFFF00  }
0xe2: {  	_ =	sfence.sel $0x180000  }
0xe3: {  	[bflag:$0x0] =	sbarrier.arrive $0xFFFF  }
0xe4: {  	_ =	strace $0x9000004A  }
0xe5: {  	[bflag:$0x2] =	sbarrier.arrive $0xFFFF  }
0xe6: {  	s0 =	rddreg [dreg:$0x3]  }
0xe7: {  	s0 =	sadd.s32 @!p0 $0x100000, s0  }
0xe8: {  	[sflag:s0] =	ssyncadd.tile.s32 @!p0 $0x1;
	_ =	shalt  }
.Lfunc_end2:
_tile_overlayer_lowered:
.L_overlay_start_2:
0xe9: {  	(tag) =	ssettag $0x2  }
0xea: {  	s0 =	rddreg [dreg:$0x0];
	s2 =	stileid.u32  }
0xeb: {  	s1 =	rddreg [dreg:$0x1];
	p0 =	sne.s32 s2, $0x0  }
0xec: {  	s3 =	rddreg [dreg:$0x2];
	[bflag:$0x3] =	sbarrier.arrive $0xFFFF;
	s2 =	simm.s32 @!p0 $0x1C07  }
0xed: {  	[timem:s3], [sflag:s2] =	dma.local @!p0 [hbm:s0], s1  }
0xee: {  	s0 =	simm.s32 @!p0 $0x7  }
0xef: {  	_ =	swait.ge @!p0 [sflag:s0], s1  }
0xf0: {  	s1 =	ssub.s32 @!p0 $0x0, s1;
	[sflag:s0] =	ssyncset.done @!p0 $0x0  }
0xf1: {  	[sflag:s0] =	ssyncadd.s32 @!p0 s1  }
0xf2: {  	[bflag:$0x3] =	sbarrier.arrive $0xFFFF  }
0xf3: {  	_ =	shalt  }

// kernel: sage_sc_aggregate_cnt.3.cloned.1.call-start
scs
__scs_entry_jumppad:
0x0: {  	(pc) =	sbr.rel $0x88, $3  }
0x1: {  	(tag) =	ssettag $0x0;
	lr =	simm.s32 $0x1  }
0x2: {  	[smem:$0x3F99] =	sst lr;
	_ =	strace $0xD0000000  }
0x3: {  	_ = 	snop  }
0x4: {  	_ = 	snop  }
0x5: {  	_ = 	snop  }
0x6: {  	_ = 	snop  }
0x7: {  	_ = 	snop  }
__scs_overlays_trampoline_lowered:
0x8: {  	[smem:$0x3FA8] =	sst s0  }
0x9: {  	[smem:$0x3FA9] =	sst s1  }
0xa: {  	[smem:$0x3FAA] =	sst s2  }
0xb: {  	[smem:$0x3FAB] =	sst s3  }
0xc: {  	[smem:$0x3FAC] =	sst s4  }
0xd: {  	[smem:$0x3FAD] =	sst s5  }
0xe: {  	[smem:$0x3FAE] =	sst s6  }
0xf: {  	[smem:$0x3FAF] =	sst s7  }
0x10: {  	[smem:$0x3FB0] =	sst s8  }
0x11: {  	[smem:$0x3FB1] =	sst s9;
	s0 =	simm.s32 @!p0 $0x0  }
0x12: {  	s1 =	sld [smem:$0x3F97];
	s0 =	simm.s32 @p0 $0x1  }
0x13: {  	[smem:$0x3FB2] =	sst s0;
	s0 =	simm.s32 @!p1 $0x0  }
0x14: {  	s2 =	sld [smem:$0x3F96];
	s0 =	simm.s32 @p1 $0x1  }
0x15: {  	[smem:$0x3FB3] =	sst s0;
	s0 =	simm.s32 @!p2 $0x0  }
0x16: {  	s3 =	sld [smem:$0x3FDB];
	s0 =	simm.s32 @p2 $0x1  }
0x17: {  	s4 =	simm.s32 $0x1BF5;
	[smem:$0x3FB5] =	sst s0  }
0x18: {  	s0 =	sld [smem:$0x3F98];
	_ =	swait.ge [sflag:s4], $0x0  }
0x19: {  	s7 =	sld [smem:$0x3F99]  }
0x1a: {  	s8 =	sadd.s32 $0xFFFFE003, lr  }
0x1b: {  	s9 =	sadd.s32 $0xFFFFFEF7, lr;
	s5 =	simm.s32 $0xFFFFFFFF;
	p2 =	slt.u32 s8, $0xFFFFF086  }
0x1c: {  	p1 =	slt.u32 s9, $0xF7A;
	s5 =	simm.s32 @!p2 $0x0  }
0x1d: {  	s5 =	simm.s32 @p1 $0x1;
	p0 =	seq.s32 s7, s2  }
0x1e: {  	s7 =	smul.u32 @!p0 $0xF7A, s2;
	p2 =	seq.s32 @!p0 s5, $0x0  }
0x1f: {  	s9 =	smul.u32 $0xF7A, s1;
	s8 =	simm.s32 @!p0 $0x1BF5;
	p2 =	por !p2, p0  }
0x20: {  	[sflag:s8] =	ssyncset.s32 @!p0 $0xFFFFF086;
	s6 =	sadd.s32 @!p0 s3, s7;
	s7 =	simm.s32 @!p0 $0x108  }
0x21: {  	s3 =	sadd.s32 s3, s9;
	s6 =	sadd.s32 @!p0 $0x88, s6;
	s7 =	simm.s32 @p2 $0x1082  }
0x22: {  	[simem:s7], [sflag:s8] =	dma.local @!p0 [hbm:s6], $0xF7A  }
0x23: {  	s9 =	sor.u32 $0xD0000000, s2;
	s6 =	simm.s32 $0x108;
	_ =	swait.ge @!p0 [sflag:s8], $0x0  }
0x24: {  	s3 =	sadd.s32 $0x88, s3;
	s6 =	simm.s32 @!p1 $0x1082;
	[sflag:s4] =	ssyncset.s32 $0xFFFFF086  }
0x25: {  	[simem:s6], [sflag:s4] =	dma.local [hbm:s3], $0xF7A  }
0x26: {  	[smem:$0x3F99] =	sst s1;
	(tag) =	ssettag s2;
	_ =	strace s9  }
0x27: {  	s1 =	sld [smem:$0x3FA9]  }
0x28: {  	s2 =	sld [smem:$0x3FAA]  }
0x29: {  	s4 =	sld [smem:$0x3FAC]  }
0x2a: {  	p0 =	seq.s32 s5, $0x0;
	s5 =	sld [smem:$0x3FAD]  }
0x2b: {  	s6 =	sld [smem:$0x3FAE]  }
0x2c: {  	s7 =	sld [smem:$0x3FAF]  }
0x2d: {  	s3 =	simm.s32 $0x108;
	s8 =	sld [smem:$0x3FB0]  }
0x2e: {  	s3 =	simm.s32 @!p0 $0x1082;
	s9 =	sld [smem:$0x3FB1]  }
0x2f: {  	lr =	sadd.s32 s0, s3;
	s0 =	sld [smem:$0x3FA8]  }
0x30: {  	s3 =	sld [smem:$0x3FAB]  }
0x31: {  	[smem:$0x3FB4] =	sst s10  }
0x32: {  	s10 =	sld [smem:$0x3FB2];
	_ =	sdelay $0x3  }
0x33: {  	p0 =	seq.s32 s10, $0x1;
	s10 =	sld [smem:$0x3FB4];
	_ =	sdelay $0x3  }
0x34: {  	[smem:$0x3FB4] =	sst s10  }
0x35: {  	s10 =	sld [smem:$0x3FB3];
	_ =	sdelay $0x3  }
0x36: {  	p1 =	seq.s32 s10, $0x1;
	s10 =	sld [smem:$0x3FB4];
	_ =	sdelay $0x3  }
0x37: {  	[smem:$0x3FB4] =	sst s10  }
0x38: {  	s10 =	sld [smem:$0x3FB5]  }
0x39: {  	_ = 	snop;
	(pc) =	sbr.ind lr, $3  }
0x3a: {  	_ = 	snop  }
0x3b: {  	_ = 	snop  }
0x3c: {  	p2 =	seq.s32 s10, $0x1;
	s10 =	sld [smem:$0x3FB4]  }
0x3d: {  	_ =	shalt  }
0x3e: {  	_ =	shalt  }
0x3f: {  	_ =	shalt  }
0x40: {  	_ =	shalt  }
0x41: {  	_ =	shalt  }
0x42: {  	_ =	shalt  }
0x43: {  	_ =	shalt  }
0x44: {  	_ =	shalt  }
0x45: {  	_ =	shalt  }
0x46: {  	_ =	shalt  }
0x47: {  	_ =	shalt  }
0x48: {  	_ =	shalt  }
0x49: {  	_ =	shalt  }
0x4a: {  	_ =	shalt  }
0x4b: {  	_ =	shalt  }
0x4c: {  	_ =	shalt  }
0x4d: {  	_ =	shalt  }
0x4e: {  	_ =	shalt  }
0x4f: {  	_ =	shalt  }
0x50: {  	_ =	shalt  }
0x51: {  	_ =	shalt  }
0x52: {  	_ =	shalt  }
0x53: {  	_ =	shalt  }
0x54: {  	_ =	shalt  }
0x55: {  	_ =	shalt  }
0x56: {  	_ =	shalt  }
0x57: {  	_ =	shalt  }
0x58: {  	_ =	shalt  }
0x59: {  	_ =	shalt  }
0x5a: {  	_ =	shalt  }
0x5b: {  	_ =	shalt  }
0x5c: {  	_ =	shalt  }
0x5d: {  	_ =	shalt  }
0x5e: {  	_ =	shalt  }
0x5f: {  	_ =	shalt  }
0x60: {  	_ =	shalt  }
0x61: {  	_ =	shalt  }
0x62: {  	_ =	shalt  }
0x63: {  	_ =	shalt  }
0x64: {  	_ =	shalt  }
0x65: {  	_ =	shalt  }
0x66: {  	_ =	shalt  }
0x67: {  	_ =	shalt  }
0x68: {  	_ =	shalt  }
0x69: {  	_ =	shalt  }
0x6a: {  	_ =	shalt  }
0x6b: {  	_ =	shalt  }
0x6c: {  	_ =	shalt  }
0x6d: {  	_ =	shalt  }
0x6e: {  	_ =	shalt  }
0x6f: {  	_ =	shalt  }
0x70: {  	_ =	shalt  }
0x71: {  	_ =	shalt  }
0x72: {  	_ =	shalt  }
0x73: {  	_ =	shalt  }
0x74: {  	_ =	shalt  }
0x75: {  	_ =	shalt  }
0x76: {  	_ =	shalt  }
0x77: {  	_ =	shalt  }
0x78: {  	_ =	shalt  }
0x79: {  	_ =	shalt  }
0x7a: {  	_ =	shalt  }
0x7b: {  	_ =	shalt  }
0x7c: {  	_ =	shalt  }
0x7d: {  	_ =	shalt  }
0x7e: {  	_ =	shalt  }
0x7f: {  	_ =	shalt  }
0x80: {  	_ =	shalt  }
0x81: {  	_ =	shalt  }
0x82: {  	_ =	shalt  }
0x83: {  	_ =	shalt  }
0x84: {  	_ =	shalt  }
0x85: {  	_ =	shalt  }
0x86: {  	_ =	shalt  }
0x87: {  	_ =	shalt  }
.Lfunc_end0:
.L_simem_size_0:
called_computation_lowered:
.L_overlay_start_0:
0x88: {  	s2 =	sld [smem:$0x3FD9]  }
0x89: {  	s3 =	sld [smem:$0x3FFE];
	_ =	sdelay $0x1  }
0x8a: {  	s1 =	srdreg.scid  }
0x8b: {  	s0 =	sand.u32 $0x1, s1  }
0x8c: {  	s17 =	sshll.u32 s0, $0xA;
	s2 =	sadd.s32 s3, s2  }
0x8d: {  	s2 =	sadd.s32 s2, s17  }
0x8e: {  	[smem:$0x3FC0] =	sst s2  }
0x8f: {  	_ = 	snop  }
0x90: {  	s2 =	sld [smem:$0x3FC9]  }
0x91: {  	s18 =	sld [smem:$0x3FD0];
	(tm) =	ssettm $0x1  }
0x92: {  	s4 =	sld [smem:$0x3FFB];
	_ =	sdelay $0x3  }
0x93: {  	_ =	strace s4  }
0x94: {  	s4 =	sld [smem:$0x3FFC];
	_ =	sdelay $0x3  }
0x95: {  	_ =	strace s4  }
0x96: {  	s4 =	sld [smem:$0x3FFD];
	_ =	sdelay $0x3  }
0x97: {  	_ =	strace s4  }
0x98: {  	_ =	strace $0x8FFFFFFF  }
0x99: {  	s19 =	sld [smem:$0x3FDB];
	_ =	sdelay $0x1  }
0x9a: {  	s5 =	simm.s32 $_scs_section_size  }
0x9b: {  	s6 =	simm.s32 $_size__tile_overlayer_lowered;
	s7 =	simm.s32 $_tile_overlayer_lowered  }
0x9c: {  	s22 =	simm.s32 $0x1BFF;
	s21 =	sshll.u32 s7, $0x1;
	s4 =	sadd.s32 s5, s19  }
0x9d: {  	s8 =	simm.s32 $0x0;
	s20 =	sshll.u32 s6, $0x1;
	s6 =	sadd.s32 s21, s4  }
0x9e: {  	[timem:s8], [sflag:s22] =	dma.local [hbm:s6], s20  }
0x9f: {  	_ =	swait.ge [sflag:s22], s20  }
0xa0: {  	s5 =	ssub.s32 $0x0, s20;
	[sflag:s22] =	ssyncset.done $0x0  }
0xa1: {  	[sflag:s22] =	ssyncadd.s32 s5;
	_ =	sdelay $0x1  }
0xa2: {  	s23 =	simm.s32 $0x1B8B  }
0xa3: {  	_ =	swait.ge [sflag:s23], $0x1  }
0xa4: {  	[sflag:s23] =	ssyncset.done $0x0  }
0xa5: {  	s25 =	simm.s32 $0x1B8E;
	s24 =	sld [smem:$0x3FFE];
	[sflag:s23] =	ssyncadd.s32 $0xFFFFFFFF  }
0xa6: {  	s26 =	simm.s32 $execute0_lowered;
	[smem:$0x3FD2] =	sst s25  }
0xa7: {  	s6 =	sshll.u32 s26, $0x1;
	_ =	strace $0x80000046;
	[dreg:$0x1] =	wrdreg $0xFFFFFFFF  }
0xa8: {  	s28 =	simm.s32 $_size_execute0_lowered;
	s4 =	sadd.s32 s4, s6;
	[dreg:$0x0] =	wrdreg $0x0  }
0xa9: {  	s6 =	sshll.u32 s28, $0x1;
	[dreg:$0x2] =	wrdreg s4  }
0xaa: {  	[dreg:$0x3] =	wrdreg s6  }
0xab: {  	[dreg:$0x4] =	wrdreg $0xC0  }
0xac: {  	_ =	task [dreg:s8], $0x5FFFF  }
0xad: {  	[dreg:$0x1] =	wrdreg $0xFFFFFFFF  }
0xae: {  	[dreg:$0x0] =	wrdreg $0x60  }
0xaf: {  	[dreg:$0x2] =	wrdreg s2  }
0xb0: {  	[dreg:$0x3] =	wrdreg s24  }
0xb1: {  	[dreg:$0x4] =	wrdreg s18  }
0xb2: {  	[dreg:$0x5] =	wrdreg $0x0  }
0xb3: {  	[dreg:$0x6] =	wrdreg $0x9  }
0xb4: {  	_ =	task.clear_ibuf [dreg:s8], $0x7FFFF;
	_ =	strace $0x90000046  }
0xb5: {  	s29 =	simm.s32 $0x9;
	_ =	strace $0x80000048  }
0xb6: {  	_ =	swait.ge [sflag:s29], $0x1  }
0xb7: {  	[sflag:s29] =	ssyncadd.s32 $0xFFFFFFFF  }
0xb8: {  	_ =	strace $0x90000048  }
0xb9: {  	_ =	sfence  }
0xba: {  	s30 =	sld [smem:$0x0];
	_ =	sdelay $0x2  }
0xbb: {  	s31 =	sshll.u32 s1, $0xD;
	s1 =	sshrl.u32 s1, $0x2  }
0xbc: {  	s3 =	sand.u32 $0x4000, s31;
	s1 =	sadd.s32 s1, s30  }
0xbd: {  	s0 =	sor.u32 s3, s0;
	s1 =	sshll.u32 s1, $0x11  }
0xbe: {  	s0 =	sor.u32 s1, s0  }
0xbf: {  	s0 =	sadd.s32 $0x8F2B, s0  }
0xc0: {  	[sflag:s0] =	ssyncadd.remote.s32 $0x1  }
0xc1: {  	_ =	sfence.sel $0xFFFF  }
0xc2: {  	[dreg:$0x0] =	wrdreg $0xFFFFFFFF;
	(pc) =	sbr.abs _section_cstart, $3  }
0xc3: {  	[dreg:$0x1] =	wrdreg $0xFFFFFFFF  }
0xc4: {  	_ =	task.clear_ibuf [dreg:s8], $0x2FFFF;
	_ =	strace $0x9FFFFFFF  }
0xc5: {  	(tm) =	ssettm $0x7FFFFFFF  }
tec
execute0_lowered:
.L_overlay_start_1:
0x0: {  	(tag) =	ssettag $0x1  }
0x1: {  	s1 =	rddreg [dreg:$0x0]  }
0x2: {  	s0 =	rddreg [dreg:$0x1]  }
0x3: {  	s4 =	rddreg [dreg:$0x2]  }
0x4: {  	s2 =	rddreg [dreg:$0x3];
	s3 =	simm.s32 $0x0  }
0x5: {  	s16 =	srdreg.scid;
	s14 =	stileid.u32;
	s29 =	simm.s32 $0x1A480  }
0x6: {  	s31 =	simm.s32 $0x1BC80;
	[smem:$0x7FF] =	sst s3;
	s8 =	sadd.s32 $0x10000, s0  }
0x7: {  	s10 =	sadd.s32 $0x2000, s0;
	s5 =	sadd.s32 $0x1E000, s0;
	s12 =	sadd.s32 $0x1E800, s0  }
0x8: {  	s9 =	sand.u32 $0x1, s16;
	s0 =	sadd.s32 $0x6CA00, s0;
	s6 =	smul.u32 $0x4E000, s14  }
0x9: {  	s13 =	smul.u32 $0x13800, s14;
	s19 =	sshll.u32 s14, $0x6;
	s20 =	sadd.s32 $0x138000, s2  }
0xa: {  	p0 =	sne.s32 s14, $0x0;
	_ =	strace $0x80000047;
	[dreg:$0x5] =	wrdreg s5  }
0xb: {  	s5 =	ssub.s32 $0x2, s9;
	s11 =	sshll.u32 s9, $0x4;
	[dreg:$0x6] =	wrdreg s20  }
0xc: {  	s20 =	simm.s32 $0x13880;
	s7 =	sshrl.u32 s5, $0x1;
	s17 =	sor.u32 s14, s11  }
0xd: {  	s6 =	sshrl.u32 s6, $0x2;
	s18 =	sshrl.u32 s13, $0x3;
	s14 =	simm.s32 $0x5  }
0xe: {  	s15 =	ssub.s32 s5, s7;
	s16 =	smul.u32 $0x3800, s17;
	s5 =	sadd.s32 s6, s2  }
0xf: {  	s6 =	sadd.s32 s4, s18;
	s7 =	sor.u32 $0x1C07, s19;
	s17 =	smul.u32 $0x138800, s9  }
0x10: {  	s9 =	sadd.s32 $0x27000, s4;
	s19 =	simm.s32 $0x7;
	s4 =	simm.s32 $0x2  }
0x11: {  	s30 =	smax.u32 s15, $0x1;
	s15 =	simm.s32 $0x6;
	s16 =	sshrl.u32 s16, $0x3  }
0x12: {  	s13 =	sadd.s32 s13, s17;
	s23 =	sshrl.u32 s17, $0x3;
	[dreg:$0xd] =	wrdreg s30  }
0x13: {  	s21 =	sadd.s32 s8, s16;
	s11 =	sadd.s32 s10, s16;
	s22 =	sadd.s32 $0x380, s16  }
0x14: {  	s24 =	sshrl.u32 s13, $0x3;
	s16 =	sadd.s32 $0x27000, s23;
	s23 =	simm.s32 $0x17080  }
0x15: {  	[dreg:$0x7] =	wrdreg s21;
	s8 =	sadd.s32 s8, s22;
	s13 =	sadd.s32 s10, s22  }
0x16: {  	s25 =	sadd.s32 s12, s24;
	s26 =	sadd.s32 s12, s16;
	[dreg:$0x8] =	wrdreg s8  }
0x17: {  	s28 =	sadd.s32 s0, s24;
	s0 =	sadd.s32 s0, s16;
	[dreg:$0x9] =	wrdreg s25  }
0x18: {  	s21 =	simm.s32 $0x15480;
	s22 =	simm.s32 $0x30;
	[dreg:$0xa] =	wrdreg s26  }
0x19: {  	s24 =	simm.s32 $0x34;
	s10 =	simm.s32 $0x3;
	[dreg:$0xb] =	wrdreg s28  }
0x1a: {  	s12 =	simm.s32 $0x4;
	[dreg:$0xc] =	wrdreg s0;
	s26 =	simm.s32 $0x18880  }
0x1b: {  	s0 =	simm.s32 $0x1;
	s8 =	simm.s32 $0x64;
	s25 =	simm.s32 $0x0  }
.LBB2_1:
0x1c: {  	s28 =	sshrl.u32 s5, $0x3  }
0x1d: {  	[spmem:s28], [sflag:s7] =	dma.local [hbm:s6], $0x2700  }
0x1e: {  	_ =	swait.ge [sflag:s19], $0x2700  }
0x1f: {  	[sflag:s19] =	ssyncset.done $0x0;
	s16 =	rddreg [dreg:$0x6]  }
0x20: {  	[sflag:s19] =	ssyncadd.s32 $0xFFFFD900;
	s30 =	sshrl.u32 @!p0 s16, $0x3;
	s16 =	simm.s32 @!p0 $0x7  }
0x21: {  	[spmem:s30], [sflag:s7] =	dma.local @!p0 [hbm:s9], $0x100  }
0x22: {  	_ =	swait.ge @!p0 [sflag:s16], $0x100  }
0x23: {  	[sflag:s16] =	ssyncset.done @!p0 $0x0  }
0x24: {  	[sflag:s16] =	ssyncadd.s32 @!p0 $0xFFFFFF00  }
0x25: {  	[bflag:$0x0] =	sbarrier.arrive $0xFFFF  }
0x26: {  	s18 =	rddreg [dreg:$0x7]  }
0x27: {  	[tilespmem:s20], [sflag:$0x7] =	stream.linear.gather [hbm4b:s18+s3], $0x1900, $0x38;
	[tilespmem:$0x1D880] =	vst v63  }
0x28: {  	_ =	swait.ge [sflag:s19], $0x1900  }
0x29: {  	[sflag:s19] =	ssyncset.done $0x0  }
0x2a: {  	[sflag:s19] =	ssyncadd.s32 $0xFFFFE700  }
0x2b: {  	[tilespmem:s21], [sflag:$0x7] =	stream.linear.gather [hbm4b:s11+s3], $0x1900, $0x38;
	[tilespmem:$0x1D880] =	vst v63  }
0x2c: {  	_ =	swait.ge [sflag:s19], $0x1900  }
0x2d: {  	[sflag:s19] =	ssyncset.done $0x0  }
0x2e: {  	[sflag:s19] =	ssyncadd.s32 $0xFFFFE700  }
0x2f: {  	[tilespmem:s23], [sflag:$0x1] =	stream.indirect.gather [hbm4b:s1+s22], $0x80, s20, s22, $0xb8;
	[tilespmem:$0x1D880] =	vst v63  }
0x30: {  	s17 =	simm.s32 $0x138B0  }
0x31: {  	[tilespmem:s26], [sflag:$0x2] =	stream.indirect.gather [hbm4b:s1+s24], $0x80, s17, s24, $0xb8;
	[tilespmem:$0x1D880] =	vst v63  }
0x32: {  	s18 =	simm.s32 $0x13900  }
0x33: {  	[tilespmem:s29], [sflag:$0x3] =	stream.indirect.gather [hbm4b:s1+s22], $0x80, s18, s22, $0xb8;
	[tilespmem:$0x1D880] =	vst v63  }
0x34: {  	s17 =	simm.s32 $0x13930  }
0x35: {  	[tilespmem:s31], [sflag:$0x4] =	stream.indirect.gather [hbm4b:s1+s24], $0x80, s17, s24, $0xb8;
	[tilespmem:$0x1D880] =	vst v63  }
0x36: {  	_ =	swait.ge [sflag:s0], $0x1800  }
0x37: {  	[sflag:s0] =	ssyncset.done $0x0  }
0x38: {  	[sflag:s0] =	ssyncadd.s32 $0xFFFFE800  }
0x39: {  	_ =	swait.ge [sflag:s4], $0x1A00  }
0x3a: {  	[sflag:s4] =	ssyncset.done $0x0  }
0x3b: {  	s18 =	simm.s32 $0x15480;
	[sflag:s4] =	ssyncadd.s32 $0xFFFFE600  }
0x3c: {  	[spmem:s2] =	stream.indirect.scatter.add.f32 [tilespmem:s23], [sflag:$0x5], $0x80, s18, s8, $0xb8;
	[tilespmem:$0x1D880] =	vst v63  }
0x3d: {  	_ =	swait.ge [sflag:s10], $0x1800  }
0x3e: {  	[sflag:s10] =	ssyncset.done $0x0  }
0x3f: {  	[sflag:s10] =	ssyncadd.s32 $0xFFFFE800  }
0x40: {  	_ =	swait.ge [sflag:s12], $0x1A00  }
0x41: {  	[sflag:s12] =	ssyncset.done $0x0  }
0x42: {  	s17 =	simm.s32 $0x15500;
	[sflag:s12] =	ssyncadd.s32 $0xFFFFE600  }
0x43: {  	[spmem:s2] =	stream.indirect.scatter.add.f32 [tilespmem:s29], [sflag:$0x6], $0x80, s17, s8, $0xb8;
	[tilespmem:$0x1D880] =	vst v63  }
0x44: {  	_ =	swait.ge [sflag:s14], $0x3200  }
0x45: {  	[sflag:s14] =	ssyncset.done $0x0  }
0x46: {  	s18 =	simm.s32 $0x13980;
	[sflag:s14] =	ssyncadd.s32 $0xFFFFCE00  }
0x47: {  	[tilespmem:s23], [sflag:$0x1] =	stream.indirect.gather [hbm4b:s1+s22], $0x80, s18, s22, $0xb8;
	[tilespmem:$0x1D880] =	vst v63  }
0x48: {  	s17 =	simm.s32 $0x139B0  }
0x49: {  	[tilespmem:s26], [sflag:$0x2] =	stream.indirect.gather [hbm4b:s1+s24], $0x80, s17, s24, $0xb8;
	[tilespmem:$0x1D880] =	vst v63  }
0x4a: {  	_ =	swait.ge [sflag:s15], $0x3200  }
0x4b: {  	s16 =	simm.s32 $0x400;
	[sflag:s15] =	ssyncset.done $0x0  }
0x4c: {  	s18 =	simm.s32 $0x13A00;
	s17 =	simm.s32 $0x13A30;
	[sflag:s15] =	ssyncadd.s32 $0xFFFFCE00  }
0x4d: {  	[tilespmem:s29], [sflag:$0x3] =	stream.indirect.gather [hbm4b:s1+s22], $0x80, s18, s22, $0xb8;
	[tilespmem:$0x1D880] =	vst v63  }
.LBB2_2:
0x4e: {  	[tilespmem:s31], [sflag:$0x4] =	stream.indirect.gather [hbm4b:s1+s24], $0x80, s17, s24, $0xb8;
	[tilespmem:$0x1D880] =	vst v63  }
0x4f: {  	s17 =	smov.u32 s16  }
0x50: {  	p1 =	sne.s32 s16, $0x5C00;
	s16 =	sadd.s32 $0x400, s16;
	_ =	swait.ge [sflag:s0], $0x1800  }
0x51: {  	[sflag:s0] =	ssyncset.done $0x0  }
0x52: {  	[sflag:s0] =	ssyncadd.s32 $0xFFFFE800  }
0x53: {  	_ =	swait.ge [sflag:s4], $0x1A00  }
0x54: {  	s17 =	sshra.s32 s17, $0x2;
	[sflag:s4] =	ssyncset.done $0x0  }
0x55: {  	s18 =	sadd.s32 $0x15480, s17;
	[sflag:s4] =	ssyncadd.s32 $0xFFFFE600  }
0x56: {  	[spmem:s2] =	stream.indirect.scatter.add.f32 [tilespmem:s23], [sflag:$0x5], $0x80, s18, s8, $0xb8;
	[tilespmem:$0x1D880] =	vst v63  }
0x57: {  	_ =	swait.ge [sflag:s10], $0x1800  }
0x58: {  	[sflag:s10] =	ssyncset.done $0x0  }
0x59: {  	[sflag:s10] =	ssyncadd.s32 $0xFFFFE800  }
0x5a: {  	_ =	swait.ge [sflag:s12], $0x1A00  }
0x5b: {  	[sflag:s12] =	ssyncset.done $0x0  }
0x5c: {  	s18 =	sadd.s32 $0x15500, s17;
	[sflag:s12] =	ssyncadd.s32 $0xFFFFE600  }
0x5d: {  	[spmem:s2] =	stream.indirect.scatter.add.f32 [tilespmem:s29], [sflag:$0x6], $0x80, s18, s8, $0xb8;
	[tilespmem:$0x1D880] =	vst v63  }
0x5e: {  	_ =	swait.ge [sflag:s14], $0x3200  }
0x5f: {  	[sflag:s14] =	ssyncset.done $0x0  }
0x60: {  	s18 =	sadd.s32 $0x13980, s17;
	[sflag:s14] =	ssyncadd.s32 $0xFFFFCE00  }
0x61: {  	[tilespmem:s23], [sflag:$0x1] =	stream.indirect.gather [hbm4b:s1+s22], $0x80, s18, s22, $0xb8;
	[tilespmem:$0x1D880] =	vst v63  }
0x62: {  	s18 =	sadd.s32 $0x139B0, s17  }
0x63: {  	[tilespmem:s26], [sflag:$0x2] =	stream.indirect.gather [hbm4b:s1+s24], $0x80, s18, s24, $0xb8;
	[tilespmem:$0x1D880] =	vst v63  }
.Ltmp0:
0x64: {  	_ =	swait.ge [sflag:s15], $0x3200;
	(pc) =	sbr.rel @p1 .LBB2_2-.Ltmp0, $4  }
0x65: {  	[sflag:s15] =	ssyncset.done $0x0  }
0x66: {  	s18 =	sadd.s32 $0x13A00, s17;
	[sflag:s15] =	ssyncadd.s32 $0xFFFFCE00  }
0x67: {  	[tilespmem:s29], [sflag:$0x3] =	stream.indirect.gather [hbm4b:s1+s22], $0x80, s18, s22, $0xb8;
	[tilespmem:$0x1D880] =	vst v63  }
0x68: {  	s17 =	sadd.s32 $0x13A30, s17  }
0x69: {  	[tilespmem:s31], [sflag:$0x4] =	stream.indirect.gather [hbm4b:s1+s24], $0x80, s17, s24, $0xb8;
	[tilespmem:$0x1D880] =	vst v63  }
0x6a: {  	_ =	swait.ge [sflag:s0], $0x1800  }
0x6b: {  	[sflag:s0] =	ssyncset.done $0x0  }
0x6c: {  	[sflag:s0] =	ssyncadd.s32 $0xFFFFE800  }
0x6d: {  	_ =	swait.ge [sflag:s4], $0x1A00  }
0x6e: {  	[sflag:s4] =	ssyncset.done $0x0  }
0x6f: {  	s16 =	simm.s32 $0x16C80;
	[sflag:s4] =	ssyncadd.s32 $0xFFFFE600  }
0x70: {  	[spmem:s2] =	stream.indirect.scatter.add.f32 [tilespmem:s23], [sflag:$0x5], $0x80, s16, s8, $0xb8;
	[tilespmem:$0x1D880] =	vst v63  }
0x71: {  	_ =	swait.ge [sflag:s10], $0x1800  }
0x72: {  	[sflag:s10] =	ssyncset.done $0x0  }
0x73: {  	[sflag:s10] =	ssyncadd.s32 $0xFFFFE800  }
0x74: {  	_ =	swait.ge [sflag:s12], $0x1A00  }
0x75: {  	[sflag:s12] =	ssyncset.done $0x0  }
0x76: {  	s17 =	simm.s32 $0x16D00;
	[sflag:s12] =	ssyncadd.s32 $0xFFFFE600  }
0x77: {  	[spmem:s2] =	stream.indirect.scatter.add.f32 [tilespmem:s29], [sflag:$0x6], $0x80, s17, s8, $0xb8;
	[tilespmem:$0x1D880] =	vst v63  }
0x78: {  	_ =	swait.ge [sflag:s14], $0x3200  }
0x79: {  	[sflag:s14] =	ssyncset.done $0x0  }
0x7a: {  	[sflag:s14] =	ssyncadd.s32 $0xFFFFCE00  }
0x7b: {  	_ =	swait.ge [sflag:s15], $0x3200  }
0x7c: {  	[sflag:s15] =	ssyncset.done $0x0  }
0x7d: {  	s16 =	simm.s32 $0x0;
	s18 =	rddreg [dreg:$0x8];
	[sflag:s15] =	ssyncadd.s32 $0xFFFFCE00  }
0x7e: {  	[tilespmem:s20], [sflag:$0x7] =	stream.linear.gather [hbm4b:s18+s16], $0x1900, $0x38;
	[tilespmem:$0x1D880] =	vst v63  }
0x7f: {  	_ =	swait.ge [sflag:s19], $0x1900  }
0x80: {  	[sflag:s19] =	ssyncset.done $0x0  }
0x81: {  	[sflag:s19] =	ssyncadd.s32 $0xFFFFE700  }
0x82: {  	[tilespmem:s21], [sflag:$0x7] =	stream.linear.gather [hbm4b:s13+s16], $0x1900, $0x38;
	[tilespmem:$0x1D880] =	vst v63  }
0x83: {  	_ =	swait.ge [sflag:s19], $0x1900  }
0x84: {  	[sflag:s19] =	ssyncset.done $0x0  }
0x85: {  	[sflag:s19] =	ssyncadd.s32 $0xFFFFE700  }
0x86: {  	[tilespmem:s23], [sflag:$0x1] =	stream.indirect.gather [hbm4b:s1+s22], $0x80, s20, s22, $0xb8;
	[tilespmem:$0x1D880] =	vst v63  }
0x87: {  	s17 =	simm.s32 $0x138B0  }
0x88: {  	[tilespmem:s26], [sflag:$0x2] =	stream.indirect.gather [hbm4b:s1+s24], $0x80, s17, s24, $0xb8;
	[tilespmem:$0x1D880] =	vst v63  }
0x89: {  	s18 =	simm.s32 $0x13900  }
0x8a: {  	[tilespmem:s29], [sflag:$0x3] =	stream.indirect.gather [hbm4b:s1+s22], $0x80, s18, s22, $0xb8;
	[tilespmem:$0x1D880] =	vst v63  }
0x8b: {  	s17 =	simm.s32 $0x13930  }
0x8c: {  	[tilespmem:s31], [sflag:$0x4] =	stream.indirect.gather [hbm4b:s1+s24], $0x80, s17, s24, $0xb8;
	[tilespmem:$0x1D880] =	vst v63  }
0x8d: {  	_ =	swait.ge [sflag:s0], $0x1800  }
0x8e: {  	[sflag:s0] =	ssyncset.done $0x0  }
0x8f: {  	[sflag:s0] =	ssyncadd.s32 $0xFFFFE800  }
0x90: {  	_ =	swait.ge [sflag:s4], $0x1A00  }
0x91: {  	[sflag:s4] =	ssyncset.done $0x0  }
0x92: {  	s18 =	simm.s32 $0x15480;
	[sflag:s4] =	ssyncadd.s32 $0xFFFFE600  }
0x93: {  	[spmem:s2] =	stream.indirect.scatter.add.f32 [tilespmem:s23], [sflag:$0x5], $0x80, s18, s8, $0xb8;
	[tilespmem:$0x1D880] =	vst v63  }
0x94: {  	_ =	swait.ge [sflag:s10], $0x1800  }
0x95: {  	[sflag:s10] =	ssyncset.done $0x0  }
0x96: {  	[sflag:s10] =	ssyncadd.s32 $0xFFFFE800  }
0x97: {  	_ =	swait.ge [sflag:s12], $0x1A00  }
0x98: {  	[sflag:s12] =	ssyncset.done $0x0  }
0x99: {  	s17 =	simm.s32 $0x15500;
	[sflag:s12] =	ssyncadd.s32 $0xFFFFE600  }
0x9a: {  	[spmem:s2] =	stream.indirect.scatter.add.f32 [tilespmem:s29], [sflag:$0x6], $0x80, s17, s8, $0xb8;
	[tilespmem:$0x1D880] =	vst v63  }
0x9b: {  	_ =	swait.ge [sflag:s14], $0x3200  }
0x9c: {  	[sflag:s14] =	ssyncset.done $0x0  }
0x9d: {  	s18 =	simm.s32 $0x13980;
	[sflag:s14] =	ssyncadd.s32 $0xFFFFCE00  }
0x9e: {  	[tilespmem:s23], [sflag:$0x1] =	stream.indirect.gather [hbm4b:s1+s22], $0x80, s18, s22, $0xb8;
	[tilespmem:$0x1D880] =	vst v63  }
0x9f: {  	s17 =	simm.s32 $0x139B0  }
0xa0: {  	[tilespmem:s26], [sflag:$0x2] =	stream.indirect.gather [hbm4b:s1+s24], $0x80, s17, s24, $0xb8;
	[tilespmem:$0x1D880] =	vst v63  }
0xa1: {  	_ =	swait.ge [sflag:s15], $0x3200  }
0xa2: {  	s16 =	simm.s32 $0x400;
	[sflag:s15] =	ssyncset.done $0x0  }
0xa3: {  	s18 =	simm.s32 $0x13A00;
	s17 =	simm.s32 $0x13A30;
	[sflag:s15] =	ssyncadd.s32 $0xFFFFCE00  }
0xa4: {  	[tilespmem:s29], [sflag:$0x3] =	stream.indirect.gather [hbm4b:s1+s22], $0x80, s18, s22, $0xb8;
	[tilespmem:$0x1D880] =	vst v63  }
.LBB2_4:
0xa5: {  	[tilespmem:s31], [sflag:$0x4] =	stream.indirect.gather [hbm4b:s1+s24], $0x80, s17, s24, $0xb8;
	[tilespmem:$0x1D880] =	vst v63  }
0xa6: {  	s17 =	smov.u32 s16  }
0xa7: {  	p1 =	sne.s32 s16, $0x5C00;
	s16 =	sadd.s32 $0x400, s16;
	_ =	swait.ge [sflag:s0], $0x1800  }
0xa8: {  	[sflag:s0] =	ssyncset.done $0x0  }
0xa9: {  	[sflag:s0] =	ssyncadd.s32 $0xFFFFE800  }
0xaa: {  	_ =	swait.ge [sflag:s4], $0x1A00  }
0xab: {  	s17 =	sshra.s32 s17, $0x2;
	[sflag:s4] =	ssyncset.done $0x0  }
0xac: {  	s18 =	sadd.s32 $0x15480, s17;
	[sflag:s4] =	ssyncadd.s32 $0xFFFFE600  }
0xad: {  	[spmem:s2] =	stream.indirect.scatter.add.f32 [tilespmem:s23], [sflag:$0x5], $0x80, s18, s8, $0xb8;
	[tilespmem:$0x1D880] =	vst v63  }
0xae: {  	_ =	swait.ge [sflag:s10], $0x1800  }
0xaf: {  	[sflag:s10] =	ssyncset.done $0x0  }
0xb0: {  	[sflag:s10] =	ssyncadd.s32 $0xFFFFE800  }
0xb1: {  	_ =	swait.ge [sflag:s12], $0x1A00  }
0xb2: {  	[sflag:s12] =	ssyncset.done $0x0  }
0xb3: {  	s18 =	sadd.s32 $0x15500, s17;
	[sflag:s12] =	ssyncadd.s32 $0xFFFFE600  }
0xb4: {  	[spmem:s2] =	stream.indirect.scatter.add.f32 [tilespmem:s29], [sflag:$0x6], $0x80, s18, s8, $0xb8;
	[tilespmem:$0x1D880] =	vst v63  }
0xb5: {  	_ =	swait.ge [sflag:s14], $0x3200  }
0xb6: {  	[sflag:s14] =	ssyncset.done $0x0  }
0xb7: {  	s18 =	sadd.s32 $0x13980, s17;
	[sflag:s14] =	ssyncadd.s32 $0xFFFFCE00  }
0xb8: {  	[tilespmem:s23], [sflag:$0x1] =	stream.indirect.gather [hbm4b:s1+s22], $0x80, s18, s22, $0xb8;
	[tilespmem:$0x1D880] =	vst v63  }
0xb9: {  	s18 =	sadd.s32 $0x139B0, s17  }
0xba: {  	[tilespmem:s26], [sflag:$0x2] =	stream.indirect.gather [hbm4b:s1+s24], $0x80, s18, s24, $0xb8;
	[tilespmem:$0x1D880] =	vst v63  }
.Ltmp1:
0xbb: {  	_ =	swait.ge [sflag:s15], $0x3200;
	(pc) =	sbr.rel @p1 .LBB2_4-.Ltmp1, $4  }
0xbc: {  	[sflag:s15] =	ssyncset.done $0x0  }
0xbd: {  	s18 =	sadd.s32 $0x13A00, s17;
	[sflag:s15] =	ssyncadd.s32 $0xFFFFCE00  }
0xbe: {  	[tilespmem:s29], [sflag:$0x3] =	stream.indirect.gather [hbm4b:s1+s22], $0x80, s18, s22, $0xb8;
	[tilespmem:$0x1D880] =	vst v63  }
0xbf: {  	s17 =	sadd.s32 $0x13A30, s17  }
0xc0: {  	[tilespmem:s31], [sflag:$0x4] =	stream.indirect.gather [hbm4b:s1+s24], $0x80, s17, s24, $0xb8;
	[tilespmem:$0x1D880] =	vst v63  }
0xc1: {  	_ =	swait.ge [sflag:s0], $0x1800  }
0xc2: {  	[sflag:s0] =	ssyncset.done $0x0  }
0xc3: {  	[sflag:s0] =	ssyncadd.s32 $0xFFFFE800  }
0xc4: {  	_ =	swait.ge [sflag:s4], $0x1A00  }
0xc5: {  	[sflag:s4] =	ssyncset.done $0x0  }
0xc6: {  	s16 =	simm.s32 $0x16C80;
	[sflag:s4] =	ssyncadd.s32 $0xFFFFE600  }
0xc7: {  	[spmem:s2] =	stream.indirect.scatter.add.f32 [tilespmem:s23], [sflag:$0x5], $0x80, s16, s8, $0xb8;
	[tilespmem:$0x1D880] =	vst v63  }
0xc8: {  	_ =	swait.ge [sflag:s10], $0x1800  }
0xc9: {  	[sflag:s10] =	ssyncset.done $0x0  }
0xca: {  	[sflag:s10] =	ssyncadd.s32 $0xFFFFE800  }
0xcb: {  	_ =	swait.ge [sflag:s12], $0x1A00  }
0xcc: {  	[sflag:s12] =	ssyncset.done $0x0  }
0xcd: {  	s18 =	simm.s32 $0x16D00;
	[sflag:s12] =	ssyncadd.s32 $0xFFFFE600  }
0xce: {  	[spmem:s2] =	stream.indirect.scatter.add.f32 [tilespmem:s29], [sflag:$0x6], $0x80, s18, s8, $0xb8;
	[tilespmem:$0x1D880] =	vst v63  }
0xcf: {  	_ =	swait.ge [sflag:s14], $0x3200  }
0xd0: {  	[sflag:s14] =	ssyncset.done $0x0  }
0xd1: {  	[sflag:s14] =	ssyncadd.s32 $0xFFFFCE00  }
0xd2: {  	_ =	swait.ge [sflag:s15], $0x3200  }
0xd3: {  	[sflag:s15] =	ssyncset.done $0x0  }
0xd4: {  	[sflag:s15] =	ssyncadd.s32 $0xFFFFCE00  }
0xd5: {  	[bflag:$0x0] =	sbarrier.arrive $0xFFFF  }
0xd6: {  	s17 =	rddreg [dreg:$0x9]  }
0xd7: {  	[hbm:s17], [sflag:s7] =	dma.local [spmem:s28], $0x2700  }
0xd8: {  	_ =	swait.ge [sflag:s19], $0x2700  }
0xd9: {  	[sflag:s19] =	ssyncset.done $0x0  }
0xda: {  	[sflag:s19] =	ssyncadd.s32 $0xFFFFD900  }
0xdb: {  	s16 =	sshrl.u32 @p0 s5, $0x3;
	[bflag:$0x0] =	sbarrier.arrive @p0 $0xFFFF  }
0xdc: {  	[spmem:s16], [sflag:s7] =	dma.local @p0 [hbm:s6], $0x2700  }
0xdd: {  	s16 =	simm.s32 @p0 $0x7  }
0xde: {  	_ =	swait.ge @p0 [sflag:s16], $0x2700  }
0xdf: {  	[sflag:s16] =	ssyncset.done @p0 $0x0  }
0xe0: {  	[sflag:s16] =	ssyncadd.s32 @p0 $0xFFFFD900;
	s16 =	rddreg [dreg:$0xa]  }
0xe1: {  	[hbm:s16], [sflag:s7] =	dma.local @!p0 [spmem:s30], $0x100  }
0xe2: {  	s16 =	simm.s32 @!p0 $0x7  }
0xe3: {  	_ =	swait.ge @!p0 [sflag:s16], $0x100  }
0xe4: {  	[sflag:s16] =	ssyncset.done @!p0 $0x0  }
0xe5: {  	[sflag:s16] =	ssyncadd.s32 @!p0 $0xFFFFFF00  }
0xe6: {  	s17 =	sshrl.u32 @!p0 s5, $0x3;
	[bflag:$0x0] =	sbarrier.arrive @!p0 $0xFFFF  }
0xe7: {  	[spmem:s17], [sflag:s7] =	dma.local @!p0 [hbm:s6], $0x2700  }
0xe8: {  	_ =	swait.ge @!p0 [sflag:s16], $0x2700  }
0xe9: {  	[sflag:s16] =	ssyncset.done @!p0 $0x0  }
0xea: {  	[sflag:s16] =	ssyncadd.s32 @!p0 $0xFFFFD900  }
0xeb: {  	[spmem:s30], [sflag:s7] =	dma.local @!p0 [hbm:s9], $0x100  }
0xec: {  	_ =	swait.ge @!p0 [sflag:s16], $0x100  }
0xed: {  	[sflag:s16] =	ssyncset.done @!p0 $0x0  }
0xee: {  	s18 =	rddreg [dreg:$0x5];
	[sflag:s16] =	ssyncadd.s32 @!p0 $0xFFFFFF00  }
0xef: {  	[tilespmem:s23], [sflag:$0x7] =	stream.linear.gather [hbm4b:s18+s3], $0x3200, $0x38;
	[tilespmem:$0x1D880] =	vst v63  }
0xf0: {  	_ =	swait.ge [sflag:s19], $0x3200  }
0xf1: {  	[sflag:s19] =	ssyncset.done $0x0  }
0xf2: {  	[sflag:s19] =	ssyncadd.s32 $0xFFFFCE00  }
0xf3: {  	[bflag:$0x0] =	sbarrier.arrive $0xFFFF  }
0xf4: {  	[tilespmem:s21], [sflag:$0x7] =	stream.linear.gather [hbm4b:s11+s3], $0x1900, $0x38;
	[tilespmem:$0x1D880] =	vst v63  }
0xf5: {  	_ =	swait.ge [sflag:s19], $0x1900  }
0xf6: {  	[sflag:s19] =	ssyncset.done $0x0  }
0xf7: {  	[sflag:s19] =	ssyncadd.s32 $0xFFFFE700  }
0xf8: {  	[spmem:s2] =	stream.indirect.scatter.add.f32 [tilespmem:s23], [sflag:$0x5], $0x80, s21, s8, $0xb8;
	[tilespmem:$0x1D880] =	vst v63  }
0xf9: {  	s17 =	simm.s32 $0x15500  }
0xfa: {  	[spmem:s2] =	stream.indirect.scatter.add.f32 [tilespmem:s23], [sflag:$0x6], $0x80, s17, s8, $0xb8;
	[tilespmem:$0x1D880] =	vst v63  }
0xfb: {  	_ =	swait.ge [sflag:s14], $0x3200  }
0xfc: {  	[sflag:s14] =	ssyncset.done $0x0  }
0xfd: {  	s18 =	simm.s32 $0x15580;
	[sflag:s14] =	ssyncadd.s32 $0xFFFFCE00  }
0xfe: {  	[spmem:s2] =	stream.indirect.scatter.add.f32 [tilespmem:s23], [sflag:$0x5], $0x80, s18, s8, $0xb8;
	[tilespmem:$0x1D880] =	vst v63  }
0xff: {  	_ =	swait.ge [sflag:s15], $0x3200  }
0x100: {  	[sflag:s15] =	ssyncset.done $0x0  }
0x101: {  	s16 =	simm.s32 $0xFFFFA400;
	s17 =	simm.s32 $0x15600;
	[sflag:s15] =	ssyncadd.s32 $0xFFFFCE00  }
.LBB2_6:
0x102: {  	[spmem:s2] =	stream.indirect.scatter.add.f32 [tilespmem:s23], [sflag:$0x6], $0x80, s17, s8, $0xb8;
	[tilespmem:$0x1D880] =	vst v63  }
0x103: {  	s17 =	smov.u32 s16  }
0x104: {  	p1 =	sne.s32 s16, $0xFFFFFC00;
	s16 =	sadd.s32 $0x400, s16;
	_ =	swait.ge [sflag:s14], $0x3200  }
0x105: {  	s17 =	sshra.s32 s17, $0x2;
	[sflag:s14] =	ssyncset.done $0x0  }
.Ltmp2:
0x106: {  	s18 =	sadd.s32 $0x16D80, s17;
	[sflag:s14] =	ssyncadd.s32 $0xFFFFCE00;
	(pc) =	sbr.rel @p1 .LBB2_6-.Ltmp2, $4  }
0x107: {  	[spmem:s2] =	stream.indirect.scatter.add.f32 [tilespmem:s23], [sflag:$0x5], $0x80, s18, s8, $0xb8;
	[tilespmem:$0x1D880] =	vst v63  }
0x108: {  	_ =	swait.ge [sflag:s15], $0x3200  }
0x109: {  	[sflag:s15] =	ssyncset.done $0x0  }
0x10a: {  	s17 =	sadd.s32 $0x16E00, s17;
	[sflag:s15] =	ssyncadd.s32 $0xFFFFCE00  }
0x10b: {  	[spmem:s2] =	stream.indirect.scatter.add.f32 [tilespmem:s23], [sflag:$0x6], $0x80, s17, s8, $0xb8;
	[tilespmem:$0x1D880] =	vst v63  }
0x10c: {  	_ =	swait.ge [sflag:s14], $0x3200  }
0x10d: {  	[sflag:s14] =	ssyncset.done $0x0  }
0x10e: {  	[sflag:s14] =	ssyncadd.s32 $0xFFFFCE00  }
0x10f: {  	_ =	swait.ge [sflag:s15], $0x3200  }
0x110: {  	[sflag:s15] =	ssyncset.done $0x0  }
0x111: {  	[sflag:s15] =	ssyncadd.s32 $0xFFFFCE00  }
0x112: {  	[tilespmem:s21], [sflag:$0x7] =	stream.linear.gather [hbm4b:s13+s3], $0x1900, $0x38;
	[tilespmem:$0x1D880] =	vst v63  }
0x113: {  	_ =	swait.ge [sflag:s19], $0x1900  }
0x114: {  	[sflag:s19] =	ssyncset.done $0x0  }
0x115: {  	[sflag:s19] =	ssyncadd.s32 $0xFFFFE700  }
0x116: {  	[spmem:s2] =	stream.indirect.scatter.add.f32 [tilespmem:s23], [sflag:$0x5], $0x80, s21, s8, $0xb8;
	[tilespmem:$0x1D880] =	vst v63  }
0x117: {  	s16 =	simm.s32 $0x15500  }
0x118: {  	[spmem:s2] =	stream.indirect.scatter.add.f32 [tilespmem:s23], [sflag:$0x6], $0x80, s16, s8, $0xb8;
	[tilespmem:$0x1D880] =	vst v63  }
0x119: {  	_ =	swait.ge [sflag:s14], $0x3200  }
0x11a: {  	[sflag:s14] =	ssyncset.done $0x0  }
0x11b: {  	s18 =	simm.s32 $0x15580;
	[sflag:s14] =	ssyncadd.s32 $0xFFFFCE00  }
0x11c: {  	[spmem:s2] =	stream.indirect.scatter.add.f32 [tilespmem:s23], [sflag:$0x5], $0x80, s18, s8, $0xb8;
	[tilespmem:$0x1D880] =	vst v63  }
0x11d: {  	_ =	swait.ge [sflag:s15], $0x3200  }
0x11e: {  	[sflag:s15] =	ssyncset.done $0x0  }
0x11f: {  	s17 =	simm.s32 $0x15600;
	s16 =	simm.s32 $0xFFFFA400;
	[sflag:s15] =	ssyncadd.s32 $0xFFFFCE00  }
.LBB2_8:
0x120: {  	[spmem:s2] =	stream.indirect.scatter.add.f32 [tilespmem:s23], [sflag:$0x6], $0x80, s17, s8, $0xb8;
	[tilespmem:$0x1D880] =	vst v63  }
0x121: {  	s17 =	smov.u32 s16  }
0x122: {  	p1 =	sne.s32 s16, $0xFFFFFC00;
	s16 =	sadd.s32 $0x400, s16;
	_ =	swait.ge [sflag:s14], $0x3200  }
0x123: {  	s17 =	sshra.s32 s17, $0x2;
	[sflag:s14] =	ssyncset.done $0x0  }
.Ltmp3:
0x124: {  	s18 =	sadd.s32 $0x16D80, s17;
	[sflag:s14] =	ssyncadd.s32 $0xFFFFCE00;
	(pc) =	sbr.rel @p1 .LBB2_8-.Ltmp3, $4  }
0x125: {  	[spmem:s2] =	stream.indirect.scatter.add.f32 [tilespmem:s23], [sflag:$0x5], $0x80, s18, s8, $0xb8;
	[tilespmem:$0x1D880] =	vst v63  }
0x126: {  	_ =	swait.ge [sflag:s15], $0x3200  }
0x127: {  	[sflag:s15] =	ssyncset.done $0x0  }
0x128: {  	s17 =	sadd.s32 $0x16E00, s17;
	[sflag:s15] =	ssyncadd.s32 $0xFFFFCE00  }
0x129: {  	[spmem:s2] =	stream.indirect.scatter.add.f32 [tilespmem:s23], [sflag:$0x6], $0x80, s17, s8, $0xb8;
	[tilespmem:$0x1D880] =	vst v63  }
0x12a: {  	_ =	swait.ge [sflag:s14], $0x3200  }
0x12b: {  	[sflag:s14] =	ssyncset.done $0x0  }
0x12c: {  	[sflag:s14] =	ssyncadd.s32 $0xFFFFCE00  }
0x12d: {  	_ =	swait.ge [sflag:s15], $0x3200  }
0x12e: {  	[sflag:s15] =	ssyncset.done $0x0  }
0x12f: {  	[sflag:s15] =	ssyncadd.s32 $0xFFFFCE00  }
0x130: {  	[bflag:$0x0] =	sbarrier.arrive $0xFFFF  }
0x131: {  	s16 =	rddreg [dreg:$0xb]  }
0x132: {  	[hbm:s16], [sflag:s7] =	dma.local [spmem:s28], $0x2700  }
0x133: {  	_ =	swait.ge [sflag:s19], $0x2700  }
0x134: {  	[sflag:s19] =	ssyncset.done $0x0  }
0x135: {  	s16 =	rddreg [dreg:$0xc];
	[sflag:s19] =	ssyncadd.s32 $0xFFFFD900  }
0x136: {  	[hbm:s16], [sflag:s7] =	dma.local @!p0 [spmem:s30], $0x100  }
0x137: {  	s16 =	simm.s32 @!p0 $0x7  }
0x138: {  	_ =	swait.ge @!p0 [sflag:s16], $0x100  }
0x139: {  	s25 =	sadd.s32 $0x1, s25;
	s30 =	rddreg [dreg:$0xd]  }
0x13a: {  	p1 =	sne.s32 s25, s30  }
.Ltmp4:
0x13b: {  	_ = 	snop;
	(pc) =	sbr.rel @p1 .LBB2_1-.Ltmp4, $3  }
0x13c: {  	_ =	sdelay $0x1  }
0x13d: {  	[sflag:s16] =	ssyncset.done @!p0 $0x0  }
0x13e: {  	[sflag:s16] =	ssyncadd.s32 @!p0 $0xFFFFFF00  }
0x13f: {  	_ =	sfence.sel $0x180000  }
0x140: {  	[bflag:$0x0] =	sbarrier.arrive $0xFFFF  }
0x141: {  	_ =	strace $0x90000047  }
0x142: {  	[bflag:$0x2] =	sbarrier.arrive $0xFFFF  }
0x143: {  	s0 =	rddreg [dreg:$0x4]  }
0x144: {  	s0 =	sadd.s32 @!p0 $0x100000, s0  }
0x145: {  	[sflag:s0] =	ssyncadd.tile.s32 @!p0 $0x1;
	_ =	shalt  }
.Lfunc_end2:
_tile_overlayer_lowered:
.L_overlay_start_2:
0x146: {  	(tag) =	ssettag $0x2  }
0x147: {  	s0 =	rddreg [dreg:$0x0];
	s2 =	stileid.u32  }
0x148: {  	s1 =	rddreg [dreg:$0x1];
	p0 =	sne.s32 s2, $0x0  }
0x149: {  	s3 =	rddreg [dreg:$0x2];
	[bflag:$0x3] =	sbarrier.arrive $0xFFFF;
	s2 =	simm.s32 @!p0 $0x1C07  }
0x14a: {  	[timem:s3], [sflag:s2] =	dma.local @!p0 [hbm:s0], s1  }
0x14b: {  	s0 =	simm.s32 @!p0 $0x7  }
0x14c: {  	_ =	swait.ge @!p0 [sflag:s0], s1  }
0x14d: {  	s1 =	ssub.s32 @!p0 $0x0, s1;
	[sflag:s0] =	ssyncset.done @!p0 $0x0  }
0x14e: {  	[sflag:s0] =	ssyncadd.s32 @!p0 s1  }
0x14f: {  	[bflag:$0x3] =	sbarrier.arrive $0xFFFF  }
0x150: {  	_ =	shalt  }

</sc_bundles>
